<compile_context>
chip_gen: v7x
topology: tpu7x:2x2x1
jax: 0.10.2.dev20260603
libtpu: 0.0.44.dev20260713+nightly
codegen_flags: <defaults>
</compile_context>

<pallas_src>
import functools

import jax
import jax.numpy as jnp
from jax import lax
from jax.experimental import pallas as pl
from jax.experimental.pallas import tpu as pltpu
from jax.experimental.pallas import tpu_sc as plsc

N = 50000
M = 100000
C = 5000
D = 256
EPS = 1.1920929e-07

NC, NS = 2, 16
NW = NC * NS
L = 16

C_PAD = 5120
ROWS_PER_TILE = C_PAD // NS

CH_A = 128
NFULL_A = M // CH_A
TAIL_A = M - NFULL_A * CH_A
AITER = (NFULL_A + 1 + NW - 1) // NW

CNTW = 128

CH_G = 128
NFULL_G = N // CH_G
TAIL_G = N - NFULL_G * CH_G
GITER = (NFULL_G + 1 + NW - 1) // NW

BIG = 1 << 30



RANGE = C_PAD // NW
SC_CH = 10000
NSCCH = M // SC_CH
MCAP = SC_CH + 2 * CH_A


def _seg_body(nodes_hbm, comps_hbm, psums_hbm, pcnts_hbm,
              acc_v, rows_v, cbuf_v, midx_v, mslot_v, cntr_v):
    cid = lax.axis_index("c")
    sid = lax.axis_index("s")
    wid = cid * NS + sid
    lo = wid * RANGE

    zero16 = jnp.zeros((L,), jnp.float32)
    zero16i = jnp.zeros((L,), jnp.int32)
    dummy16 = jnp.full((L,), RANGE, jnp.int32)
    lane = lax.broadcasted_iota(jnp.int32, (L,), 0)
    e0 = jnp.where(lane == 0, 1.0, 0.0).astype(jnp.float32)

    def zero_acc(i, _):
        for j in range((D + L) // L):
            acc_v[i, pl.ds(j * L, L)] = zero16
        return 0
    lax.fori_loop(0, RANGE + 1, zero_acc, 0)

    def zero_midx(i, _):
        midx_v[pl.ds(i * L, L)] = zero16i
        return 0
    lax.fori_loop(0, MCAP // L, zero_midx, 0)

    def scan_chunk(ch, _):
        cb = pl.multiple_of(ch * SC_CH, 8)
        pltpu.sync_copy(comps_hbm.at[pl.ds(cb, SC_CH)], cbuf_v)

        @plsc.parallel_loop(0, SC_CH // L, unroll=4, carry=jnp.int32(0))
        def scan_loop(tv, off):
            v = cbuf_v[pl.ds(tv * L, L)]
            m = (v >= lo) & (v < lo + RANGE)
            rowid = cb + tv * L + lane
            plsc.store_compressed(midx_v.at[pl.ds(off, L)], rowid, mask=m)
            plsc.store_compressed(mslot_v.at[pl.ds(off, L)], v - lo, mask=m)
            npc = plsc.all_reduce_population_count(m)
            return off + npc[0]
        off = scan_loop

        midx_v[pl.ds(off, L)] = zero16i
        mslot_v[pl.ds(off, L)] = dummy16
        nsub = (off + L - 1) // L
        ng = (off + CH_A - 1) // CH_A

        def group(g, _):
            g0 = g * CH_A
            pltpu.sync_copy(nodes_hbm.at[midx_v.at[pl.ds(g0, CH_A)]], rows_v)
            gsub = jnp.minimum(nsub - g * (CH_A // L), CH_A // L)

            @plsc.parallel_loop(0, gsub, unroll=2)
            def sub_loop(i2):
                sv = mslot_v[pl.ds(g0 + i2 * L, L)]
                for ln in range(L):
                    s = sv[ln]
                    for dj in range(1):
                        plsc.addupdate(acc_v.at[s, pl.ds(dj * L, L)],
                                       rows_v[i2 * L + ln, pl.ds(dj * L, L)])
                    plsc.addupdate(acc_v.at[s, pl.ds(D, L)], e0)
            return 0
        lax.fori_loop(0, ng, group, 0)
        return 0
    lax.fori_loop(0, NSCCH, scan_chunk, 0)

    cidx = jnp.full((L,), D, jnp.int32)

    def cnt_out(b, _):
        rowi = b * L + lane
        g = plsc.load_gather(acc_v, [rowi, cidx])
        cntr_v[pl.ds(b * L, L)] = g
        return 0
    lax.fori_loop(0, RANGE // L, cnt_out, 0)

    lo8 = pl.multiple_of(wid * RANGE, 8)
    pltpu.sync_copy(acc_v.at[pl.ds(0, RANGE), pl.ds(0, D)],
                    psums_hbm.at[pl.ds(lo8, RANGE)])
    pltpu.sync_copy(cntr_v.at[pl.ds(0, RANGE)], pcnts_hbm.at[pl.ds(lo8, RANGE)])


@functools.cache
def _seg_call():
    return pl.kernel(
        _seg_body,
        out_type=[jax.ShapeDtypeStruct((C_PAD, D), jnp.float32),
                  jax.ShapeDtypeStruct((C_PAD,), jnp.float32)],
        mesh=plsc.VectorSubcoreMesh(core_axis_name="c", subcore_axis_name="s",
                                    num_cores=NC, num_subcores=NS),
        compiler_params=pltpu.CompilerParams(needs_layout_passes=False),
        scratch_types=[
            pltpu.VMEM((RANGE + 1, D + L), jnp.float32),
            pltpu.VMEM((CH_A, D), jnp.float32),
            pltpu.VMEM((SC_CH,), jnp.int32),
            pltpu.VMEM((MCAP,), jnp.int32),
            pltpu.VMEM((MCAP,), jnp.int32),
            pltpu.VMEM((RANGE,), jnp.float32),
        ],
    )



CBLK = 1024


def _combine_body(psums_ref, pcntsb_ref, pcnts_ref, mean_ref, remap_ref):
    cnt2 = pcnts_ref[...]
    present = cnt2 > 0.0
    iota = lax.broadcasted_iota(jnp.int32, (1, C_PAD), 1)
    q = jnp.where(present, iota, BIG)
    k = 1
    while k < C_PAD:
        shifted = jnp.concatenate(
            [q[:, k:], jnp.full((1, k), BIG, jnp.int32)], axis=1)
        q = jnp.minimum(q, shifted)
        k *= 2
    maxp = jnp.max(jnp.where(present, iota, -1))
    remap_ref[...] = jnp.where(q < BIG, q, maxp)

    ps = psums_ref[...]
    denom = jnp.maximum(pcntsb_ref[...], 1.0)
    mean_ref[...] = ps / denom


def _combine_call(psums, pcnts):
    return pl.pallas_call(
        _combine_body,
        grid=(C_PAD // CBLK,),
        in_specs=[
            pl.BlockSpec((CBLK, D), lambda i: (i, 0)),
            pl.BlockSpec((CBLK, 1), lambda i: (i, 0)),
            pl.BlockSpec((1, C_PAD), lambda i: (0, 0)),
        ],
        out_specs=[
            pl.BlockSpec((CBLK, D), lambda i: (i, 0)),
            pl.BlockSpec((1, C_PAD), lambda i: (0, 0)),
        ],
        out_shape=[jax.ShapeDtypeStruct((C_PAD, D), jnp.float32),
                   jax.ShapeDtypeStruct((1, C_PAD), jnp.int32)],
    )(psums, pcnts.reshape(C_PAD, 1), pcnts.reshape(1, C_PAD))



def _gather_body(mean_hbm, remap_hbm, oc_hbm, corr_hbm,
                 remap_v, oc_v, rc_v, rows_v, oc_t, rc_t, rows_t):
    cid = lax.axis_index("c")
    sid = lax.axis_index("s")
    wid = cid * NS + sid

    pltpu.sync_copy(remap_hbm, remap_v)

    def chunk(j, _):
        k = wid + NW * j
        r0 = pl.multiple_of(k * CH_G, 8)

        @pl.when(k < NFULL_G)
        def _():
            pltpu.sync_copy(oc_hbm.at[pl.ds(r0, CH_G)], oc_v)
            for t in range(CH_G // L):
                idx16 = oc_v[pl.ds(t * L, L)]
                rc_v[pl.ds(t * L, L)] = plsc.load_gather(remap_v, [idx16])
            pltpu.sync_copy(mean_hbm.at[rc_v], rows_v)
            pltpu.sync_copy(rows_v, corr_hbm.at[pl.ds(r0, CH_G)])

        @pl.when(k == NFULL_G)
        def _():
            pltpu.sync_copy(oc_hbm.at[pl.ds(r0, TAIL_G)], oc_t)
            for t in range(TAIL_G // L):
                idx16 = oc_t[pl.ds(t * L, L)]
                rc_t[pl.ds(t * L, L)] = plsc.load_gather(remap_v, [idx16])
            pltpu.sync_copy(mean_hbm.at[rc_t], rows_t)
            pltpu.sync_copy(rows_t, corr_hbm.at[pl.ds(r0, TAIL_G)])
        return 0
    lax.fori_loop(0, GITER, chunk, 0)


@functools.cache
def _gather_call():
    return pl.kernel(
        _gather_body,
        out_type=jax.ShapeDtypeStruct((N, D), jnp.float32),
        compiler_params=pltpu.CompilerParams(needs_layout_passes=False),
        mesh=plsc.VectorSubcoreMesh(core_axis_name="c", subcore_axis_name="s",
                                    num_cores=NC, num_subcores=NS),
        scratch_types=[
            pltpu.VMEM((C_PAD,), jnp.int32),
            pltpu.VMEM((CH_G,), jnp.int32),
            pltpu.VMEM((CH_G,), jnp.int32),
            pltpu.VMEM((CH_G, D), jnp.float32),
            pltpu.VMEM((TAIL_G,), jnp.int32),
            pltpu.VMEM((TAIL_G,), jnp.int32),
            pltpu.VMEM((TAIL_G, D), jnp.float32),
        ],
    )



BN = 1000


def _dense_body(x_ref, c_ref, w1_ref, b1_ref, rms_ref, w2_ref, b2d_ref, out_ref):
    xb = x_ref[...]
    cb = c_ref[...]
    comb = jnp.concatenate([xb, cb], axis=1)
    h = lax.dot_general(comb, w1_ref[...],
                        (((1,), (1,)), ((), ())),
                        preferred_element_type=jnp.float32)
    h = h + b1_ref[...]
    h = h * (1.0 / (1.0 + jnp.exp(-h)))
    ms = jnp.mean(h * h, axis=1, keepdims=True)
    r = h * lax.rsqrt(ms + EPS) * rms_ref[...]
    ld = jnp.sum(r * w2_ref[...], axis=1, keepdims=True) + b2d_ref[...]
    g0 = 1.0 / (1.0 + jnp.exp(-ld))
    out_ref[...] = xb * g0 + cb * (1.0 - g0)


def _dense_call(x, corr, W1, b1r, rmsr, w2row, b2d):
    return pl.pallas_call(
        _dense_body,
        grid=(N // BN,),
        in_specs=[
            pl.BlockSpec((BN, D), lambda i: (i, 0)),
            pl.BlockSpec((BN, D), lambda i: (i, 0)),
            pl.BlockSpec((4 * D, 2 * D), lambda i: (0, 0)),
            pl.BlockSpec((1, 4 * D), lambda i: (0, 0)),
            pl.BlockSpec((1, 4 * D), lambda i: (0, 0)),
            pl.BlockSpec((1, 4 * D), lambda i: (0, 0)),
            pl.BlockSpec((1, 1), lambda i: (0, 0)),
        ],
        out_specs=pl.BlockSpec((BN, D), lambda i: (i, 0)),
        out_shape=jax.ShapeDtypeStruct((N, D), jnp.float32),
    )(x, corr, W1, b1r, rmsr, w2row, b2d)



def kernel(x, orig_comps, aggr_coords, aggr_nodes, aggr_comps, W1, b1, rms_w, W2, b2):
    del aggr_coords
    comps = aggr_comps.astype(jnp.int32)
    oc = orig_comps.astype(jnp.int32)

    psums, pcnts = _seg_call()(aggr_nodes, comps)
    mean, remap2 = _combine_call(psums, pcnts)
    corr = _gather_call()(mean, remap2.reshape(C_PAD), oc)

    w2row = (W2[0] - W2[1]).reshape(1, 4 * D)
    b2d = (b2[0] - b2[1]).reshape(1, 1)
    fused = _dense_call(x, corr, W1, b1.reshape(1, 4 * D),
                        rms_w.reshape(1, 4 * D), w2row, b2d)
    return fused

# --- scband reference (transcript-rebuilt; emitter-appended) ---
"""Pipeline reference for scband-graph-fusion-module-77884936946225 (READ-ONLY COPY).

The authoritative reference and input builder live on the scoring server;
editing this copy changes nothing except your own understanding.
"""

import jax, jax.numpy as jnp
import numpy as np

N, M, C, D = 50000, 100000, 5000, 256
EPS = 1.1920929e-07  # torch.finfo(float32).eps, nn.RMSNorm default

def setup_inputs(seed: int = 0) -> dict:
    key = jax.random.key(seed)
    ks = jax.random.split(key, 8)
    x = jax.random.normal(ks[0], (N, D), dtype=jnp.float32)
    orig_comps = jax.random.randint(ks[1], (N,), 0, C)
    aggr_coords = jax.random.normal(ks[2], (M, 3), dtype=jnp.float32)
    aggr_nodes = jax.random.normal(ks[3], (M, D), dtype=jnp.float32)
    aggr_comps = jax.random.randint(ks[4], (M,), 0, C)
    W1 = jax.random.normal(ks[5], (4 * D, 2 * D), dtype=jnp.float32) * (1.0 / np.sqrt(2 * D))
    b1 = jnp.zeros((4 * D,), dtype=jnp.float32)
    rms_w = jnp.ones((4 * D,), dtype=jnp.float32)
    W2 = jax.random.normal(ks[6], (2, 4 * D), dtype=jnp.float32) * (1.0 / np.sqrt(4 * D))
    b2 = jnp.zeros((2,), dtype=jnp.float32)
    return {"x": x, "orig_comps": orig_comps, "aggr_coords": aggr_coords,
            "aggr_nodes": aggr_nodes, "aggr_comps": aggr_comps,
            "W1": W1, "b1": b1, "rms_w": rms_w, "W2": W2, "b2": b2}

def reference(x, orig_comps, aggr_coords, aggr_nodes, aggr_comps, W1, b1, rms_w, W2, b2):
    # torch.unique(sorted=True, return_inverse=True)
    unique_comps, inverse = jnp.unique(aggr_comps, return_inverse=True, size=C, fill_value=C)
    nu = unique_comps.shape[0]
    # scatter_mean over components
    sums = jax.ops.segment_sum(aggr_nodes, inverse, num_segments=nu)
    counts = jax.ops.segment_sum(jnp.ones((aggr_nodes.shape[0],), dtype=aggr_nodes.dtype), inverse, num_segments=nu)
    mean_aggr = sums / jnp.maximum(counts, 1.0)[:, None]
    # searchsorted mapping orig component labels -> row of mean_aggr
    mapped = jnp.searchsorted(unique_comps, orig_comps)
    n_actual = jnp.count_nonzero(unique_comps != C)
    mapped = jnp.minimum(mapped, n_actual - 1)
    corr = jnp.take(mean_aggr, mapped, axis=0)
    # adaptive gating layer
    combined = jnp.concatenate([x, corr], axis=-1)
    h = combined @ W1.T + b1
    h = h * jax.nn.sigmoid(h)  # SiLU
    h = h / jnp.sqrt(jnp.mean(h * h, axis=-1, keepdims=True) + EPS) * rms_w  # RMSNorm
    logits = h @ W2.T + b2
    g = jax.nn.softmax(logits, axis=-1)
    fused = x * g[:, 0:1] + corr * g[:, 1:2]
    return fused

if __name__ == "__main__":
    import jax
    _d = setup_inputs()
    print(jax.jit(kernel)(*tuple(_d.values())))

</pallas_src>

<mosaic_0001>
#map = affine_map<(d0, d1) -> (0, 0)>
#map1 = affine_map<(d0, d1) -> (0)>
module attributes {stable_mosaic.version = 14 : i64} {
  func.func @_seg_body(%arg0: i32, %arg1: i32, %arg2: memref<100000x256xf32, #tpu.memory_space<hbm>>, %arg3: memref<100000xi32, #tpu.memory_space<hbm>>, %arg4: memref<5120x256xf32, #tpu.memory_space<hbm>>, %arg5: memref<5120xf32, #tpu.memory_space<hbm>>, %arg6: memref<161x272xf32, #tpu.memory_space<vmem>>, %arg7: memref<128x256xf32, #tpu.memory_space<vmem>>, %arg8: memref<10000xi32, #tpu.memory_space<vmem>>, %arg9: memref<10256xi32, #tpu.memory_space<vmem>>, %arg10: memref<10256xi32, #tpu.memory_space<vmem>>, %arg11: memref<160xf32, #tpu.memory_space<vmem>>) attributes {dimension_semantics = [#tpu.dimension_semantics<core_parallel>, #tpu.dimension_semantics<subcore_parallel>], iteration_bounds = array<i64: 2, 16>, scalar_prefetch = 0 : i64, scratch_operands = 6 : i64, tpu.core_type = #tpu.core_type<sc_vector_subcore>, window_params = [{transform_indices = #map}, {transform_indices = #map1}, {transform_indices = #map}, {transform_indices = #map1}]} {
    %mul3A = arith.constant 16 : i32
    %mul3A_0 = arith.muli %arg0, %mul3A : i32
    %add3A = arith.addi %mul3A_0, %arg1 : i32
    %mul3A_1 = arith.constant 160 : i32
    %mul3A_2 = arith.muli %add3A, %mul3A_1 : i32
    %broadcast_in_dim3A = arith.constant 0.000000e+00 : f32
    %broadcast_in_dim3A_3 = vector.broadcast %broadcast_in_dim3A : f32 to vector<16xf32>
    %broadcast_in_dim3A_4 = arith.constant 0 : i32
    %broadcast_in_dim3A_5 = vector.broadcast %broadcast_in_dim3A_4 : i32 to vector<16xi32>
    %broadcast_in_dim3A_6 = arith.constant 160 : i32
    %broadcast_in_dim3A_7 = vector.broadcast %broadcast_in_dim3A_6 : i32 to vector<16xi32>
    %iota3A = tpu.iota {dimensions = array<i32: 0>} : vector<16xi32>
    %eq3A = arith.constant 0 : i32
    %eq3A_8 = vector.broadcast %eq3A : i32 to vector<16xi32>
    %eq3A_9 = arith.cmpi eq, %iota3A, %eq3A_8 : vector<16xi32>
    %jit3A = arith.constant 1.000000e+00 : f32
    %jit3A_10 = arith.constant 0.000000e+00 : f32
    %broadcast_in_dim3A_11 = vector.broadcast %jit3A : f32 to vector<16xf32>
    %broadcast_in_dim3A_12 = vector.broadcast %jit3A_10 : f32 to vector<16xf32>
    %select_n3A = arith.select %eq3A_9, %broadcast_in_dim3A_11, %broadcast_in_dim3A_12 : vector<16xi1>, vector<16xf32>
    %scan3A = arith.constant 0 : i32
    %scan3A_13 = arith.constant 0 : i32
    %scan3A_14 = arith.constant 161 : i32
    %scan3A_15 = arith.addi %scan3A_13, %scan3A_14 : i32
    %scan3A_16 = arith.constant 1 : i32
    %scan3A_17 = scf.for %scan3A_44 = %scan3A_13 to %scan3A_15 step %scan3A_16 iter_args(%scan3A_45 = %scan3A) -> (i32)  : i32 {
      %swap3A = arith.index_cast %scan3A_44 : i32 to index
      %swap3A_46 = arith.constant 0 : index
      %swap3A_47 = tpu.vector_load %arg6[%swap3A, %swap3A_46] {strides = array<i32>} : memref<161x272xf32, #tpu.memory_space<vmem>>, vector<16xf32>,
      tpu.vector_store %arg6[%swap3A, %swap3A_46], %broadcast_in_dim3A_3 {strides = array<i32>} : memref<161x272xf32, #tpu.memory_space<vmem>>, vector<16xf32>,
      %swap3A_48 = arith.index_cast %scan3A_44 : i32 to index
      %swap3A_49 = arith.constant 16 : index
      %swap3A_50 = tpu.vector_load %arg6[%swap3A_48, %swap3A_49] {strides = array<i32>} : memref<161x272xf32, #tpu.memory_space<vmem>>, vector<16xf32>,
      tpu.vector_store %arg6[%swap3A_48, %swap3A_49], %broadcast_in_dim3A_3 {strides = array<i32>} : memref<161x272xf32, #tpu.memory_space<vmem>>, vector<16xf32>,
      %swap3A_51 = arith.index_cast %scan3A_44 : i32 to index
      %swap3A_52 = arith.constant 32 : index
      %swap3A_53 = tpu.vector_load %arg6[%swap3A_51, %swap3A_52] {strides = array<i32>} : memref<161x272xf32, #tpu.memory_space<vmem>>, vector<16xf32>,
      tpu.vector_store %arg6[%swap3A_51, %swap3A_52], %broadcast_in_dim3A_3 {strides = array<i32>} : memref<161x272xf32, #tpu.memory_space<vmem>>, vector<16xf32>,
      %swap3A_54 = arith.index_cast %scan3A_44 : i32 to index
      %swap3A_55 = arith.constant 48 : index
      %swap3A_56 = tpu.vector_load %arg6[%swap3A_54, %swap3A_55] {strides = array<i32>} : memref<161x272xf32, #tpu.memory_space<vmem>>, vector<16xf32>,
      tpu.vector_store %arg6[%swap3A_54, %swap3A_55], %broadcast_in_dim3A_3 {strides = array<i32>} : memref<161x272xf32, #tpu.memory_space<vmem>>, vector<16xf32>,
      %swap3A_57 = arith.index_cast %scan3A_44 : i32 to index
      %swap3A_58 = arith.constant 64 : index
      %swap3A_59 = tpu.vector_load %arg6[%swap3A_57, %swap3A_58] {strides = array<i32>} : memref<161x272xf32, #tpu.memory_space<vmem>>, vector<16xf32>,
      tpu.vector_store %arg6[%swap3A_57, %swap3A_58], %broadcast_in_dim3A_3 {strides = array<i32>} : memref<161x272xf32, #tpu.memory_space<vmem>>, vector<16xf32>,
      %swap3A_60 = arith.index_cast %scan3A_44 : i32 to index
      %swap3A_61 = arith.constant 80 : index
      %swap3A_62 = tpu.vector_load %arg6[%swap3A_60, %swap3A_61] {strides = array<i32>} : memref<161x272xf32, #tpu.memory_space<vmem>>, vector<16xf32>,
      tpu.vector_store %arg6[%swap3A_60, %swap3A_61], %broadcast_in_dim3A_3 {strides = array<i32>} : memref<161x272xf32, #tpu.memory_space<vmem>>, vector<16xf32>,
      %swap3A_63 = arith.index_cast %scan3A_44 : i32 to index
      %swap3A_64 = arith.constant 96 : index
      %swap3A_65 = tpu.vector_load %arg6[%swap3A_63, %swap3A_64] {strides = array<i32>} : memref<161x272xf32, #tpu.memory_space<vmem>>, vector<16xf32>,
      tpu.vector_store %arg6[%swap3A_63, %swap3A_64], %broadcast_in_dim3A_3 {strides = array<i32>} : memref<161x272xf32, #tpu.memory_space<vmem>>, vector<16xf32>,
      %swap3A_66 = arith.index_cast %scan3A_44 : i32 to index
      %swap3A_67 = arith.constant 112 : index
      %swap3A_68 = tpu.vector_load %arg6[%swap3A_66, %swap3A_67] {strides = array<i32>} : memref<161x272xf32, #tpu.memory_space<vmem>>, vector<16xf32>,
      tpu.vector_store %arg6[%swap3A_66, %swap3A_67], %broadcast_in_dim3A_3 {strides = array<i32>} : memref<161x272xf32, #tpu.memory_space<vmem>>, vector<16xf32>,
      %swap3A_69 = arith.index_cast %scan3A_44 : i32 to index
      %swap3A_70 = arith.constant 128 : index
      %swap3A_71 = tpu.vector_load %arg6[%swap3A_69, %swap3A_70] {strides = array<i32>} : memref<161x272xf32, #tpu.memory_space<vmem>>, vector<16xf32>,
      tpu.vector_store %arg6[%swap3A_69, %swap3A_70], %broadcast_in_dim3A_3 {strides = array<i32>} : memref<161x272xf32, #tpu.memory_space<vmem>>, vector<16xf32>,
      %swap3A_72 = arith.index_cast %scan3A_44 : i32 to index
      %swap3A_73 = arith.constant 144 : index
      %swap3A_74 = tpu.vector_load %arg6[%swap3A_72, %swap3A_73] {strides = array<i32>} : memref<161x272xf32, #tpu.memory_space<vmem>>, vector<16xf32>,
      tpu.vector_store %arg6[%swap3A_72, %swap3A_73], %broadcast_in_dim3A_3 {strides = array<i32>} : memref<161x272xf32, #tpu.memory_space<vmem>>, vector<16xf32>,
      %swap3A_75 = arith.index_cast %scan3A_44 : i32 to index
      %swap3A_76 = arith.constant 160 : index
      %swap3A_77 = tpu.vector_load %arg6[%swap3A_75, %swap3A_76] {strides = array<i32>} : memref<161x272xf32, #tpu.memory_space<vmem>>, vector<16xf32>,
      tpu.vector_store %arg6[%swap3A_75, %swap3A_76], %broadcast_in_dim3A_3 {strides = array<i32>} : memref<161x272xf32, #tpu.memory_space<vmem>>, vector<16xf32>,
      %swap3A_78 = arith.index_cast %scan3A_44 : i32 to index
      %swap3A_79 = arith.constant 176 : index
      %swap3A_80 = tpu.vector_load %arg6[%swap3A_78, %swap3A_79] {strides = array<i32>} : memref<161x272xf32, #tpu.memory_space<vmem>>, vector<16xf32>,
      tpu.vector_store %arg6[%swap3A_78, %swap3A_79], %broadcast_in_dim3A_3 {strides = array<i32>} : memref<161x272xf32, #tpu.memory_space<vmem>>, vector<16xf32>,
      %swap3A_81 = arith.index_cast %scan3A_44 : i32 to index
      %swap3A_82 = arith.constant 192 : index
      %swap3A_83 = tpu.vector_load %arg6[%swap3A_81, %swap3A_82] {strides = array<i32>} : memref<161x272xf32, #tpu.memory_space<vmem>>, vector<16xf32>,
      tpu.vector_store %arg6[%swap3A_81, %swap3A_82], %broadcast_in_dim3A_3 {strides = array<i32>} : memref<161x272xf32, #tpu.memory_space<vmem>>, vector<16xf32>,
      %swap3A_84 = arith.index_cast %scan3A_44 : i32 to index
      %swap3A_85 = arith.constant 208 : index
      %swap3A_86 = tpu.vector_load %arg6[%swap3A_84, %swap3A_85] {strides = array<i32>} : memref<161x272xf32, #tpu.memory_space<vmem>>, vector<16xf32>,
      tpu.vector_store %arg6[%swap3A_84, %swap3A_85], %broadcast_in_dim3A_3 {strides = array<i32>} : memref<161x272xf32, #tpu.memory_space<vmem>>, vector<16xf32>,
      %swap3A_87 = arith.index_cast %scan3A_44 : i32 to index
      %swap3A_88 = arith.constant 224 : index
      %swap3A_89 = tpu.vector_load %arg6[%swap3A_87, %swap3A_88] {strides = array<i32>} : memref<161x272xf32, #tpu.memory_space<vmem>>, vector<16xf32>,
      tpu.vector_store %arg6[%swap3A_87, %swap3A_88], %broadcast_in_dim3A_3 {strides = array<i32>} : memref<161x272xf32, #tpu.memory_space<vmem>>, vector<16xf32>,
      %swap3A_90 = arith.index_cast %scan3A_44 : i32 to index
      %swap3A_91 = arith.constant 240 : index
      %swap3A_92 = tpu.vector_load %arg6[%swap3A_90, %swap3A_91] {strides = array<i32>} : memref<161x272xf32, #tpu.memory_space<vmem>>, vector<16xf32>,
      tpu.vector_store %arg6[%swap3A_90, %swap3A_91], %broadcast_in_dim3A_3 {strides = array<i32>} : memref<161x272xf32, #tpu.memory_space<vmem>>, vector<16xf32>,
      %swap3A_93 = arith.index_cast %scan3A_44 : i32 to index
      %swap3A_94 = arith.constant 256 : index
      %swap3A_95 = tpu.vector_load %arg6[%swap3A_93, %swap3A_94] {strides = array<i32>} : memref<161x272xf32, #tpu.memory_space<vmem>>, vector<16xf32>,
      tpu.vector_store %arg6[%swap3A_93, %swap3A_94], %broadcast_in_dim3A_3 {strides = array<i32>} : memref<161x272xf32, #tpu.memory_space<vmem>>, vector<16xf32>,
      %scan3A_96 = arith.constant 0 : i32
      scf.yield %scan3A_96 : i32
    }
    %scan3A_18 = arith.constant 161 : i32
    %scan3A_19 = arith.constant 0 : i32
    %scan3A_20 = arith.constant 0 : i32
    %scan3A_21 = arith.constant 641 : i32
    %scan3A_22 = arith.addi %scan3A_20, %scan3A_21 : i32
    %scan3A_23 = arith.constant 1 : i32
    %scan3A_24 = scf.for %scan3A_44 = %scan3A_20 to %scan3A_22 step %scan3A_23 iter_args(%scan3A_45 = %scan3A_19) -> (i32)  : i32 {
      %mul3A_46 = arith.constant 16 : i32
      %mul3A_47 = arith.muli %scan3A_44, %mul3A_46 : i32
      %swap3A = arith.index_cast %mul3A_47 : i32 to index
      %swap3A_48 = tpu.vector_load %arg9[%swap3A] {strides = array<i32>} : memref<10256xi32, #tpu.memory_space<vmem>>, vector<16xi32>,
      tpu.vector_store %arg9[%swap3A], %broadcast_in_dim3A_5 {strides = array<i32>} : memref<10256xi32, #tpu.memory_space<vmem>>, vector<16xi32>,
      %scan3A_49 = arith.constant 0 : i32
      scf.yield %scan3A_49 : i32
    }
    %scan3A_25 = arith.constant 641 : i32
    %scan3A_26 = arith.constant 0 : i32
    %scan3A_27 = arith.constant 0 : i32
    %scan3A_28 = arith.constant 10 : i32
    %scan3A_29 = arith.addi %scan3A_27, %scan3A_28 : i32
    %scan3A_30 = arith.constant 1 : i32
    %scan3A_31 = scf.for %scan3A_44 = %scan3A_27 to %scan3A_29 step %scan3A_30 iter_args(%scan3A_45 = %scan3A_26) -> (i32)  : i32 {
      %mul3A_46 = arith.constant 10000 : i32
      %mul3A_47 = arith.muli %scan3A_44, %mul3A_46 : i32
      %multiple_of3A_48 = tpu.assume_multiple %mul3A_47, 8 : i32
      "tpu.region"() ({
        %run_scoped3A = tpu.sem_alloc : memref<!tpu.dma_semaphore, #tpu.memory_space<semaphore_mem>>
        %dma_start3A = tpu.memref_slice %arg3[%multiple_of3A_48] : memref<100000xi32, #tpu.memory_space<hbm>> -> memref<10000xi32, #tpu.memory_space<hbm>>
        %dma_start3A_118 = tpu.memref_slice %arg3[%multiple_of3A_48] : memref<100000xi32, #tpu.memory_space<hbm>> -> memref<10000xi32, #tpu.memory_space<hbm>>
        tpu.enqueue_dma source(%dma_start3A_118 : memref<10000xi32, #tpu.memory_space<hbm>>) target(%arg8 : memref<10000xi32, #tpu.memory_space<vmem>>) target_semaphore(%run_scoped3A : memref<!tpu.dma_semaphore, #tpu.memory_space<semaphore_mem>>)
        %dma_wait3A = tpu.memref_slice %arg3[%multiple_of3A_48] : memref<100000xi32, #tpu.memory_space<hbm>> -> memref<10000xi32, #tpu.memory_space<hbm>>
        %dma_wait3A_119 = tpu.memref_slice %arg3[%multiple_of3A_48] : memref<100000xi32, #tpu.memory_space<hbm>> -> memref<10000xi32, #tpu.memory_space<hbm>>
        tpu.wait_dma2 semaphore(%run_scoped3A : memref<!tpu.dma_semaphore, #tpu.memory_space<semaphore_mem>>) src(%dma_wait3A_119 : memref<10000xi32, #tpu.memory_space<hbm>>) dst(%arg8 : memref<10000xi32, #tpu.memory_space<vmem>>)
        tpu.yield
      }) : () -> ()
      %parallel_loop3A = arith.constant 0 : i32
      %parallel_loop3A_49 = arith.constant 625 : i32
      %parallel_loop3A_50 = arith.constant 1 : i32
      %parallel_loop3A_51 = arith.constant 0 : i32
      %parallel_loop3A_52 = scf.for %parallel_loop3A_118 = %parallel_loop3A to %parallel_loop3A_49 step %parallel_loop3A_50 iter_args(%parallel_loop3A_119 = %parallel_loop3A_51) -> (i32)  : i32 {
        %parallel_loop3A_120 = arith.constant 16 : i32
        %parallel_loop3A_121 = arith.muli %parallel_loop3A_118, %parallel_loop3A_120 : i32
        %parallel_loop3A_122 = arith.index_cast %parallel_loop3A_121 : i32 to index
        %parallel_loop3A_123 = tpu.vector_load %arg8[%parallel_loop3A_122] {strides = array<i32>} : memref<10000xi32, #tpu.memory_space<vmem>>, vector<16xi32>,
        %parallel_loop3A_124 = vector.broadcast %mul3A_2 : i32 to vector<16xi32>
        %parallel_loop3A_125 = arith.cmpi sge, %parallel_loop3A_123, %parallel_loop3A_124 : vector<16xi32>
        %parallel_loop3A_126 = arith.constant 160 : i32
        %parallel_loop3A_127 = arith.addi %mul3A_2, %parallel_loop3A_126 : i32
        %parallel_loop3A_128 = vector.broadcast %parallel_loop3A_127 : i32 to vector<16xi32>
        %parallel_loop3A_129 = arith.cmpi slt, %parallel_loop3A_123, %parallel_loop3A_128 : vector<16xi32>
        %parallel_loop3A_130 = arith.andi %parallel_loop3A_125, %parallel_loop3A_129 : vector<16xi1>
        %parallel_loop3A_131 = arith.constant 16 : i32
        %parallel_loop3A_132 = arith.muli %parallel_loop3A_118, %parallel_loop3A_131 : i32
        %parallel_loop3A_133 = arith.addi %multiple_of3A_48, %parallel_loop3A_132 : i32
        %parallel_loop3A_134 = vector.broadcast %parallel_loop3A_133 : i32 to vector<16xi32>
        %parallel_loop3A_135 = arith.addi %parallel_loop3A_134, %iota3A : vector<16xi32>
        %parallel_loop3A_136 = arith.index_cast %parallel_loop3A_119 : i32 to index
        %parallel_loop3A_137 = tpu.vector_load %arg9[%parallel_loop3A_136] masked %parallel_loop3A_130 {strides = array<i32>} : memref<10256xi32, #tpu.memory_space<vmem>>, vector<16xi32>, vector<16xi1>
        tpu.vector_store %arg9[%parallel_loop3A_136], %parallel_loop3A_135 masked %parallel_loop3A_130 {strides = array<i32>} : memref<10256xi32, #tpu.memory_space<vmem>>, vector<16xi32>, vector<16xi1>
        %parallel_loop3A_138 = vector.broadcast %mul3A_2 : i32 to vector<16xi32>
        %parallel_loop3A_139 = arith.subi %parallel_loop3A_123, %parallel_loop3A_138 : vector<16xi32>
        %parallel_loop3A_140 = arith.index_cast %parallel_loop3A_119 : i32 to index
        %parallel_loop3A_141 = tpu.vector_load %arg10[%parallel_loop3A_140] masked %parallel_loop3A_130 {strides = array<i32>} : memref<10256xi32, #tpu.memory_space<vmem>>, vector<16xi32>, vector<16xi1>
        tpu.vector_store %arg10[%parallel_loop3A_140], %parallel_loop3A_139 masked %parallel_loop3A_130 {strides = array<i32>} : memref<10256xi32, #tpu.memory_space<vmem>>, vector<16xi32>, vector<16xi1>
        %parallel_loop3A_142 = tpu.all_reduce %parallel_loop3A_130 {dim = 0 : i64, kind = #tpu.reduction_kind<sum>} : vector<16xi1> -> vector<16xi32>
        %parallel_loop3A_143 = vector.extract_strided_slice %parallel_loop3A_142 {offsets = [0], sizes = [1], strides = [1]} : vector<16xi32> to vector<1xi32>
        %parallel_loop3A_144 = vector.extract %parallel_loop3A_143[0] : i32 from vector<1xi32>
        %parallel_loop3A_145 = arith.addi %parallel_loop3A_119, %parallel_loop3A_144 : i32
        scf.yield %parallel_loop3A_145 : i32
      } {sc.loop_unroll_factor = 4 : i64, sc.parallel_access}
      %swap3A = arith.index_cast %parallel_loop3A_52 : i32 to index
      %swap3A_53 = tpu.vector_load %arg9[%swap3A] {strides = array<i32>} : memref<10256xi32, #tpu.memory_space<vmem>>, vector<16xi32>,
      tpu.vector_store %arg9[%swap3A], %broadcast_in_dim3A_5 {strides = array<i32>} : memref<10256xi32, #tpu.memory_space<vmem>>, vector<16xi32>,
      %swap3A_54 = arith.index_cast %parallel_loop3A_52 : i32 to index
      %swap3A_55 = tpu.vector_load %arg10[%swap3A_54] {strides = array<i32>} : memref<10256xi32, #tpu.memory_space<vmem>>, vector<16xi32>,
      tpu.vector_store %arg10[%swap3A_54], %broadcast_in_dim3A_7 {strides = array<i32>} : memref<10256xi32, #tpu.memory_space<vmem>>, vector<16xi32>,
      %add3A_56 = arith.constant 16 : i32
      %add3A_57 = arith.addi %parallel_loop3A_52, %add3A_56 : i32
      %sub3A = arith.constant 1 : i32
      %sub3A_58 = arith.subi %add3A_57, %sub3A : i32
      %jit3A_59 = arith.constant 16 : i32
      %div3A = arith.divsi %sub3A_58, %jit3A_59 : i32
      %sign3A = arith.constant 0 : i32
      %sign3A_60 = arith.cmpi sgt, %sub3A_58, %sign3A : i32
      %sign3A_61 = arith.extui %sign3A_60 : i1 to i32
      %sign3A_62 = arith.constant 0 : i32
      %sign3A_63 = arith.cmpi slt, %sub3A_58, %sign3A_62 : i32
      %sign3A_64 = arith.extui %sign3A_63 : i1 to i32
      %sign3A_65 = arith.subi %sign3A_61, %sign3A_64 : i32
      %sign3A_66 = arith.constant 0 : i32
      %sign3A_67 = arith.cmpi sgt, %jit3A_59, %sign3A_66 : i32
      %sign3A_68 = arith.extui %sign3A_67 : i1 to i32
      %sign3A_69 = arith.constant 0 : i32
      %sign3A_70 = arith.cmpi slt, %jit3A_59, %sign3A_69 : i32
      %sign3A_71 = arith.extui %sign3A_70 : i1 to i32
      %sign3A_72 = arith.subi %sign3A_68, %sign3A_71 : i32
      %ne3A = arith.cmpi ne, %sign3A_65, %sign3A_72 : i32
      %rem3A = arith.remsi %sub3A_58, %jit3A_59 : i32
      %ne3A_73 = arith.constant 0 : i32
      %ne3A_74 = arith.cmpi ne, %rem3A, %ne3A_73 : i32
      %and3A = arith.andi %ne3A, %ne3A_74 : i1
      %sub3A_75 = arith.constant 1 : i32
      %sub3A_76 = arith.subi %div3A, %sub3A_75 : i32
      %select_n3A_77 = arith.select %and3A, %sub3A_76, %div3A : i32
      %add3A_78 = arith.constant 128 : i32
      %add3A_79 = arith.addi %parallel_loop3A_52, %add3A_78 : i32
      %sub3A_80 = arith.constant 1 : i32
      %sub3A_81 = arith.subi %add3A_79, %sub3A_80 : i32
      %jit3A_82 = arith.constant 128 : i32
      %div3A_83 = arith.divsi %sub3A_81, %jit3A_82 : i32
      %sign3A_84 = arith.constant 0 : i32
      %sign3A_85 = arith.cmpi sgt, %sub3A_81, %sign3A_84 : i32
      %sign3A_86 = arith.extui %sign3A_85 : i1 to i32
      %sign3A_87 = arith.constant 0 : i32
      %sign3A_88 = arith.cmpi slt, %sub3A_81, %sign3A_87 : i32
      %sign3A_89 = arith.extui %sign3A_88 : i1 to i32
      %sign3A_90 = arith.subi %sign3A_86, %sign3A_89 : i32
      %sign3A_91 = arith.constant 0 : i32
      %sign3A_92 = arith.cmpi sgt, %jit3A_82, %sign3A_91 : i32
      %sign3A_93 = arith.extui %sign3A_92 : i1 to i32
      %sign3A_94 = arith.constant 0 : i32
      %sign3A_95 = arith.cmpi slt, %jit3A_82, %sign3A_94 : i32
      %sign3A_96 = arith.extui %sign3A_95 : i1 to i32
      %sign3A_97 = arith.subi %sign3A_93, %sign3A_96 : i32
      %ne3A_98 = arith.cmpi ne, %sign3A_90, %sign3A_97 : i32
      %rem3A_99 = arith.remsi %sub3A_81, %jit3A_82 : i32
      %ne3A_100 = arith.constant 0 : i32
      %ne3A_101 = arith.cmpi ne, %rem3A_99, %ne3A_100 : i32
      %and3A_102 = arith.andi %ne3A_98, %ne3A_101 : i1
      %sub3A_103 = arith.constant 1 : i32
      %sub3A_104 = arith.subi %div3A_83, %sub3A_103 : i32
      %select_n3A_105 = arith.select %and3A_102, %sub3A_104, %div3A_83 : i32
      %while3A = arith.constant 0 : i32
      %while3A_106 = arith.constant 0 : i32
      %while3A_107 = arith.subi %select_n3A_105, %while3A : i32
      %while3A_108 = arith.addi %while3A, %while3A_107 : i32
      %while3A_109 = arith.constant 1 : i32
      %while3A_110 = arith.divsi %while3A_107, %while3A_109 : i32
      %while3A_111 = arith.muli %while3A_110, %while3A_109 : i32
      %while3A_112 = arith.addi %while3A, %while3A_111 : i32
      %while3A_113 = arith.constant 1 : i32
      %while3A_114 = scf.for %while3A_118 = %while3A to %while3A_112 step %while3A_113 iter_args(%while3A_119 = %while3A_106) -> (i32)  : i32 {
        %mul3A_120 = arith.constant 128 : i32
        %mul3A_121 = arith.muli %while3A_118, %mul3A_120 : i32
        "tpu.region"() ({
          %run_scoped3A = tpu.sem_alloc : memref<!tpu.dma_semaphore, #tpu.memory_space<semaphore_mem>>
          %dma_start3A = tpu.memref_slice %arg9[%mul3A_121] : memref<10256xi32, #tpu.memory_space<vmem>> -> memref<128xi32, #tpu.memory_space<vmem>>
          %dma_start3A_129 = arith.constant 0 : i32
          %dma_start3A_130 = arith.constant 0 : i32
          %dma_start3A_131 = tpu.memref_slice %arg2[%dma_start3A_129, %dma_start3A_130] : memref<100000x256xf32, #tpu.memory_space<hbm>> -> memref<100000x256xf32, #tpu.memory_space<hbm>>
          tpu.enqueue_indirect_dma source(%dma_start3A_131 : memref<100000x256xf32, #tpu.memory_space<hbm>>) target(%arg7 : memref<128x256xf32, #tpu.memory_space<vmem>>) offsets(%dma_start3A : memref<128xi32, #tpu.memory_space<vmem>>) semaphore(%run_scoped3A : memref<!tpu.dma_semaphore, #tpu.memory_space<semaphore_mem>>)
          %dma_wait3A = tpu.memref_slice %arg9[%mul3A_121] : memref<10256xi32, #tpu.memory_space<vmem>> -> memref<128xi32, #tpu.memory_space<vmem>>
          %dma_wait3A_132 = arith.constant 0 : i32
          %dma_wait3A_133 = arith.constant 0 : i32
          %dma_wait3A_134 = tpu.memref_slice %arg2[%dma_wait3A_132, %dma_wait3A_133] : memref<100000x256xf32, #tpu.memory_space<hbm>> -> memref<100000x256xf32, #tpu.memory_space<hbm>>
          tpu.wait_indirect_dma semaphore(%run_scoped3A : memref<!tpu.dma_semaphore, #tpu.memory_space<semaphore_mem>>) src(%dma_wait3A_134 : memref<100000x256xf32, #tpu.memory_space<hbm>>) dst(%arg7 : memref<128x256xf32, #tpu.memory_space<vmem>>)
          tpu.yield
        }) : () -> ()
        %mul3A_122 = arith.constant 8 : i32
        %mul3A_123 = arith.muli %while3A_118, %mul3A_122 : i32
        %sub3A_124 = arith.subi %select_n3A_77, %mul3A_123 : i32
        %min3A = arith.constant 8 : i32
        %min3A_125 = arith.minsi %sub3A_124, %min3A : i32
        %parallel_loop3A_126 = arith.constant 0 : i32
        %parallel_loop3A_127 = arith.constant 1 : i32
        scf.for %parallel_loop3A_129 = %parallel_loop3A_126 to %min3A_125 step %parallel_loop3A_127  : i32 {
          %parallel_loop3A_130 = arith.constant 16 : i32
          %parallel_loop3A_131 = arith.muli %parallel_loop3A_129, %parallel_loop3A_130 : i32
          %parallel_loop3A_132 = arith.addi %mul3A_121, %parallel_loop3A_131 : i32
          %parallel_loop3A_133 = arith.index_cast %parallel_loop3A_132 : i32 to index
          %parallel_loop3A_134 = tpu.vector_load %arg10[%parallel_loop3A_133] {strides = array<i32>} : memref<10256xi32, #tpu.memory_space<vmem>>, vector<16xi32>,
          %parallel_loop3A_135 = vector.extract_strided_slice %parallel_loop3A_134 {offsets = [0], sizes = [1], strides = [1]} : vector<16xi32> to vector<1xi32>
          %parallel_loop3A_136 = vector.extract %parallel_loop3A_135[0] : i32 from vector<1xi32>
          %parallel_loop3A_137 = arith.constant 16 : i32
          %parallel_loop3A_138 = arith.muli %parallel_loop3A_129, %parallel_loop3A_137 : i32
          %parallel_loop3A_139 = arith.constant 0 : i32
          %parallel_loop3A_140 = arith.addi %parallel_loop3A_138, %parallel_loop3A_139 : i32
          %parallel_loop3A_141 = arith.index_cast %parallel_loop3A_140 : i32 to index
          %parallel_loop3A_142 = arith.constant 0 : index
          %parallel_loop3A_143 = tpu.vector_load %arg7[%parallel_loop3A_141, %parallel_loop3A_142] {strides = array<i32>} : memref<128x256xf32, #tpu.memory_space<vmem>>, vector<16xf32>,
          %parallel_loop3A_144 = arith.index_cast %parallel_loop3A_136 : i32 to index
          %parallel_loop3A_145 = arith.constant 0 : index
          %parallel_loop3A_146 = tpu.vector_load %arg6[%parallel_loop3A_144, %parallel_loop3A_145] {strides = array<i32>} : memref<161x272xf32, #tpu.memory_space<vmem>>, vector<16xf32>,
          tpu.vector_store %arg6[%parallel_loop3A_144, %parallel_loop3A_145], %parallel_loop3A_143 {add = true, strides = array<i32>} : memref<161x272xf32, #tpu.memory_space<vmem>>, vector<16xf32>,
          %parallel_loop3A_147 = arith.index_cast %parallel_loop3A_136 : i32 to index
          %parallel_loop3A_148 = arith.constant 256 : index
          %parallel_loop3A_149 = tpu.vector_load %arg6[%parallel_loop3A_147, %parallel_loop3A_148] {strides = array<i32>} : memref<161x272xf32, #tpu.memory_space<vmem>>, vector<16xf32>,
          tpu.vector_store %arg6[%parallel_loop3A_147, %parallel_loop3A_148], %select_n3A {add = true, strides = array<i32>} : memref<161x272xf32, #tpu.memory_space<vmem>>, vector<16xf32>,
          %parallel_loop3A_150 = vector.extract_strided_slice %parallel_loop3A_134 {offsets = [1], sizes = [1], strides = [1]} : vector<16xi32> to vector<1xi32>
          %parallel_loop3A_151 = vector.extract %parallel_loop3A_150[0] : i32 from vector<1xi32>
          %parallel_loop3A_152 = arith.constant 16 : i32
          %parallel_loop3A_153 = arith.muli %parallel_loop3A_129, %parallel_loop3A_152 : i32
          %parallel_loop3A_154 = arith.constant 1 : i32
          %parallel_loop3A_155 = arith.addi %parallel_loop3A_153, %parallel_loop3A_154 : i32
          %parallel_loop3A_156 = arith.index_cast %parallel_loop3A_155 : i32 to index
          %parallel_loop3A_157 = arith.constant 0 : index
          %parallel_loop3A_158 = tpu.vector_load %arg7[%parallel_loop3A_156, %parallel_loop3A_157] {strides = array<i32>} : memref<128x256xf32, #tpu.memory_space<vmem>>, vector<16xf32>,
          %parallel_loop3A_159 = arith.index_cast %parallel_loop3A_151 : i32 to index
          %parallel_loop3A_160 = arith.constant 0 : index
          %parallel_loop3A_161 = tpu.vector_load %arg6[%parallel_loop3A_159, %parallel_loop3A_160] {strides = array<i32>} : memref<161x272xf32, #tpu.memory_space<vmem>>, vector<16xf32>,
          tpu.vector_store %arg6[%parallel_loop3A_159, %parallel_loop3A_160], %parallel_loop3A_158 {add = true, strides = array<i32>} : memref<161x272xf32, #tpu.memory_space<vmem>>, vector<16xf32>,
          %parallel_loop3A_162 = arith.index_cast %parallel_loop3A_151 : i32 to index
          %parallel_loop3A_163 = arith.constant 256 : index
          %parallel_loop3A_164 = tpu.vector_load %arg6[%parallel_loop3A_162, %parallel_loop3A_163] {strides = array<i32>} : memref<161x272xf32, #tpu.memory_space<vmem>>, vector<16xf32>,
          tpu.vector_store %arg6[%parallel_loop3A_162, %parallel_loop3A_163], %select_n3A {add = true, strides = array<i32>} : memref<161x272xf32, #tpu.memory_space<vmem>>, vector<16xf32>,
          %parallel_loop3A_165 = vector.extract_strided_slice %parallel_loop3A_134 {offsets = [2], sizes = [1], strides = [1]} : vector<16xi32> to vector<1xi32>
          %parallel_loop3A_166 = vector.extract %parallel_loop3A_165[0] : i32 from vector<1xi32>
          %parallel_loop3A_167 = arith.constant 16 : i32
          %parallel_loop3A_168 = arith.muli %parallel_loop3A_129, %parallel_loop3A_167 : i32
          %parallel_loop3A_169 = arith.constant 2 : i32
          %parallel_loop3A_170 = arith.addi %parallel_loop3A_168, %parallel_loop3A_169 : i32
          %parallel_loop3A_171 = arith.index_cast %parallel_loop3A_170 : i32 to index
          %parallel_loop3A_172 = arith.constant 0 : index
          %parallel_loop3A_173 = tpu.vector_load %arg7[%parallel_loop3A_171, %parallel_loop3A_172] {strides = array<i32>} : memref<128x256xf32, #tpu.memory_space<vmem>>, vector<16xf32>,
          %parallel_loop3A_174 = arith.index_cast %parallel_loop3A_166 : i32 to index
          %parallel_loop3A_175 = arith.constant 0 : index
          %parallel_loop3A_176 = tpu.vector_load %arg6[%parallel_loop3A_174, %parallel_loop3A_175] {strides = array<i32>} : memref<161x272xf32, #tpu.memory_space<vmem>>, vector<16xf32>,
          tpu.vector_store %arg6[%parallel_loop3A_174, %parallel_loop3A_175], %parallel_loop3A_173 {add = true, strides = array<i32>} : memref<161x272xf32, #tpu.memory_space<vmem>>, vector<16xf32>,
          %parallel_loop3A_177 = arith.index_cast %parallel_loop3A_166 : i32 to index
          %parallel_loop3A_178 = arith.constant 256 : index
          %parallel_loop3A_179 = tpu.vector_load %arg6[%parallel_loop3A_177, %parallel_loop3A_178] {strides = array<i32>} : memref<161x272xf32, #tpu.memory_space<vmem>>, vector<16xf32>,
          tpu.vector_store %arg6[%parallel_loop3A_177, %parallel_loop3A_178], %select_n3A {add = true, strides = array<i32>} : memref<161x272xf32, #tpu.memory_space<vmem>>, vector<16xf32>,
          %parallel_loop3A_180 = vector.extract_strided_slice %parallel_loop3A_134 {offsets = [3], sizes = [1], strides = [1]} : vector<16xi32> to vector<1xi32>
          %parallel_loop3A_181 = vector.extract %parallel_loop3A_180[0] : i32 from vector<1xi32>
          %parallel_loop3A_182 = arith.constant 16 : i32
          %parallel_loop3A_183 = arith.muli %parallel_loop3A_129, %parallel_loop3A_182 : i32
          %parallel_loop3A_184 = arith.constant 3 : i32
          %parallel_loop3A_185 = arith.addi %parallel_loop3A_183, %parallel_loop3A_184 : i32
          %parallel_loop3A_186 = arith.index_cast %parallel_loop3A_185 : i32 to index
          %parallel_loop3A_187 = arith.constant 0 : index
          %parallel_loop3A_188 = tpu.vector_load %arg7[%parallel_loop3A_186, %parallel_loop3A_187] {strides = array<i32>} : memref<128x256xf32, #tpu.memory_space<vmem>>, vector<16xf32>,
          %parallel_loop3A_189 = arith.index_cast %parallel_loop3A_181 : i32 to index
          %parallel_loop3A_190 = arith.constant 0 : index
          %parallel_loop3A_191 = tpu.vector_load %arg6[%parallel_loop3A_189, %parallel_loop3A_190] {strides = array<i32>} : memref<161x272xf32, #tpu.memory_space<vmem>>, vector<16xf32>,
          tpu.vector_store %arg6[%parallel_loop3A_189, %parallel_loop3A_190], %parallel_loop3A_188 {add = true, strides = array<i32>} : memref<161x272xf32, #tpu.memory_space<vmem>>, vector<16xf32>,
          %parallel_loop3A_192 = arith.index_cast %parallel_loop3A_181 : i32 to index
          %parallel_loop3A_193 = arith.constant 256 : index
          %parallel_loop3A_194 = tpu.vector_load %arg6[%parallel_loop3A_192, %parallel_loop3A_193] {strides = array<i32>} : memref<161x272xf32, #tpu.memory_space<vmem>>, vector<16xf32>,
          tpu.vector_store %arg6[%parallel_loop3A_192, %parallel_loop3A_193], %select_n3A {add = true, strides = array<i32>} : memref<161x272xf32, #tpu.memory_space<vmem>>, vector<16xf32>,
          %parallel_loop3A_195 = vector.extract_strided_slice %parallel_loop3A_134 {offsets = [4], sizes = [1], strides = [1]} : vector<16xi32> to vector<1xi32>
          %parallel_loop3A_196 = vector.extract %parallel_loop3A_195[0] : i32 from vector<1xi32>
          %parallel_loop3A_197 = arith.constant 16 : i32
          %parallel_loop3A_198 = arith.muli %parallel_loop3A_129, %parallel_loop3A_197 : i32
          %parallel_loop3A_199 = arith.constant 4 : i32
          %parallel_loop3A_200 = arith.addi %parallel_loop3A_198, %parallel_loop3A_199 : i32
          %parallel_loop3A_201 = arith.index_cast %parallel_loop3A_200 : i32 to index
          %parallel_loop3A_202 = arith.constant 0 : index
          %parallel_loop3A_203 = tpu.vector_load %arg7[%parallel_loop3A_201, %parallel_loop3A_202] {strides = array<i32>} : memref<128x256xf32, #tpu.memory_space<vmem>>, vector<16xf32>,
          %parallel_loop3A_204 = arith.index_cast %parallel_loop3A_196 : i32 to index
          %parallel_loop3A_205 = arith.constant 0 : index
          %parallel_loop3A_206 = tpu.vector_load %arg6[%parallel_loop3A_204, %parallel_loop3A_205] {strides = array<i32>} : memref<161x272xf32, #tpu.memory_space<vmem>>, vector<16xf32>,
          tpu.vector_store %arg6[%parallel_loop3A_204, %parallel_loop3A_205], %parallel_loop3A_203 {add = true, strides = array<i32>} : memref<161x272xf32, #tpu.memory_space<vmem>>, vector<16xf32>,
          %parallel_loop3A_207 = arith.index_cast %parallel_loop3A_196 : i32 to index
          %parallel_loop3A_208 = arith.constant 256 : index
          %parallel_loop3A_209 = tpu.vector_load %arg6[%parallel_loop3A_207, %parallel_loop3A_208] {strides = array<i32>} : memref<161x272xf32, #tpu.memory_space<vmem>>, vector<16xf32>,
          tpu.vector_store %arg6[%parallel_loop3A_207, %parallel_loop3A_208], %select_n3A {add = true, strides = array<i32>} : memref<161x272xf32, #tpu.memory_space<vmem>>, vector<16xf32>,
          %parallel_loop3A_210 = vector.extract_strided_slice %parallel_loop3A_134 {offsets = [5], sizes = [1], strides = [1]} : vector<16xi32> to vector<1xi32>
          %parallel_loop3A_211 = vector.extract %parallel_loop3A_210[0] : i32 from vector<1xi32>
          %parallel_loop3A_212 = arith.constant 16 : i32
          %parallel_loop3A_213 = arith.muli %parallel_loop3A_129, %parallel_loop3A_212 : i32
          %parallel_loop3A_214 = arith.constant 5 : i32
          %parallel_loop3A_215 = arith.addi %parallel_loop3A_213, %parallel_loop3A_214 : i32
          %parallel_loop3A_216 = arith.index_cast %parallel_loop3A_215 : i32 to index
          %parallel_loop3A_217 = arith.constant 0 : index
          %parallel_loop3A_218 = tpu.vector_load %arg7[%parallel_loop3A_216, %parallel_loop3A_217] {strides = array<i32>} : memref<128x256xf32, #tpu.memory_space<vmem>>, vector<16xf32>,
          %parallel_loop3A_219 = arith.index_cast %parallel_loop3A_211 : i32 to index
          %parallel_loop3A_220 = arith.constant 0 : index
          %parallel_loop3A_221 = tpu.vector_load %arg6[%parallel_loop3A_219, %parallel_loop3A_220] {strides = array<i32>} : memref<161x272xf32, #tpu.memory_space<vmem>>, vector<16xf32>,
          tpu.vector_store %arg6[%parallel_loop3A_219, %parallel_loop3A_220], %parallel_loop3A_218 {add = true, strides = array<i32>} : memref<161x272xf32, #tpu.memory_space<vmem>>, vector<16xf32>,
          %parallel_loop3A_222 = arith.index_cast %parallel_loop3A_211 : i32 to index
          %parallel_loop3A_223 = arith.constant 256 : index
          %parallel_loop3A_224 = tpu.vector_load %arg6[%parallel_loop3A_222, %parallel_loop3A_223] {strides = array<i32>} : memref<161x272xf32, #tpu.memory_space<vmem>>, vector<16xf32>,
          tpu.vector_store %arg6[%parallel_loop3A_222, %parallel_loop3A_223], %select_n3A {add = true, strides = array<i32>} : memref<161x272xf32, #tpu.memory_space<vmem>>, vector<16xf32>,
          %parallel_loop3A_225 = vector.extract_strided_slice %parallel_loop3A_134 {offsets = [6], sizes = [1], strides = [1]} : vector<16xi32> to vector<1xi32>
          %parallel_loop3A_226 = vector.extract %parallel_loop3A_225[0] : i32 from vector<1xi32>
          %parallel_loop3A_227 = arith.constant 16 : i32
          %parallel_loop3A_228 = arith.muli %parallel_loop3A_129, %parallel_loop3A_227 : i32
          %parallel_loop3A_229 = arith.constant 6 : i32
          %parallel_loop3A_230 = arith.addi %parallel_loop3A_228, %parallel_loop3A_229 : i32
          %parallel_loop3A_231 = arith.index_cast %parallel_loop3A_230 : i32 to index
          %parallel_loop3A_232 = arith.constant 0 : index
          %parallel_loop3A_233 = tpu.vector_load %arg7[%parallel_loop3A_231, %parallel_loop3A_232] {strides = array<i32>} : memref<128x256xf32, #tpu.memory_space<vmem>>, vector<16xf32>,
          %parallel_loop3A_234 = arith.index_cast %parallel_loop3A_226 : i32 to index
          %parallel_loop3A_235 = arith.constant 0 : index
          %parallel_loop3A_236 = tpu.vector_load %arg6[%parallel_loop3A_234, %parallel_loop3A_235] {strides = array<i32>} : memref<161x272xf32, #tpu.memory_space<vmem>>, vector<16xf32>,
          tpu.vector_store %arg6[%parallel_loop3A_234, %parallel_loop3A_235], %parallel_loop3A_233 {add = true, strides = array<i32>} : memref<161x272xf32, #tpu.memory_space<vmem>>, vector<16xf32>,
          %parallel_loop3A_237 = arith.index_cast %parallel_loop3A_226 : i32 to index
          %parallel_loop3A_238 = arith.constant 256 : index
          %parallel_loop3A_239 = tpu.vector_load %arg6[%parallel_loop3A_237, %parallel_loop3A_238] {strides = array<i32>} : memref<161x272xf32, #tpu.memory_space<vmem>>, vector<16xf32>,
          tpu.vector_store %arg6[%parallel_loop3A_237, %parallel_loop3A_238], %select_n3A {add = true, strides = array<i32>} : memref<161x272xf32, #tpu.memory_space<vmem>>, vector<16xf32>,
          %parallel_loop3A_240 = vector.extract_strided_slice %parallel_loop3A_134 {offsets = [7], sizes = [1], strides = [1]} : vector<16xi32> to vector<1xi32>
          %parallel_loop3A_241 = vector.extract %parallel_loop3A_240[0] : i32 from vector<1xi32>
          %parallel_loop3A_242 = arith.constant 16 : i32
          %parallel_loop3A_243 = arith.muli %parallel_loop3A_129, %parallel_loop3A_242 : i32
          %parallel_loop3A_244 = arith.constant 7 : i32
          %parallel_loop3A_245 = arith.addi %parallel_loop3A_243, %parallel_loop3A_244 : i32
          %parallel_loop3A_246 = arith.index_cast %parallel_loop3A_245 : i32 to index
          %parallel_loop3A_247 = arith.constant 0 : index
          %parallel_loop3A_248 = tpu.vector_load %arg7[%parallel_loop3A_246, %parallel_loop3A_247] {strides = array<i32>} : memref<128x256xf32, #tpu.memory_space<vmem>>, vector<16xf32>,
          %parallel_loop3A_249 = arith.index_cast %parallel_loop3A_241 : i32 to index
          %parallel_loop3A_250 = arith.constant 0 : index
          %parallel_loop3A_251 = tpu.vector_load %arg6[%parallel_loop3A_249, %parallel_loop3A_250] {strides = array<i32>} : memref<161x272xf32, #tpu.memory_space<vmem>>, vector<16xf32>,
          tpu.vector_store %arg6[%parallel_loop3A_249, %parallel_loop3A_250], %parallel_loop3A_248 {add = true, strides = array<i32>} : memref<161x272xf32, #tpu.memory_space<vmem>>, vector<16xf32>,
          %parallel_loop3A_252 = arith.index_cast %parallel_loop3A_241 : i32 to index
          %parallel_loop3A_253 = arith.constant 256 : index
          %parallel_loop3A_254 = tpu.vector_load %arg6[%parallel_loop3A_252, %parallel_loop3A_253] {strides = array<i32>} : memref<161x272xf32, #tpu.memory_space<vmem>>, vector<16xf32>,
          tpu.vector_store %arg6[%parallel_loop3A_252, %parallel_loop3A_253], %select_n3A {add = true, strides = array<i32>} : memref<161x272xf32, #tpu.memory_space<vmem>>, vector<16xf32>,
          %parallel_loop3A_255 = vector.extract_strided_slice %parallel_loop3A_134 {offsets = [8], sizes = [1], strides = [1]} : vector<16xi32> to vector<1xi32>
          %parallel_loop3A_256 = vector.extract %parallel_loop3A_255[0] : i32 from vector<1xi32>
          %parallel_loop3A_257 = arith.constant 16 : i32
          %parallel_loop3A_258 = arith.muli %parallel_loop3A_129, %parallel_loop3A_257 : i32
          %parallel_loop3A_259 = arith.constant 8 : i32
          %parallel_loop3A_260 = arith.addi %parallel_loop3A_258, %parallel_loop3A_259 : i32
          %parallel_loop3A_261 = arith.index_cast %parallel_loop3A_260 : i32 to index
          %parallel_loop3A_262 = arith.constant 0 : index
          %parallel_loop3A_263 = tpu.vector_load %arg7[%parallel_loop3A_261, %parallel_loop3A_262] {strides = array<i32>} : memref<128x256xf32, #tpu.memory_space<vmem>>, vector<16xf32>,
          %parallel_loop3A_264 = arith.index_cast %parallel_loop3A_256 : i32 to index
          %parallel_loop3A_265 = arith.constant 0 : index
          %parallel_loop3A_266 = tpu.vector_load %arg6[%parallel_loop3A_264, %parallel_loop3A_265] {strides = array<i32>} : memref<161x272xf32, #tpu.memory_space<vmem>>, vector<16xf32>,
          tpu.vector_store %arg6[%parallel_loop3A_264, %parallel_loop3A_265], %parallel_loop3A_263 {add = true, strides = array<i32>} : memref<161x272xf32, #tpu.memory_space<vmem>>, vector<16xf32>,
          %parallel_loop3A_267 = arith.index_cast %parallel_loop3A_256 : i32 to index
          %parallel_loop3A_268 = arith.constant 256 : index
          %parallel_loop3A_269 = tpu.vector_load %arg6[%parallel_loop3A_267, %parallel_loop3A_268] {strides = array<i32>} : memref<161x272xf32, #tpu.memory_space<vmem>>, vector<16xf32>,
          tpu.vector_store %arg6[%parallel_loop3A_267, %parallel_loop3A_268], %select_n3A {add = true, strides = array<i32>} : memref<161x272xf32, #tpu.memory_space<vmem>>, vector<16xf32>,
          %parallel_loop3A_270 = vector.extract_strided_slice %parallel_loop3A_134 {offsets = [9], sizes = [1], strides = [1]} : vector<16xi32> to vector<1xi32>
          %parallel_loop3A_271 = vector.extract %parallel_loop3A_270[0] : i32 from vector<1xi32>
          %parallel_loop3A_272 = arith.constant 16 : i32
          %parallel_loop3A_273 = arith.muli %parallel_loop3A_129, %parallel_loop3A_272 : i32
          %parallel_loop3A_274 = arith.constant 9 : i32
          %parallel_loop3A_275 = arith.addi %parallel_loop3A_273, %parallel_loop3A_274 : i32
          %parallel_loop3A_276 = arith.index_cast %parallel_loop3A_275 : i32 to index
          %parallel_loop3A_277 = arith.constant 0 : index
          %parallel_loop3A_278 = tpu.vector_load %arg7[%parallel_loop3A_276, %parallel_loop3A_277] {strides = array<i32>} : memref<128x256xf32, #tpu.memory_space<vmem>>, vector<16xf32>,
          %parallel_loop3A_279 = arith.index_cast %parallel_loop3A_271 : i32 to index
          %parallel_loop3A_280 = arith.constant 0 : index
          %parallel_loop3A_281 = tpu.vector_load %arg6[%parallel_loop3A_279, %parallel_loop3A_280] {strides = array<i32>} : memref<161x272xf32, #tpu.memory_space<vmem>>, vector<16xf32>,
          tpu.vector_store %arg6[%parallel_loop3A_279, %parallel_loop3A_280], %parallel_loop3A_278 {add = true, strides = array<i32>} : memref<161x272xf32, #tpu.memory_space<vmem>>, vector<16xf32>,
          %parallel_loop3A_282 = arith.index_cast %parallel_loop3A_271 : i32 to index
          %parallel_loop3A_283 = arith.constant 256 : index
          %parallel_loop3A_284 = tpu.vector_load %arg6[%parallel_loop3A_282, %parallel_loop3A_283] {strides = array<i32>} : memref<161x272xf32, #tpu.memory_space<vmem>>, vector<16xf32>,
          tpu.vector_store %arg6[%parallel_loop3A_282, %parallel_loop3A_283], %select_n3A {add = true, strides = array<i32>} : memref<161x272xf32, #tpu.memory_space<vmem>>, vector<16xf32>,
          %parallel_loop3A_285 = vector.extract_strided_slice %parallel_loop3A_134 {offsets = [10], sizes = [1], strides = [1]} : vector<16xi32> to vector<1xi32>
          %parallel_loop3A_286 = vector.extract %parallel_loop3A_285[0] : i32 from vector<1xi32>
          %parallel_loop3A_287 = arith.constant 16 : i32
          %parallel_loop3A_288 = arith.muli %parallel_loop3A_129, %parallel_loop3A_287 : i32
          %parallel_loop3A_289 = arith.constant 10 : i32
          %parallel_loop3A_290 = arith.addi %parallel_loop3A_288, %parallel_loop3A_289 : i32
          %parallel_loop3A_291 = arith.index_cast %parallel_loop3A_290 : i32 to index
          %parallel_loop3A_292 = arith.constant 0 : index
          %parallel_loop3A_293 = tpu.vector_load %arg7[%parallel_loop3A_291, %parallel_loop3A_292] {strides = array<i32>} : memref<128x256xf32, #tpu.memory_space<vmem>>, vector<16xf32>,
          %parallel_loop3A_294 = arith.index_cast %parallel_loop3A_286 : i32 to index
          %parallel_loop3A_295 = arith.constant 0 : index
          %parallel_loop3A_296 = tpu.vector_load %arg6[%parallel_loop3A_294, %parallel_loop3A_295] {strides = array<i32>} : memref<161x272xf32, #tpu.memory_space<vmem>>, vector<16xf32>,
          tpu.vector_store %arg6[%parallel_loop3A_294, %parallel_loop3A_295], %parallel_loop3A_293 {add = true, strides = array<i32>} : memref<161x272xf32, #tpu.memory_space<vmem>>, vector<16xf32>,
          %parallel_loop3A_297 = arith.index_cast %parallel_loop3A_286 : i32 to index
          %parallel_loop3A_298 = arith.constant 256 : index
          %parallel_loop3A_299 = tpu.vector_load %arg6[%parallel_loop3A_297, %parallel_loop3A_298] {strides = array<i32>} : memref<161x272xf32, #tpu.memory_space<vmem>>, vector<16xf32>,
          tpu.vector_store %arg6[%parallel_loop3A_297, %parallel_loop3A_298], %select_n3A {add = true, strides = array<i32>} : memref<161x272xf32, #tpu.memory_space<vmem>>, vector<16xf32>,
          %parallel_loop3A_300 = vector.extract_strided_slice %parallel_loop3A_134 {offsets = [11], sizes = [1], strides = [1]} : vector<16xi32> to vector<1xi32>
          %parallel_loop3A_301 = vector.extract %parallel_loop3A_300[0] : i32 from vector<1xi32>
          %parallel_loop3A_302 = arith.constant 16 : i32
          %parallel_loop3A_303 = arith.muli %parallel_loop3A_129, %parallel_loop3A_302 : i32
          %parallel_loop3A_304 = arith.constant 11 : i32
          %parallel_loop3A_305 = arith.addi %parallel_loop3A_303, %parallel_loop3A_304 : i32
          %parallel_loop3A_306 = arith.index_cast %parallel_loop3A_305 : i32 to index
          %parallel_loop3A_307 = arith.constant 0 : index
          %parallel_loop3A_308 = tpu.vector_load %arg7[%parallel_loop3A_306, %parallel_loop3A_307] {strides = array<i32>} : memref<128x256xf32, #tpu.memory_space<vmem>>, vector<16xf32>,
          %parallel_loop3A_309 = arith.index_cast %parallel_loop3A_301 : i32 to index
          %parallel_loop3A_310 = arith.constant 0 : index
          %parallel_loop3A_311 = tpu.vector_load %arg6[%parallel_loop3A_309, %parallel_loop3A_310] {strides = array<i32>} : memref<161x272xf32, #tpu.memory_space<vmem>>, vector<16xf32>,
          tpu.vector_store %arg6[%parallel_loop3A_309, %parallel_loop3A_310], %parallel_loop3A_308 {add = true, strides = array<i32>} : memref<161x272xf32, #tpu.memory_space<vmem>>, vector<16xf32>,
          %parallel_loop3A_312 = arith.index_cast %parallel_loop3A_301 : i32 to index
          %parallel_loop3A_313 = arith.constant 256 : index
          %parallel_loop3A_314 = tpu.vector_load %arg6[%parallel_loop3A_312, %parallel_loop3A_313] {strides = array<i32>} : memref<161x272xf32, #tpu.memory_space<vmem>>, vector<16xf32>,
          tpu.vector_store %arg6[%parallel_loop3A_312, %parallel_loop3A_313], %select_n3A {add = true, strides = array<i32>} : memref<161x272xf32, #tpu.memory_space<vmem>>, vector<16xf32>,
          %parallel_loop3A_315 = vector.extract_strided_slice %parallel_loop3A_134 {offsets = [12], sizes = [1], strides = [1]} : vector<16xi32> to vector<1xi32>
          %parallel_loop3A_316 = vector.extract %parallel_loop3A_315[0] : i32 from vector<1xi32>
          %parallel_loop3A_317 = arith.constant 16 : i32
          %parallel_loop3A_318 = arith.muli %parallel_loop3A_129, %parallel_loop3A_317 : i32
          %parallel_loop3A_319 = arith.constant 12 : i32
          %parallel_loop3A_320 = arith.addi %parallel_loop3A_318, %parallel_loop3A_319 : i32
          %parallel_loop3A_321 = arith.index_cast %parallel_loop3A_320 : i32 to index
          %parallel_loop3A_322 = arith.constant 0 : index
          %parallel_loop3A_323 = tpu.vector_load %arg7[%parallel_loop3A_321, %parallel_loop3A_322] {strides = array<i32>} : memref<128x256xf32, #tpu.memory_space<vmem>>, vector<16xf32>,
          %parallel_loop3A_324 = arith.index_cast %parallel_loop3A_316 : i32 to index
          %parallel_loop3A_325 = arith.constant 0 : index
          %parallel_loop3A_326 = tpu.vector_load %arg6[%parallel_loop3A_324, %parallel_loop3A_325] {strides = array<i32>} : memref<161x272xf32, #tpu.memory_space<vmem>>, vector<16xf32>,
          tpu.vector_store %arg6[%parallel_loop3A_324, %parallel_loop3A_325], %parallel_loop3A_323 {add = true, strides = array<i32>} : memref<161x272xf32, #tpu.memory_space<vmem>>, vector<16xf32>,
          %parallel_loop3A_327 = arith.index_cast %parallel_loop3A_316 : i32 to index
          %parallel_loop3A_328 = arith.constant 256 : index
          %parallel_loop3A_329 = tpu.vector_load %arg6[%parallel_loop3A_327, %parallel_loop3A_328] {strides = array<i32>} : memref<161x272xf32, #tpu.memory_space<vmem>>, vector<16xf32>,
          tpu.vector_store %arg6[%parallel_loop3A_327, %parallel_loop3A_328], %select_n3A {add = true, strides = array<i32>} : memref<161x272xf32, #tpu.memory_space<vmem>>, vector<16xf32>,
          %parallel_loop3A_330 = vector.extract_strided_slice %parallel_loop3A_134 {offsets = [13], sizes = [1], strides = [1]} : vector<16xi32> to vector<1xi32>
          %parallel_loop3A_331 = vector.extract %parallel_loop3A_330[0] : i32 from vector<1xi32>
          %parallel_loop3A_332 = arith.constant 16 : i32
          %parallel_loop3A_333 = arith.muli %parallel_loop3A_129, %parallel_loop3A_332 : i32
          %parallel_loop3A_334 = arith.constant 13 : i32
          %parallel_loop3A_335 = arith.addi %parallel_loop3A_333, %parallel_loop3A_334 : i32
          %parallel_loop3A_336 = arith.index_cast %parallel_loop3A_335 : i32 to index
          %parallel_loop3A_337 = arith.constant 0 : index
          %parallel_loop3A_338 = tpu.vector_load %arg7[%parallel_loop3A_336, %parallel_loop3A_337] {strides = array<i32>} : memref<128x256xf32, #tpu.memory_space<vmem>>, vector<16xf32>,
          %parallel_loop3A_339 = arith.index_cast %parallel_loop3A_331 : i32 to index
          %parallel_loop3A_340 = arith.constant 0 : index
          %parallel_loop3A_341 = tpu.vector_load %arg6[%parallel_loop3A_339, %parallel_loop3A_340] {strides = array<i32>} : memref<161x272xf32, #tpu.memory_space<vmem>>, vector<16xf32>,
          tpu.vector_store %arg6[%parallel_loop3A_339, %parallel_loop3A_340], %parallel_loop3A_338 {add = true, strides = array<i32>} : memref<161x272xf32, #tpu.memory_space<vmem>>, vector<16xf32>,
          %parallel_loop3A_342 = arith.index_cast %parallel_loop3A_331 : i32 to index
          %parallel_loop3A_343 = arith.constant 256 : index
          %parallel_loop3A_344 = tpu.vector_load %arg6[%parallel_loop3A_342, %parallel_loop3A_343] {strides = array<i32>} : memref<161x272xf32, #tpu.memory_space<vmem>>, vector<16xf32>,
          tpu.vector_store %arg6[%parallel_loop3A_342, %parallel_loop3A_343], %select_n3A {add = true, strides = array<i32>} : memref<161x272xf32, #tpu.memory_space<vmem>>, vector<16xf32>,
          %parallel_loop3A_345 = vector.extract_strided_slice %parallel_loop3A_134 {offsets = [14], sizes = [1], strides = [1]} : vector<16xi32> to vector<1xi32>
          %parallel_loop3A_346 = vector.extract %parallel_loop3A_345[0] : i32 from vector<1xi32>
          %parallel_loop3A_347 = arith.constant 16 : i32
          %parallel_loop3A_348 = arith.muli %parallel_loop3A_129, %parallel_loop3A_347 : i32
          %parallel_loop3A_349 = arith.constant 14 : i32
          %parallel_loop3A_350 = arith.addi %parallel_loop3A_348, %parallel_loop3A_349 : i32
          %parallel_loop3A_351 = arith.index_cast %parallel_loop3A_350 : i32 to index
          %parallel_loop3A_352 = arith.constant 0 : index
          %parallel_loop3A_353 = tpu.vector_load %arg7[%parallel_loop3A_351, %parallel_loop3A_352] {strides = array<i32>} : memref<128x256xf32, #tpu.memory_space<vmem>>, vector<16xf32>,
          %parallel_loop3A_354 = arith.index_cast %parallel_loop3A_346 : i32 to index
          %parallel_loop3A_355 = arith.constant 0 : index
          %parallel_loop3A_356 = tpu.vector_load %arg6[%parallel_loop3A_354, %parallel_loop3A_355] {strides = array<i32>} : memref<161x272xf32, #tpu.memory_space<vmem>>, vector<16xf32>,
          tpu.vector_store %arg6[%parallel_loop3A_354, %parallel_loop3A_355], %parallel_loop3A_353 {add = true, strides = array<i32>} : memref<161x272xf32, #tpu.memory_space<vmem>>, vector<16xf32>,
          %parallel_loop3A_357 = arith.index_cast %parallel_loop3A_346 : i32 to index
          %parallel_loop3A_358 = arith.constant 256 : index
          %parallel_loop3A_359 = tpu.vector_load %arg6[%parallel_loop3A_357, %parallel_loop3A_358] {strides = array<i32>} : memref<161x272xf32, #tpu.memory_space<vmem>>, vector<16xf32>,
          tpu.vector_store %arg6[%parallel_loop3A_357, %parallel_loop3A_358], %select_n3A {add = true, strides = array<i32>} : memref<161x272xf32, #tpu.memory_space<vmem>>, vector<16xf32>,
          %parallel_loop3A_360 = vector.extract_strided_slice %parallel_loop3A_134 {offsets = [15], sizes = [1], strides = [1]} : vector<16xi32> to vector<1xi32>
          %parallel_loop3A_361 = vector.extract %parallel_loop3A_360[0] : i32 from vector<1xi32>
          %parallel_loop3A_362 = arith.constant 16 : i32
          %parallel_loop3A_363 = arith.muli %parallel_loop3A_129, %parallel_loop3A_362 : i32
          %parallel_loop3A_364 = arith.constant 15 : i32
          %parallel_loop3A_365 = arith.addi %parallel_loop3A_363, %parallel_loop3A_364 : i32
          %parallel_loop3A_366 = arith.index_cast %parallel_loop3A_365 : i32 to index
          %parallel_loop3A_367 = arith.constant 0 : index
          %parallel_loop3A_368 = tpu.vector_load %arg7[%parallel_loop3A_366, %parallel_loop3A_367] {strides = array<i32>} : memref<128x256xf32, #tpu.memory_space<vmem>>, vector<16xf32>,
          %parallel_loop3A_369 = arith.index_cast %parallel_loop3A_361 : i32 to index
          %parallel_loop3A_370 = arith.constant 0 : index
          %parallel_loop3A_371 = tpu.vector_load %arg6[%parallel_loop3A_369, %parallel_loop3A_370] {strides = array<i32>} : memref<161x272xf32, #tpu.memory_space<vmem>>, vector<16xf32>,
          tpu.vector_store %arg6[%parallel_loop3A_369, %parallel_loop3A_370], %parallel_loop3A_368 {add = true, strides = array<i32>} : memref<161x272xf32, #tpu.memory_space<vmem>>, vector<16xf32>,
          %parallel_loop3A_372 = arith.index_cast %parallel_loop3A_361 : i32 to index
          %parallel_loop3A_373 = arith.constant 256 : index
          %parallel_loop3A_374 = tpu.vector_load %arg6[%parallel_loop3A_372, %parallel_loop3A_373] {strides = array<i32>} : memref<161x272xf32, #tpu.memory_space<vmem>>, vector<16xf32>,
          tpu.vector_store %arg6[%parallel_loop3A_372, %parallel_loop3A_373], %select_n3A {add = true, strides = array<i32>} : memref<161x272xf32, #tpu.memory_space<vmem>>, vector<16xf32>,
        } {sc.loop_unroll_factor = 2 : i64, sc.parallel_access}
        %while3A_128 = arith.constant 0 : i32
        scf.yield %while3A_128 : i32
      }
      %while3A_115 = arith.constant 1 : i32
      %while3A_116 = scf.for %while3A_118 = %while3A_112 to %while3A_108 step %while3A_115 iter_args(%while3A_119 = %while3A_114) -> (i32)  : i32 {
        %mul3A_120 = arith.constant 128 : i32
        %mul3A_121 = arith.muli %while3A_118, %mul3A_120 : i32
        "tpu.region"() ({
          %run_scoped3A = tpu.sem_alloc : memref<!tpu.dma_semaphore, #tpu.memory_space<semaphore_mem>>
          %dma_start3A = tpu.memref_slice %arg9[%mul3A_121] : memref<10256xi32, #tpu.memory_space<vmem>> -> memref<128xi32, #tpu.memory_space<vmem>>
          %dma_start3A_129 = arith.constant 0 : i32
          %dma_start3A_130 = arith.constant 0 : i32
          %dma_start3A_131 = tpu.memref_slice %arg2[%dma_start3A_129, %dma_start3A_130] : memref<100000x256xf32, #tpu.memory_space<hbm>> -> memref<100000x256xf32, #tpu.memory_space<hbm>>
          tpu.enqueue_indirect_dma source(%dma_start3A_131 : memref<100000x256xf32, #tpu.memory_space<hbm>>) target(%arg7 : memref<128x256xf32, #tpu.memory_space<vmem>>) offsets(%dma_start3A : memref<128xi32, #tpu.memory_space<vmem>>) semaphore(%run_scoped3A : memref<!tpu.dma_semaphore, #tpu.memory_space<semaphore_mem>>)
          %dma_wait3A = tpu.memref_slice %arg9[%mul3A_121] : memref<10256xi32, #tpu.memory_space<vmem>> -> memref<128xi32, #tpu.memory_space<vmem>>
          %dma_wait3A_132 = arith.constant 0 : i32
          %dma_wait3A_133 = arith.constant 0 : i32
          %dma_wait3A_134 = tpu.memref_slice %arg2[%dma_wait3A_132, %dma_wait3A_133] : memref<100000x256xf32, #tpu.memory_space<hbm>> -> memref<100000x256xf32, #tpu.memory_space<hbm>>
          tpu.wait_indirect_dma semaphore(%run_scoped3A : memref<!tpu.dma_semaphore, #tpu.memory_space<semaphore_mem>>) src(%dma_wait3A_134 : memref<100000x256xf32, #tpu.memory_space<hbm>>) dst(%arg7 : memref<128x256xf32, #tpu.memory_space<vmem>>)
          tpu.yield
        }) : () -> ()
        %mul3A_122 = arith.constant 8 : i32
        %mul3A_123 = arith.muli %while3A_118, %mul3A_122 : i32
        %sub3A_124 = arith.subi %select_n3A_77, %mul3A_123 : i32
        %min3A = arith.constant 8 : i32
        %min3A_125 = arith.minsi %sub3A_124, %min3A : i32
        %parallel_loop3A_126 = arith.constant 0 : i32
        %parallel_loop3A_127 = arith.constant 1 : i32
        scf.for %parallel_loop3A_129 = %parallel_loop3A_126 to %min3A_125 step %parallel_loop3A_127  : i32 {
          %parallel_loop3A_130 = arith.constant 16 : i32
          %parallel_loop3A_131 = arith.muli %parallel_loop3A_129, %parallel_loop3A_130 : i32
          %parallel_loop3A_132 = arith.addi %mul3A_121, %parallel_loop3A_131 : i32
          %parallel_loop3A_133 = arith.index_cast %parallel_loop3A_132 : i32 to index
          %parallel_loop3A_134 = tpu.vector_load %arg10[%parallel_loop3A_133] {strides = array<i32>} : memref<10256xi32, #tpu.memory_space<vmem>>, vector<16xi32>,
          %parallel_loop3A_135 = vector.extract_strided_slice %parallel_loop3A_134 {offsets = [0], sizes = [1], strides = [1]} : vector<16xi32> to vector<1xi32>
          %parallel_loop3A_136 = vector.extract %parallel_loop3A_135[0] : i32 from vector<1xi32>
          %parallel_loop3A_137 = arith.constant 16 : i32
          %parallel_loop3A_138 = arith.muli %parallel_loop3A_129, %parallel_loop3A_137 : i32
          %parallel_loop3A_139 = arith.constant 0 : i32
          %parallel_loop3A_140 = arith.addi %parallel_loop3A_138, %parallel_loop3A_139 : i32
          %parallel_loop3A_141 = arith.index_cast %parallel_loop3A_140 : i32 to index
          %parallel_loop3A_142 = arith.constant 0 : index
          %parallel_loop3A_143 = tpu.vector_load %arg7[%parallel_loop3A_141, %parallel_loop3A_142] {strides = array<i32>} : memref<128x256xf32, #tpu.memory_space<vmem>>, vector<16xf32>,
          %parallel_loop3A_144 = arith.index_cast %parallel_loop3A_136 : i32 to index
          %parallel_loop3A_145 = arith.constant 0 : index
          %parallel_loop3A_146 = tpu.vector_load %arg6[%parallel_loop3A_144, %parallel_loop3A_145] {strides = array<i32>} : memref<161x272xf32, #tpu.memory_space<vmem>>, vector<16xf32>,
          tpu.vector_store %arg6[%parallel_loop3A_144, %parallel_loop3A_145], %parallel_loop3A_143 {add = true, strides = array<i32>} : memref<161x272xf32, #tpu.memory_space<vmem>>, vector<16xf32>,
          %parallel_loop3A_147 = arith.index_cast %parallel_loop3A_136 : i32 to index
          %parallel_loop3A_148 = arith.constant 256 : index
          %parallel_loop3A_149 = tpu.vector_load %arg6[%parallel_loop3A_147, %parallel_loop3A_148] {strides = array<i32>} : memref<161x272xf32, #tpu.memory_space<vmem>>, vector<16xf32>,
          tpu.vector_store %arg6[%parallel_loop3A_147, %parallel_loop3A_148], %select_n3A {add = true, strides = array<i32>} : memref<161x272xf32, #tpu.memory_space<vmem>>, vector<16xf32>,
          %parallel_loop3A_150 = vector.extract_strided_slice %parallel_loop3A_134 {offsets = [1], sizes = [1], strides = [1]} : vector<16xi32> to vector<1xi32>
          %parallel_loop3A_151 = vector.extract %parallel_loop3A_150[0] : i32 from vector<1xi32>
          %parallel_loop3A_152 = arith.constant 16 : i32
          %parallel_loop3A_153 = arith.muli %parallel_loop3A_129, %parallel_loop3A_152 : i32
          %parallel_loop3A_154 = arith.constant 1 : i32
          %parallel_loop3A_155 = arith.addi %parallel_loop3A_153, %parallel_loop3A_154 : i32
          %parallel_loop3A_156 = arith.index_cast %parallel_loop3A_155 : i32 to index
          %parallel_loop3A_157 = arith.constant 0 : index
          %parallel_loop3A_158 = tpu.vector_load %arg7[%parallel_loop3A_156, %parallel_loop3A_157] {strides = array<i32>} : memref<128x256xf32, #tpu.memory_space<vmem>>, vector<16xf32>,
          %parallel_loop3A_159 = arith.index_cast %parallel_loop3A_151 : i32 to index
          %parallel_loop3A_160 = arith.constant 0 : index
          %parallel_loop3A_161 = tpu.vector_load %arg6[%parallel_loop3A_159, %parallel_loop3A_160] {strides = array<i32>} : memref<161x272xf32, #tpu.memory_space<vmem>>, vector<16xf32>,
          tpu.vector_store %arg6[%parallel_loop3A_159, %parallel_loop3A_160], %parallel_loop3A_158 {add = true, strides = array<i32>} : memref<161x272xf32, #tpu.memory_space<vmem>>, vector<16xf32>,
          %parallel_loop3A_162 = arith.index_cast %parallel_loop3A_151 : i32 to index
          %parallel_loop3A_163 = arith.constant 256 : index
          %parallel_loop3A_164 = tpu.vector_load %arg6[%parallel_loop3A_162, %parallel_loop3A_163] {strides = array<i32>} : memref<161x272xf32, #tpu.memory_space<vmem>>, vector<16xf32>,
          tpu.vector_store %arg6[%parallel_loop3A_162, %parallel_loop3A_163], %select_n3A {add = true, strides = array<i32>} : memref<161x272xf32, #tpu.memory_space<vmem>>, vector<16xf32>,
          %parallel_loop3A_165 = vector.extract_strided_slice %parallel_loop3A_134 {offsets = [2], sizes = [1], strides = [1]} : vector<16xi32> to vector<1xi32>
          %parallel_loop3A_166 = vector.extract %parallel_loop3A_165[0] : i32 from vector<1xi32>
          %parallel_loop3A_167 = arith.constant 16 : i32
          %parallel_loop3A_168 = arith.muli %parallel_loop3A_129, %parallel_loop3A_167 : i32
          %parallel_loop3A_169 = arith.constant 2 : i32
          %parallel_loop3A_170 = arith.addi %parallel_loop3A_168, %parallel_loop3A_169 : i32
          %parallel_loop3A_171 = arith.index_cast %parallel_loop3A_170 : i32 to index
          %parallel_loop3A_172 = arith.constant 0 : index
          %parallel_loop3A_173 = tpu.vector_load %arg7[%parallel_loop3A_171, %parallel_loop3A_172] {strides = array<i32>} : memref<128x256xf32, #tpu.memory_space<vmem>>, vector<16xf32>,
          %parallel_loop3A_174 = arith.index_cast %parallel_loop3A_166 : i32 to index
          %parallel_loop3A_175 = arith.constant 0 : index
          %parallel_loop3A_176 = tpu.vector_load %arg6[%parallel_loop3A_174, %parallel_loop3A_175] {strides = array<i32>} : memref<161x272xf32, #tpu.memory_space<vmem>>, vector<16xf32>,
          tpu.vector_store %arg6[%parallel_loop3A_174, %parallel_loop3A_175], %parallel_loop3A_173 {add = true, strides = array<i32>} : memref<161x272xf32, #tpu.memory_space<vmem>>, vector<16xf32>,
          %parallel_loop3A_177 = arith.index_cast %parallel_loop3A_166 : i32 to index
          %parallel_loop3A_178 = arith.constant 256 : index
          %parallel_loop3A_179 = tpu.vector_load %arg6[%parallel_loop3A_177, %parallel_loop3A_178] {strides = array<i32>} : memref<161x272xf32, #tpu.memory_space<vmem>>, vector<16xf32>,
          tpu.vector_store %arg6[%parallel_loop3A_177, %parallel_loop3A_178], %select_n3A {add = true, strides = array<i32>} : memref<161x272xf32, #tpu.memory_space<vmem>>, vector<16xf32>,
          %parallel_loop3A_180 = vector.extract_strided_slice %parallel_loop3A_134 {offsets = [3], sizes = [1], strides = [1]} : vector<16xi32> to vector<1xi32>
          %parallel_loop3A_181 = vector.extract %parallel_loop3A_180[0] : i32 from vector<1xi32>
          %parallel_loop3A_182 = arith.constant 16 : i32
          %parallel_loop3A_183 = arith.muli %parallel_loop3A_129, %parallel_loop3A_182 : i32
          %parallel_loop3A_184 = arith.constant 3 : i32
          %parallel_loop3A_185 = arith.addi %parallel_loop3A_183, %parallel_loop3A_184 : i32
          %parallel_loop3A_186 = arith.index_cast %parallel_loop3A_185 : i32 to index
          %parallel_loop3A_187 = arith.constant 0 : index
          %parallel_loop3A_188 = tpu.vector_load %arg7[%parallel_loop3A_186, %parallel_loop3A_187] {strides = array<i32>} : memref<128x256xf32, #tpu.memory_space<vmem>>, vector<16xf32>,
          %parallel_loop3A_189 = arith.index_cast %parallel_loop3A_181 : i32 to index
          %parallel_loop3A_190 = arith.constant 0 : index
          %parallel_loop3A_191 = tpu.vector_load %arg6[%parallel_loop3A_189, %parallel_loop3A_190] {strides = array<i32>} : memref<161x272xf32, #tpu.memory_space<vmem>>, vector<16xf32>,
          tpu.vector_store %arg6[%parallel_loop3A_189, %parallel_loop3A_190], %parallel_loop3A_188 {add = true, strides = array<i32>} : memref<161x272xf32, #tpu.memory_space<vmem>>, vector<16xf32>,
          %parallel_loop3A_192 = arith.index_cast %parallel_loop3A_181 : i32 to index
          %parallel_loop3A_193 = arith.constant 256 : index
          %parallel_loop3A_194 = tpu.vector_load %arg6[%parallel_loop3A_192, %parallel_loop3A_193] {strides = array<i32>} : memref<161x272xf32, #tpu.memory_space<vmem>>, vector<16xf32>,
          tpu.vector_store %arg6[%parallel_loop3A_192, %parallel_loop3A_193], %select_n3A {add = true, strides = array<i32>} : memref<161x272xf32, #tpu.memory_space<vmem>>, vector<16xf32>,
          %parallel_loop3A_195 = vector.extract_strided_slice %parallel_loop3A_134 {offsets = [4], sizes = [1], strides = [1]} : vector<16xi32> to vector<1xi32>
          %parallel_loop3A_196 = vector.extract %parallel_loop3A_195[0] : i32 from vector<1xi32>
          %parallel_loop3A_197 = arith.constant 16 : i32
          %parallel_loop3A_198 = arith.muli %parallel_loop3A_129, %parallel_loop3A_197 : i32
          %parallel_loop3A_199 = arith.constant 4 : i32
          %parallel_loop3A_200 = arith.addi %parallel_loop3A_198, %parallel_loop3A_199 : i32
          %parallel_loop3A_201 = arith.index_cast %parallel_loop3A_200 : i32 to index
          %parallel_loop3A_202 = arith.constant 0 : index
          %parallel_loop3A_203 = tpu.vector_load %arg7[%parallel_loop3A_201, %parallel_loop3A_202] {strides = array<i32>} : memref<128x256xf32, #tpu.memory_space<vmem>>, vector<16xf32>,
          %parallel_loop3A_204 = arith.index_cast %parallel_loop3A_196 : i32 to index
          %parallel_loop3A_205 = arith.constant 0 : index
          %parallel_loop3A_206 = tpu.vector_load %arg6[%parallel_loop3A_204, %parallel_loop3A_205] {strides = array<i32>} : memref<161x272xf32, #tpu.memory_space<vmem>>, vector<16xf32>,
          tpu.vector_store %arg6[%parallel_loop3A_204, %parallel_loop3A_205], %parallel_loop3A_203 {add = true, strides = array<i32>} : memref<161x272xf32, #tpu.memory_space<vmem>>, vector<16xf32>,
          %parallel_loop3A_207 = arith.index_cast %parallel_loop3A_196 : i32 to index
          %parallel_loop3A_208 = arith.constant 256 : index
          %parallel_loop3A_209 = tpu.vector_load %arg6[%parallel_loop3A_207, %parallel_loop3A_208] {strides = array<i32>} : memref<161x272xf32, #tpu.memory_space<vmem>>, vector<16xf32>,
          tpu.vector_store %arg6[%parallel_loop3A_207, %parallel_loop3A_208], %select_n3A {add = true, strides = array<i32>} : memref<161x272xf32, #tpu.memory_space<vmem>>, vector<16xf32>,
          %parallel_loop3A_210 = vector.extract_strided_slice %parallel_loop3A_134 {offsets = [5], sizes = [1], strides = [1]} : vector<16xi32> to vector<1xi32>
          %parallel_loop3A_211 = vector.extract %parallel_loop3A_210[0] : i32 from vector<1xi32>
          %parallel_loop3A_212 = arith.constant 16 : i32
          %parallel_loop3A_213 = arith.muli %parallel_loop3A_129, %parallel_loop3A_212 : i32
          %parallel_loop3A_214 = arith.constant 5 : i32
          %parallel_loop3A_215 = arith.addi %parallel_loop3A_213, %parallel_loop3A_214 : i32
          %parallel_loop3A_216 = arith.index_cast %parallel_loop3A_215 : i32 to index
          %parallel_loop3A_217 = arith.constant 0 : index
          %parallel_loop3A_218 = tpu.vector_load %arg7[%parallel_loop3A_216, %parallel_loop3A_217] {strides = array<i32>} : memref<128x256xf32, #tpu.memory_space<vmem>>, vector<16xf32>,
          %parallel_loop3A_219 = arith.index_cast %parallel_loop3A_211 : i32 to index
          %parallel_loop3A_220 = arith.constant 0 : index
          %parallel_loop3A_221 = tpu.vector_load %arg6[%parallel_loop3A_219, %parallel_loop3A_220] {strides = array<i32>} : memref<161x272xf32, #tpu.memory_space<vmem>>, vector<16xf32>,
          tpu.vector_store %arg6[%parallel_loop3A_219, %parallel_loop3A_220], %parallel_loop3A_218 {add = true, strides = array<i32>} : memref<161x272xf32, #tpu.memory_space<vmem>>, vector<16xf32>,
          %parallel_loop3A_222 = arith.index_cast %parallel_loop3A_211 : i32 to index
          %parallel_loop3A_223 = arith.constant 256 : index
          %parallel_loop3A_224 = tpu.vector_load %arg6[%parallel_loop3A_222, %parallel_loop3A_223] {strides = array<i32>} : memref<161x272xf32, #tpu.memory_space<vmem>>, vector<16xf32>,
          tpu.vector_store %arg6[%parallel_loop3A_222, %parallel_loop3A_223], %select_n3A {add = true, strides = array<i32>} : memref<161x272xf32, #tpu.memory_space<vmem>>, vector<16xf32>,
          %parallel_loop3A_225 = vector.extract_strided_slice %parallel_loop3A_134 {offsets = [6], sizes = [1], strides = [1]} : vector<16xi32> to vector<1xi32>
          %parallel_loop3A_226 = vector.extract %parallel_loop3A_225[0] : i32 from vector<1xi32>
          %parallel_loop3A_227 = arith.constant 16 : i32
          %parallel_loop3A_228 = arith.muli %parallel_loop3A_129, %parallel_loop3A_227 : i32
          %parallel_loop3A_229 = arith.constant 6 : i32
          %parallel_loop3A_230 = arith.addi %parallel_loop3A_228, %parallel_loop3A_229 : i32
          %parallel_loop3A_231 = arith.index_cast %parallel_loop3A_230 : i32 to index
          %parallel_loop3A_232 = arith.constant 0 : index
          %parallel_loop3A_233 = tpu.vector_load %arg7[%parallel_loop3A_231, %parallel_loop3A_232] {strides = array<i32>} : memref<128x256xf32, #tpu.memory_space<vmem>>, vector<16xf32>,
          %parallel_loop3A_234 = arith.index_cast %parallel_loop3A_226 : i32 to index
          %parallel_loop3A_235 = arith.constant 0 : index
          %parallel_loop3A_236 = tpu.vector_load %arg6[%parallel_loop3A_234, %parallel_loop3A_235] {strides = array<i32>} : memref<161x272xf32, #tpu.memory_space<vmem>>, vector<16xf32>,
          tpu.vector_store %arg6[%parallel_loop3A_234, %parallel_loop3A_235], %parallel_loop3A_233 {add = true, strides = array<i32>} : memref<161x272xf32, #tpu.memory_space<vmem>>, vector<16xf32>,
          %parallel_loop3A_237 = arith.index_cast %parallel_loop3A_226 : i32 to index
          %parallel_loop3A_238 = arith.constant 256 : index
          %parallel_loop3A_239 = tpu.vector_load %arg6[%parallel_loop3A_237, %parallel_loop3A_238] {strides = array<i32>} : memref<161x272xf32, #tpu.memory_space<vmem>>, vector<16xf32>,
          tpu.vector_store %arg6[%parallel_loop3A_237, %parallel_loop3A_238], %select_n3A {add = true, strides = array<i32>} : memref<161x272xf32, #tpu.memory_space<vmem>>, vector<16xf32>,
          %parallel_loop3A_240 = vector.extract_strided_slice %parallel_loop3A_134 {offsets = [7], sizes = [1], strides = [1]} : vector<16xi32> to vector<1xi32>
          %parallel_loop3A_241 = vector.extract %parallel_loop3A_240[0] : i32 from vector<1xi32>
          %parallel_loop3A_242 = arith.constant 16 : i32
          %parallel_loop3A_243 = arith.muli %parallel_loop3A_129, %parallel_loop3A_242 : i32
          %parallel_loop3A_244 = arith.constant 7 : i32
          %parallel_loop3A_245 = arith.addi %parallel_loop3A_243, %parallel_loop3A_244 : i32
          %parallel_loop3A_246 = arith.index_cast %parallel_loop3A_245 : i32 to index
          %parallel_loop3A_247 = arith.constant 0 : index
          %parallel_loop3A_248 = tpu.vector_load %arg7[%parallel_loop3A_246, %parallel_loop3A_247] {strides = array<i32>} : memref<128x256xf32, #tpu.memory_space<vmem>>, vector<16xf32>,
          %parallel_loop3A_249 = arith.index_cast %parallel_loop3A_241 : i32 to index
          %parallel_loop3A_250 = arith.constant 0 : index
          %parallel_loop3A_251 = tpu.vector_load %arg6[%parallel_loop3A_249, %parallel_loop3A_250] {strides = array<i32>} : memref<161x272xf32, #tpu.memory_space<vmem>>, vector<16xf32>,
          tpu.vector_store %arg6[%parallel_loop3A_249, %parallel_loop3A_250], %parallel_loop3A_248 {add = true, strides = array<i32>} : memref<161x272xf32, #tpu.memory_space<vmem>>, vector<16xf32>,
          %parallel_loop3A_252 = arith.index_cast %parallel_loop3A_241 : i32 to index
          %parallel_loop3A_253 = arith.constant 256 : index
          %parallel_loop3A_254 = tpu.vector_load %arg6[%parallel_loop3A_252, %parallel_loop3A_253] {strides = array<i32>} : memref<161x272xf32, #tpu.memory_space<vmem>>, vector<16xf32>,
          tpu.vector_store %arg6[%parallel_loop3A_252, %parallel_loop3A_253], %select_n3A {add = true, strides = array<i32>} : memref<161x272xf32, #tpu.memory_space<vmem>>, vector<16xf32>,
          %parallel_loop3A_255 = vector.extract_strided_slice %parallel_loop3A_134 {offsets = [8], sizes = [1], strides = [1]} : vector<16xi32> to vector<1xi32>
          %parallel_loop3A_256 = vector.extract %parallel_loop3A_255[0] : i32 from vector<1xi32>
          %parallel_loop3A_257 = arith.constant 16 : i32
          %parallel_loop3A_258 = arith.muli %parallel_loop3A_129, %parallel_loop3A_257 : i32
          %parallel_loop3A_259 = arith.constant 8 : i32
          %parallel_loop3A_260 = arith.addi %parallel_loop3A_258, %parallel_loop3A_259 : i32
          %parallel_loop3A_261 = arith.index_cast %parallel_loop3A_260 : i32 to index
          %parallel_loop3A_262 = arith.constant 0 : index
          %parallel_loop3A_263 = tpu.vector_load %arg7[%parallel_loop3A_261, %parallel_loop3A_262] {strides = array<i32>} : memref<128x256xf32, #tpu.memory_space<vmem>>, vector<16xf32>,
          %parallel_loop3A_264 = arith.index_cast %parallel_loop3A_256 : i32 to index
          %parallel_loop3A_265 = arith.constant 0 : index
          %parallel_loop3A_266 = tpu.vector_load %arg6[%parallel_loop3A_264, %parallel_loop3A_265] {strides = array<i32>} : memref<161x272xf32, #tpu.memory_space<vmem>>, vector<16xf32>,
          tpu.vector_store %arg6[%parallel_loop3A_264, %parallel_loop3A_265], %parallel_loop3A_263 {add = true, strides = array<i32>} : memref<161x272xf32, #tpu.memory_space<vmem>>, vector<16xf32>,
          %parallel_loop3A_267 = arith.index_cast %parallel_loop3A_256 : i32 to index
          %parallel_loop3A_268 = arith.constant 256 : index
          %parallel_loop3A_269 = tpu.vector_load %arg6[%parallel_loop3A_267, %parallel_loop3A_268] {strides = array<i32>} : memref<161x272xf32, #tpu.memory_space<vmem>>, vector<16xf32>,
          tpu.vector_store %arg6[%parallel_loop3A_267, %parallel_loop3A_268], %select_n3A {add = true, strides = array<i32>} : memref<161x272xf32, #tpu.memory_space<vmem>>, vector<16xf32>,
          %parallel_loop3A_270 = vector.extract_strided_slice %parallel_loop3A_134 {offsets = [9], sizes = [1], strides = [1]} : vector<16xi32> to vector<1xi32>
          %parallel_loop3A_271 = vector.extract %parallel_loop3A_270[0] : i32 from vector<1xi32>
          %parallel_loop3A_272 = arith.constant 16 : i32
          %parallel_loop3A_273 = arith.muli %parallel_loop3A_129, %parallel_loop3A_272 : i32
          %parallel_loop3A_274 = arith.constant 9 : i32
          %parallel_loop3A_275 = arith.addi %parallel_loop3A_273, %parallel_loop3A_274 : i32
          %parallel_loop3A_276 = arith.index_cast %parallel_loop3A_275 : i32 to index
          %parallel_loop3A_277 = arith.constant 0 : index
          %parallel_loop3A_278 = tpu.vector_load %arg7[%parallel_loop3A_276, %parallel_loop3A_277] {strides = array<i32>} : memref<128x256xf32, #tpu.memory_space<vmem>>, vector<16xf32>,
          %parallel_loop3A_279 = arith.index_cast %parallel_loop3A_271 : i32 to index
          %parallel_loop3A_280 = arith.constant 0 : index
          %parallel_loop3A_281 = tpu.vector_load %arg6[%parallel_loop3A_279, %parallel_loop3A_280] {strides = array<i32>} : memref<161x272xf32, #tpu.memory_space<vmem>>, vector<16xf32>,
          tpu.vector_store %arg6[%parallel_loop3A_279, %parallel_loop3A_280], %parallel_loop3A_278 {add = true, strides = array<i32>} : memref<161x272xf32, #tpu.memory_space<vmem>>, vector<16xf32>,
          %parallel_loop3A_282 = arith.index_cast %parallel_loop3A_271 : i32 to index
          %parallel_loop3A_283 = arith.constant 256 : index
          %parallel_loop3A_284 = tpu.vector_load %arg6[%parallel_loop3A_282, %parallel_loop3A_283] {strides = array<i32>} : memref<161x272xf32, #tpu.memory_space<vmem>>, vector<16xf32>,
          tpu.vector_store %arg6[%parallel_loop3A_282, %parallel_loop3A_283], %select_n3A {add = true, strides = array<i32>} : memref<161x272xf32, #tpu.memory_space<vmem>>, vector<16xf32>,
          %parallel_loop3A_285 = vector.extract_strided_slice %parallel_loop3A_134 {offsets = [10], sizes = [1], strides = [1]} : vector<16xi32> to vector<1xi32>
          %parallel_loop3A_286 = vector.extract %parallel_loop3A_285[0] : i32 from vector<1xi32>
          %parallel_loop3A_287 = arith.constant 16 : i32
          %parallel_loop3A_288 = arith.muli %parallel_loop3A_129, %parallel_loop3A_287 : i32
          %parallel_loop3A_289 = arith.constant 10 : i32
          %parallel_loop3A_290 = arith.addi %parallel_loop3A_288, %parallel_loop3A_289 : i32
          %parallel_loop3A_291 = arith.index_cast %parallel_loop3A_290 : i32 to index
          %parallel_loop3A_292 = arith.constant 0 : index
          %parallel_loop3A_293 = tpu.vector_load %arg7[%parallel_loop3A_291, %parallel_loop3A_292] {strides = array<i32>} : memref<128x256xf32, #tpu.memory_space<vmem>>, vector<16xf32>,
          %parallel_loop3A_294 = arith.index_cast %parallel_loop3A_286 : i32 to index
          %parallel_loop3A_295 = arith.constant 0 : index
          %parallel_loop3A_296 = tpu.vector_load %arg6[%parallel_loop3A_294, %parallel_loop3A_295] {strides = array<i32>} : memref<161x272xf32, #tpu.memory_space<vmem>>, vector<16xf32>,
          tpu.vector_store %arg6[%parallel_loop3A_294, %parallel_loop3A_295], %parallel_loop3A_293 {add = true, strides = array<i32>} : memref<161x272xf32, #tpu.memory_space<vmem>>, vector<16xf32>,
          %parallel_loop3A_297 = arith.index_cast %parallel_loop3A_286 : i32 to index
          %parallel_loop3A_298 = arith.constant 256 : index
          %parallel_loop3A_299 = tpu.vector_load %arg6[%parallel_loop3A_297, %parallel_loop3A_298] {strides = array<i32>} : memref<161x272xf32, #tpu.memory_space<vmem>>, vector<16xf32>,
          tpu.vector_store %arg6[%parallel_loop3A_297, %parallel_loop3A_298], %select_n3A {add = true, strides = array<i32>} : memref<161x272xf32, #tpu.memory_space<vmem>>, vector<16xf32>,
          %parallel_loop3A_300 = vector.extract_strided_slice %parallel_loop3A_134 {offsets = [11], sizes = [1], strides = [1]} : vector<16xi32> to vector<1xi32>
          %parallel_loop3A_301 = vector.extract %parallel_loop3A_300[0] : i32 from vector<1xi32>
          %parallel_loop3A_302 = arith.constant 16 : i32
          %parallel_loop3A_303 = arith.muli %parallel_loop3A_129, %parallel_loop3A_302 : i32
          %parallel_loop3A_304 = arith.constant 11 : i32
          %parallel_loop3A_305 = arith.addi %parallel_loop3A_303, %parallel_loop3A_304 : i32
          %parallel_loop3A_306 = arith.index_cast %parallel_loop3A_305 : i32 to index
          %parallel_loop3A_307 = arith.constant 0 : index
          %parallel_loop3A_308 = tpu.vector_load %arg7[%parallel_loop3A_306, %parallel_loop3A_307] {strides = array<i32>} : memref<128x256xf32, #tpu.memory_space<vmem>>, vector<16xf32>,
          %parallel_loop3A_309 = arith.index_cast %parallel_loop3A_301 : i32 to index
          %parallel_loop3A_310 = arith.constant 0 : index
          %parallel_loop3A_311 = tpu.vector_load %arg6[%parallel_loop3A_309, %parallel_loop3A_310] {strides = array<i32>} : memref<161x272xf32, #tpu.memory_space<vmem>>, vector<16xf32>,
          tpu.vector_store %arg6[%parallel_loop3A_309, %parallel_loop3A_310], %parallel_loop3A_308 {add = true, strides = array<i32>} : memref<161x272xf32, #tpu.memory_space<vmem>>, vector<16xf32>,
          %parallel_loop3A_312 = arith.index_cast %parallel_loop3A_301 : i32 to index
          %parallel_loop3A_313 = arith.constant 256 : index
          %parallel_loop3A_314 = tpu.vector_load %arg6[%parallel_loop3A_312, %parallel_loop3A_313] {strides = array<i32>} : memref<161x272xf32, #tpu.memory_space<vmem>>, vector<16xf32>,
          tpu.vector_store %arg6[%parallel_loop3A_312, %parallel_loop3A_313], %select_n3A {add = true, strides = array<i32>} : memref<161x272xf32, #tpu.memory_space<vmem>>, vector<16xf32>,
          %parallel_loop3A_315 = vector.extract_strided_slice %parallel_loop3A_134 {offsets = [12], sizes = [1], strides = [1]} : vector<16xi32> to vector<1xi32>
          %parallel_loop3A_316 = vector.extract %parallel_loop3A_315[0] : i32 from vector<1xi32>
          %parallel_loop3A_317 = arith.constant 16 : i32
          %parallel_loop3A_318 = arith.muli %parallel_loop3A_129, %parallel_loop3A_317 : i32
          %parallel_loop3A_319 = arith.constant 12 : i32
          %parallel_loop3A_320 = arith.addi %parallel_loop3A_318, %parallel_loop3A_319 : i32
          %parallel_loop3A_321 = arith.index_cast %parallel_loop3A_320 : i32 to index
          %parallel_loop3A_322 = arith.constant 0 : index
          %parallel_loop3A_323 = tpu.vector_load %arg7[%parallel_loop3A_321, %parallel_loop3A_322] {strides = array<i32>} : memref<128x256xf32, #tpu.memory_space<vmem>>, vector<16xf32>,
          %parallel_loop3A_324 = arith.index_cast %parallel_loop3A_316 : i32 to index
          %parallel_loop3A_325 = arith.constant 0 : index
          %parallel_loop3A_326 = tpu.vector_load %arg6[%parallel_loop3A_324, %parallel_loop3A_325] {strides = array<i32>} : memref<161x272xf32, #tpu.memory_space<vmem>>, vector<16xf32>,
          tpu.vector_store %arg6[%parallel_loop3A_324, %parallel_loop3A_325], %parallel_loop3A_323 {add = true, strides = array<i32>} : memref<161x272xf32, #tpu.memory_space<vmem>>, vector<16xf32>,
          %parallel_loop3A_327 = arith.index_cast %parallel_loop3A_316 : i32 to index
          %parallel_loop3A_328 = arith.constant 256 : index
          %parallel_loop3A_329 = tpu.vector_load %arg6[%parallel_loop3A_327, %parallel_loop3A_328] {strides = array<i32>} : memref<161x272xf32, #tpu.memory_space<vmem>>, vector<16xf32>,
          tpu.vector_store %arg6[%parallel_loop3A_327, %parallel_loop3A_328], %select_n3A {add = true, strides = array<i32>} : memref<161x272xf32, #tpu.memory_space<vmem>>, vector<16xf32>,
          %parallel_loop3A_330 = vector.extract_strided_slice %parallel_loop3A_134 {offsets = [13], sizes = [1], strides = [1]} : vector<16xi32> to vector<1xi32>
          %parallel_loop3A_331 = vector.extract %parallel_loop3A_330[0] : i32 from vector<1xi32>
          %parallel_loop3A_332 = arith.constant 16 : i32
          %parallel_loop3A_333 = arith.muli %parallel_loop3A_129, %parallel_loop3A_332 : i32
          %parallel_loop3A_334 = arith.constant 13 : i32
          %parallel_loop3A_335 = arith.addi %parallel_loop3A_333, %parallel_loop3A_334 : i32
          %parallel_loop3A_336 = arith.index_cast %parallel_loop3A_335 : i32 to index
          %parallel_loop3A_337 = arith.constant 0 : index
          %parallel_loop3A_338 = tpu.vector_load %arg7[%parallel_loop3A_336, %parallel_loop3A_337] {strides = array<i32>} : memref<128x256xf32, #tpu.memory_space<vmem>>, vector<16xf32>,
          %parallel_loop3A_339 = arith.index_cast %parallel_loop3A_331 : i32 to index
          %parallel_loop3A_340 = arith.constant 0 : index
          %parallel_loop3A_341 = tpu.vector_load %arg6[%parallel_loop3A_339, %parallel_loop3A_340] {strides = array<i32>} : memref<161x272xf32, #tpu.memory_space<vmem>>, vector<16xf32>,
          tpu.vector_store %arg6[%parallel_loop3A_339, %parallel_loop3A_340], %parallel_loop3A_338 {add = true, strides = array<i32>} : memref<161x272xf32, #tpu.memory_space<vmem>>, vector<16xf32>,
          %parallel_loop3A_342 = arith.index_cast %parallel_loop3A_331 : i32 to index
          %parallel_loop3A_343 = arith.constant 256 : index
          %parallel_loop3A_344 = tpu.vector_load %arg6[%parallel_loop3A_342, %parallel_loop3A_343] {strides = array<i32>} : memref<161x272xf32, #tpu.memory_space<vmem>>, vector<16xf32>,
          tpu.vector_store %arg6[%parallel_loop3A_342, %parallel_loop3A_343], %select_n3A {add = true, strides = array<i32>} : memref<161x272xf32, #tpu.memory_space<vmem>>, vector<16xf32>,
          %parallel_loop3A_345 = vector.extract_strided_slice %parallel_loop3A_134 {offsets = [14], sizes = [1], strides = [1]} : vector<16xi32> to vector<1xi32>
          %parallel_loop3A_346 = vector.extract %parallel_loop3A_345[0] : i32 from vector<1xi32>
          %parallel_loop3A_347 = arith.constant 16 : i32
          %parallel_loop3A_348 = arith.muli %parallel_loop3A_129, %parallel_loop3A_347 : i32
          %parallel_loop3A_349 = arith.constant 14 : i32
          %parallel_loop3A_350 = arith.addi %parallel_loop3A_348, %parallel_loop3A_349 : i32
          %parallel_loop3A_351 = arith.index_cast %parallel_loop3A_350 : i32 to index
          %parallel_loop3A_352 = arith.constant 0 : index
          %parallel_loop3A_353 = tpu.vector_load %arg7[%parallel_loop3A_351, %parallel_loop3A_352] {strides = array<i32>} : memref<128x256xf32, #tpu.memory_space<vmem>>, vector<16xf32>,
          %parallel_loop3A_354 = arith.index_cast %parallel_loop3A_346 : i32 to index
          %parallel_loop3A_355 = arith.constant 0 : index
          %parallel_loop3A_356 = tpu.vector_load %arg6[%parallel_loop3A_354, %parallel_loop3A_355] {strides = array<i32>} : memref<161x272xf32, #tpu.memory_space<vmem>>, vector<16xf32>,
          tpu.vector_store %arg6[%parallel_loop3A_354, %parallel_loop3A_355], %parallel_loop3A_353 {add = true, strides = array<i32>} : memref<161x272xf32, #tpu.memory_space<vmem>>, vector<16xf32>,
          %parallel_loop3A_357 = arith.index_cast %parallel_loop3A_346 : i32 to index
          %parallel_loop3A_358 = arith.constant 256 : index
          %parallel_loop3A_359 = tpu.vector_load %arg6[%parallel_loop3A_357, %parallel_loop3A_358] {strides = array<i32>} : memref<161x272xf32, #tpu.memory_space<vmem>>, vector<16xf32>,
          tpu.vector_store %arg6[%parallel_loop3A_357, %parallel_loop3A_358], %select_n3A {add = true, strides = array<i32>} : memref<161x272xf32, #tpu.memory_space<vmem>>, vector<16xf32>,
          %parallel_loop3A_360 = vector.extract_strided_slice %parallel_loop3A_134 {offsets = [15], sizes = [1], strides = [1]} : vector<16xi32> to vector<1xi32>
          %parallel_loop3A_361 = vector.extract %parallel_loop3A_360[0] : i32 from vector<1xi32>
          %parallel_loop3A_362 = arith.constant 16 : i32
          %parallel_loop3A_363 = arith.muli %parallel_loop3A_129, %parallel_loop3A_362 : i32
          %parallel_loop3A_364 = arith.constant 15 : i32
          %parallel_loop3A_365 = arith.addi %parallel_loop3A_363, %parallel_loop3A_364 : i32
          %parallel_loop3A_366 = arith.index_cast %parallel_loop3A_365 : i32 to index
          %parallel_loop3A_367 = arith.constant 0 : index
          %parallel_loop3A_368 = tpu.vector_load %arg7[%parallel_loop3A_366, %parallel_loop3A_367] {strides = array<i32>} : memref<128x256xf32, #tpu.memory_space<vmem>>, vector<16xf32>,
          %parallel_loop3A_369 = arith.index_cast %parallel_loop3A_361 : i32 to index
          %parallel_loop3A_370 = arith.constant 0 : index
          %parallel_loop3A_371 = tpu.vector_load %arg6[%parallel_loop3A_369, %parallel_loop3A_370] {strides = array<i32>} : memref<161x272xf32, #tpu.memory_space<vmem>>, vector<16xf32>,
          tpu.vector_store %arg6[%parallel_loop3A_369, %parallel_loop3A_370], %parallel_loop3A_368 {add = true, strides = array<i32>} : memref<161x272xf32, #tpu.memory_space<vmem>>, vector<16xf32>,
          %parallel_loop3A_372 = arith.index_cast %parallel_loop3A_361 : i32 to index
          %parallel_loop3A_373 = arith.constant 256 : index
          %parallel_loop3A_374 = tpu.vector_load %arg6[%parallel_loop3A_372, %parallel_loop3A_373] {strides = array<i32>} : memref<161x272xf32, #tpu.memory_space<vmem>>, vector<16xf32>,
          tpu.vector_store %arg6[%parallel_loop3A_372, %parallel_loop3A_373], %select_n3A {add = true, strides = array<i32>} : memref<161x272xf32, #tpu.memory_space<vmem>>, vector<16xf32>,
        } {sc.loop_unroll_factor = 2 : i64, sc.parallel_access}
        %while3A_128 = arith.constant 0 : i32
        scf.yield %while3A_128 : i32
      }
      %scan3A_117 = arith.constant 0 : i32
      scf.yield %scan3A_117 : i32
    }
    %scan3A_32 = arith.constant 10 : i32
    %broadcast_in_dim3A_33 = arith.constant 256 : i32
    %broadcast_in_dim3A_34 = vector.broadcast %broadcast_in_dim3A_33 : i32 to vector<16xi32>
    %scan3A_35 = arith.constant 0 : i32
    %scan3A_36 = arith.constant 0 : i32
    %scan3A_37 = arith.constant 10 : i32
    %scan3A_38 = arith.addi %scan3A_36, %scan3A_37 : i32
    %scan3A_39 = arith.constant 1 : i32
    %scan3A_40 = scf.for %scan3A_44 = %scan3A_36 to %scan3A_38 step %scan3A_39 iter_args(%scan3A_45 = %scan3A_35) -> (i32)  : i32 {
      %mul3A_46 = arith.constant 16 : i32
      %mul3A_47 = arith.muli %scan3A_44, %mul3A_46 : i32
      %add3A_48 = vector.broadcast %mul3A_47 : i32 to vector<16xi32>
      %add3A_49 = arith.addi %add3A_48, %iota3A : vector<16xi32>
      %gather3A = tpu.vector_load_idx %arg6[%add3A_49, %broadcast_in_dim3A_34] : memref<161x272xf32, #tpu.memory_space<vmem>>[vector<16xi32>, vector<16xi32>], vector<16xf32>,
      %mul3A_50 = arith.constant 16 : i32
      %mul3A_51 = arith.muli %scan3A_44, %mul3A_50 : i32
      %swap3A = arith.index_cast %mul3A_51 : i32 to index
      %swap3A_52 = tpu.vector_load %arg11[%swap3A] {strides = array<i32>} : memref<160xf32, #tpu.memory_space<vmem>>, vector<16xf32>,
      tpu.vector_store %arg11[%swap3A], %gather3A {strides = array<i32>} : memref<160xf32, #tpu.memory_space<vmem>>, vector<16xf32>,
      %scan3A_53 = arith.constant 0 : i32
      scf.yield %scan3A_53 : i32
    }
    %scan3A_41 = arith.constant 10 : i32
    %mul3A_42 = arith.constant 160 : i32
    %mul3A_43 = arith.muli %add3A, %mul3A_42 : i32
    %multiple_of3A = tpu.assume_multiple %mul3A_43, 8 : i32
    "tpu.region"() ({
      %run_scoped3A = tpu.sem_alloc : memref<!tpu.dma_semaphore, #tpu.memory_space<semaphore_mem>>
      %dma_start3A = arith.constant 0 : i32
      %dma_start3A_44 = arith.constant 0 : i32
      %dma_start3A_45 = tpu.memref_slice %arg6[%dma_start3A, %dma_start3A_44] : memref<161x272xf32, #tpu.memory_space<vmem>> -> memref<160x256xf32, #tpu.memory_space<vmem>>
      %dma_start3A_46 = arith.constant 0 : i32
      %dma_start3A_47 = tpu.memref_slice %arg4[%multiple_of3A, %dma_start3A_46] : memref<5120x256xf32, #tpu.memory_space<hbm>> -> memref<160x256xf32, #tpu.memory_space<hbm>>
      %dma_start3A_48 = arith.constant 0 : i32
      %dma_start3A_49 = tpu.memref_slice %arg4[%multiple_of3A, %dma_start3A_48] : memref<5120x256xf32, #tpu.memory_space<hbm>> -> memref<160x256xf32, #tpu.memory_space<hbm>>
      %dma_start3A_50 = arith.constant 0 : i32
      %dma_start3A_51 = arith.constant 0 : i32
      %dma_start3A_52 = tpu.memref_slice %arg6[%dma_start3A_50, %dma_start3A_51] : memref<161x272xf32, #tpu.memory_space<vmem>> -> memref<160x256xf32, #tpu.memory_space<vmem>>
      tpu.enqueue_dma source(%dma_start3A_52 : memref<160x256xf32, #tpu.memory_space<vmem>>) target(%dma_start3A_49 : memref<160x256xf32, #tpu.memory_space<hbm>>) target_semaphore(%run_scoped3A : memref<!tpu.dma_semaphore, #tpu.memory_space<semaphore_mem>>)
      %dma_wait3A = arith.constant 0 : i32
      %dma_wait3A_53 = arith.constant 0 : i32
      %dma_wait3A_54 = tpu.memref_slice %arg6[%dma_wait3A, %dma_wait3A_53] : memref<161x272xf32, #tpu.memory_space<vmem>> -> memref<160x256xf32, #tpu.memory_space<vmem>>
      %dma_wait3A_55 = arith.constant 0 : i32
      %dma_wait3A_56 = tpu.memref_slice %arg4[%multiple_of3A, %dma_wait3A_55] : memref<5120x256xf32, #tpu.memory_space<hbm>> -> memref<160x256xf32, #tpu.memory_space<hbm>>
      %dma_wait3A_57 = arith.constant 0 : i32
      %dma_wait3A_58 = tpu.memref_slice %arg4[%multiple_of3A, %dma_wait3A_57] : memref<5120x256xf32, #tpu.memory_space<hbm>> -> memref<160x256xf32, #tpu.memory_space<hbm>>
      %dma_wait3A_59 = arith.constant 0 : i32
      %dma_wait3A_60 = arith.constant 0 : i32
      %dma_wait3A_61 = tpu.memref_slice %arg6[%dma_wait3A_59, %dma_wait3A_60] : memref<161x272xf32, #tpu.memory_space<vmem>> -> memref<160x256xf32, #tpu.memory_space<vmem>>
      tpu.wait_dma2 semaphore(%run_scoped3A : memref<!tpu.dma_semaphore, #tpu.memory_space<semaphore_mem>>) src(%dma_wait3A_61 : memref<160x256xf32, #tpu.memory_space<vmem>>) dst(%dma_wait3A_58 : memref<160x256xf32, #tpu.memory_space<hbm>>)
      tpu.yield
    }) : () -> ()
    "tpu.region"() ({
      %run_scoped3A = tpu.sem_alloc : memref<!tpu.dma_semaphore, #tpu.memory_space<semaphore_mem>>
      %dma_start3A = arith.constant 0 : i32
      %dma_start3A_44 = tpu.memref_slice %arg11[%dma_start3A] : memref<160xf32, #tpu.memory_space<vmem>> -> memref<160xf32, #tpu.memory_space<vmem>>
      %dma_start3A_45 = tpu.memref_slice %arg5[%multiple_of3A] : memref<5120xf32, #tpu.memory_space<hbm>> -> memref<160xf32, #tpu.memory_space<hbm>>
      %dma_start3A_46 = tpu.memref_slice %arg5[%multiple_of3A] : memref<5120xf32, #tpu.memory_space<hbm>> -> memref<160xf32, #tpu.memory_space<hbm>>
      %dma_start3A_47 = arith.constant 0 : i32
      %dma_start3A_48 = tpu.memref_slice %arg11[%dma_start3A_47] : memref<160xf32, #tpu.memory_space<vmem>> -> memref<160xf32, #tpu.memory_space<vmem>>
      tpu.enqueue_dma source(%dma_start3A_48 : memref<160xf32, #tpu.memory_space<vmem>>) target(%dma_start3A_46 : memref<160xf32, #tpu.memory_space<hbm>>) target_semaphore(%run_scoped3A : memref<!tpu.dma_semaphore, #tpu.memory_space<semaphore_mem>>)
      %dma_wait3A = arith.constant 0 : i32
      %dma_wait3A_49 = tpu.memref_slice %arg11[%dma_wait3A] : memref<160xf32, #tpu.memory_space<vmem>> -> memref<160xf32, #tpu.memory_space<vmem>>
      %dma_wait3A_50 = tpu.memref_slice %arg5[%multiple_of3A] : memref<5120xf32, #tpu.memory_space<hbm>> -> memref<160xf32, #tpu.memory_space<hbm>>
      %dma_wait3A_51 = tpu.memref_slice %arg5[%multiple_of3A] : memref<5120xf32, #tpu.memory_space<hbm>> -> memref<160xf32, #tpu.memory_space<hbm>>
      %dma_wait3A_52 = arith.constant 0 : i32
      %dma_wait3A_53 = tpu.memref_slice %arg11[%dma_wait3A_52] : memref<160xf32, #tpu.memory_space<vmem>> -> memref<160xf32, #tpu.memory_space<vmem>>
      tpu.wait_dma2 semaphore(%run_scoped3A : memref<!tpu.dma_semaphore, #tpu.memory_space<semaphore_mem>>) src(%dma_wait3A_53 : memref<160xf32, #tpu.memory_space<vmem>>) dst(%dma_wait3A_51 : memref<160xf32, #tpu.memory_space<hbm>>)
      tpu.yield
    }) : () -> ()
    return
  }
}

#map = affine_map<(d0, d1) -> (0, 0)>
#map1 = affine_map<(d0, d1) -> (0)>
module attributes {stable_mosaic.version = 14 : i64} {
  func.func @_gather_body(%arg0: i32, %arg1: i32, %arg2: memref<5120x256xf32, #tpu.memory_space<hbm>>, %arg3: memref<5120xi32, #tpu.memory_space<hbm>>, %arg4: memref<50000xi32, #tpu.memory_space<hbm>>, %arg5: memref<50000x256xf32, #tpu.memory_space<hbm>>, %arg6: memref<5120xi32, #tpu.memory_space<vmem>>, %arg7: memref<128xi32, #tpu.memory_space<vmem>>, %arg8: memref<128xi32, #tpu.memory_space<vmem>>, %arg9: memref<128x256xf32, #tpu.memory_space<vmem>>, %arg10: memref<80xi32, #tpu.memory_space<vmem>>, %arg11: memref<80xi32, #tpu.memory_space<vmem>>, %arg12: memref<80x256xf32, #tpu.memory_space<vmem>>) attributes {dimension_semantics = [#tpu.dimension_semantics<core_parallel>, #tpu.dimension_semantics<subcore_parallel>], iteration_bounds = array<i64: 2, 16>, scalar_prefetch = 0 : i64, scratch_operands = 7 : i64, tpu.core_type = #tpu.core_type<sc_vector_subcore>, window_params = [{transform_indices = #map}, {transform_indices = #map1}, {transform_indices = #map1}, {transform_indices = #map}]} {
    %mul3A = arith.constant 16 : i32
    %mul3A_0 = arith.muli %arg0, %mul3A : i32
    %add3A = arith.addi %mul3A_0, %arg1 : i32
    "tpu.region"() ({
      %run_scoped3A = tpu.sem_alloc : memref<!tpu.dma_semaphore, #tpu.memory_space<semaphore_mem>>
      tpu.enqueue_dma source(%arg3 : memref<5120xi32, #tpu.memory_space<hbm>>) target(%arg6 : memref<5120xi32, #tpu.memory_space<vmem>>) target_semaphore(%run_scoped3A : memref<!tpu.dma_semaphore, #tpu.memory_space<semaphore_mem>>)
      tpu.wait_dma2 semaphore(%run_scoped3A : memref<!tpu.dma_semaphore, #tpu.memory_space<semaphore_mem>>) src(%arg3 : memref<5120xi32, #tpu.memory_space<hbm>>) dst(%arg6 : memref<5120xi32, #tpu.memory_space<vmem>>)
      tpu.yield
    }) : () -> ()
    %scan3A = arith.constant 0 : i32
    %scan3A_1 = arith.constant 0 : i32
    %scan3A_2 = arith.constant 13 : i32
    %scan3A_3 = arith.addi %scan3A_1, %scan3A_2 : i32
    %scan3A_4 = arith.constant 1 : i32
    %scan3A_5 = scf.for %scan3A_7 = %scan3A_1 to %scan3A_3 step %scan3A_4 iter_args(%scan3A_8 = %scan3A) -> (i32)  : i32 {
      %mul3A_9 = arith.constant 32 : i32
      %mul3A_10 = arith.muli %mul3A_9, %scan3A_7 : i32
      %add3A_11 = arith.addi %add3A, %mul3A_10 : i32
      %mul3A_12 = arith.constant 128 : i32
      %mul3A_13 = arith.muli %add3A_11, %mul3A_12 : i32
      %multiple_of3A = tpu.assume_multiple %mul3A_13, 8 : i32
      %lt3A = arith.constant 390 : i32
      %lt3A_14 = arith.cmpi slt, %add3A_11, %lt3A : i32
      %convert_element_type3A = arith.extui %lt3A_14 : i1 to i32
      %cond3A = arith.constant 0 : i32
      %cond3A_15 = arith.cmpi ne, %convert_element_type3A, %cond3A : i32
      scf.if %cond3A_15 {
        "tpu.region"() ({
          %run_scoped3A = tpu.sem_alloc : memref<!tpu.dma_semaphore, #tpu.memory_space<semaphore_mem>>
          %dma_start3A = tpu.memref_slice %arg4[%multiple_of3A] : memref<50000xi32, #tpu.memory_space<hbm>> -> memref<128xi32, #tpu.memory_space<hbm>>
          %dma_start3A_58 = tpu.memref_slice %arg4[%multiple_of3A] : memref<50000xi32, #tpu.memory_space<hbm>> -> memref<128xi32, #tpu.memory_space<hbm>>
          tpu.enqueue_dma source(%dma_start3A_58 : memref<128xi32, #tpu.memory_space<hbm>>) target(%arg7 : memref<128xi32, #tpu.memory_space<vmem>>) target_semaphore(%run_scoped3A : memref<!tpu.dma_semaphore, #tpu.memory_space<semaphore_mem>>)
          %dma_wait3A = tpu.memref_slice %arg4[%multiple_of3A] : memref<50000xi32, #tpu.memory_space<hbm>> -> memref<128xi32, #tpu.memory_space<hbm>>
          %dma_wait3A_59 = tpu.memref_slice %arg4[%multiple_of3A] : memref<50000xi32, #tpu.memory_space<hbm>> -> memref<128xi32, #tpu.memory_space<hbm>>
          tpu.wait_dma2 semaphore(%run_scoped3A : memref<!tpu.dma_semaphore, #tpu.memory_space<semaphore_mem>>) src(%dma_wait3A_59 : memref<128xi32, #tpu.memory_space<hbm>>) dst(%arg7 : memref<128xi32, #tpu.memory_space<vmem>>)
          tpu.yield
        }) : () -> ()
        %get3A = arith.constant 0 : index
        %get3A_21 = tpu.vector_load %arg7[%get3A] {strides = array<i32>} : memref<128xi32, #tpu.memory_space<vmem>>, vector<16xi32>,
        %gather3A = tpu.vector_load_idx %arg6[%get3A_21] : memref<5120xi32, #tpu.memory_space<vmem>>[vector<16xi32>], vector<16xi32>,
        %swap3A = arith.constant 0 : index
        %swap3A_22 = tpu.vector_load %arg8[%swap3A] {strides = array<i32>} : memref<128xi32, #tpu.memory_space<vmem>>, vector<16xi32>,
        tpu.vector_store %arg8[%swap3A], %gather3A {strides = array<i32>} : memref<128xi32, #tpu.memory_space<vmem>>, vector<16xi32>,
        %get3A_23 = arith.constant 16 : index
        %get3A_24 = tpu.vector_load %arg7[%get3A_23] {strides = array<i32>} : memref<128xi32, #tpu.memory_space<vmem>>, vector<16xi32>,
        %gather3A_25 = tpu.vector_load_idx %arg6[%get3A_24] : memref<5120xi32, #tpu.memory_space<vmem>>[vector<16xi32>], vector<16xi32>,
        %swap3A_26 = arith.constant 16 : index
        %swap3A_27 = tpu.vector_load %arg8[%swap3A_26] {strides = array<i32>} : memref<128xi32, #tpu.memory_space<vmem>>, vector<16xi32>,
        tpu.vector_store %arg8[%swap3A_26], %gather3A_25 {strides = array<i32>} : memref<128xi32, #tpu.memory_space<vmem>>, vector<16xi32>,
        %get3A_28 = arith.constant 32 : index
        %get3A_29 = tpu.vector_load %arg7[%get3A_28] {strides = array<i32>} : memref<128xi32, #tpu.memory_space<vmem>>, vector<16xi32>,
        %gather3A_30 = tpu.vector_load_idx %arg6[%get3A_29] : memref<5120xi32, #tpu.memory_space<vmem>>[vector<16xi32>], vector<16xi32>,
        %swap3A_31 = arith.constant 32 : index
        %swap3A_32 = tpu.vector_load %arg8[%swap3A_31] {strides = array<i32>} : memref<128xi32, #tpu.memory_space<vmem>>, vector<16xi32>,
        tpu.vector_store %arg8[%swap3A_31], %gather3A_30 {strides = array<i32>} : memref<128xi32, #tpu.memory_space<vmem>>, vector<16xi32>,
        %get3A_33 = arith.constant 48 : index
        %get3A_34 = tpu.vector_load %arg7[%get3A_33] {strides = array<i32>} : memref<128xi32, #tpu.memory_space<vmem>>, vector<16xi32>,
        %gather3A_35 = tpu.vector_load_idx %arg6[%get3A_34] : memref<5120xi32, #tpu.memory_space<vmem>>[vector<16xi32>], vector<16xi32>,
        %swap3A_36 = arith.constant 48 : index
        %swap3A_37 = tpu.vector_load %arg8[%swap3A_36] {strides = array<i32>} : memref<128xi32, #tpu.memory_space<vmem>>, vector<16xi32>,
        tpu.vector_store %arg8[%swap3A_36], %gather3A_35 {strides = array<i32>} : memref<128xi32, #tpu.memory_space<vmem>>, vector<16xi32>,
        %get3A_38 = arith.constant 64 : index
        %get3A_39 = tpu.vector_load %arg7[%get3A_38] {strides = array<i32>} : memref<128xi32, #tpu.memory_space<vmem>>, vector<16xi32>,
        %gather3A_40 = tpu.vector_load_idx %arg6[%get3A_39] : memref<5120xi32, #tpu.memory_space<vmem>>[vector<16xi32>], vector<16xi32>,
        %swap3A_41 = arith.constant 64 : index
        %swap3A_42 = tpu.vector_load %arg8[%swap3A_41] {strides = array<i32>} : memref<128xi32, #tpu.memory_space<vmem>>, vector<16xi32>,
        tpu.vector_store %arg8[%swap3A_41], %gather3A_40 {strides = array<i32>} : memref<128xi32, #tpu.memory_space<vmem>>, vector<16xi32>,
        %get3A_43 = arith.constant 80 : index
        %get3A_44 = tpu.vector_load %arg7[%get3A_43] {strides = array<i32>} : memref<128xi32, #tpu.memory_space<vmem>>, vector<16xi32>,
        %gather3A_45 = tpu.vector_load_idx %arg6[%get3A_44] : memref<5120xi32, #tpu.memory_space<vmem>>[vector<16xi32>], vector<16xi32>,
        %swap3A_46 = arith.constant 80 : index
        %swap3A_47 = tpu.vector_load %arg8[%swap3A_46] {strides = array<i32>} : memref<128xi32, #tpu.memory_space<vmem>>, vector<16xi32>,
        tpu.vector_store %arg8[%swap3A_46], %gather3A_45 {strides = array<i32>} : memref<128xi32, #tpu.memory_space<vmem>>, vector<16xi32>,
        %get3A_48 = arith.constant 96 : index
        %get3A_49 = tpu.vector_load %arg7[%get3A_48] {strides = array<i32>} : memref<128xi32, #tpu.memory_space<vmem>>, vector<16xi32>,
        %gather3A_50 = tpu.vector_load_idx %arg6[%get3A_49] : memref<5120xi32, #tpu.memory_space<vmem>>[vector<16xi32>], vector<16xi32>,
        %swap3A_51 = arith.constant 96 : index
        %swap3A_52 = tpu.vector_load %arg8[%swap3A_51] {strides = array<i32>} : memref<128xi32, #tpu.memory_space<vmem>>, vector<16xi32>,
        tpu.vector_store %arg8[%swap3A_51], %gather3A_50 {strides = array<i32>} : memref<128xi32, #tpu.memory_space<vmem>>, vector<16xi32>,
        %get3A_53 = arith.constant 112 : index
        %get3A_54 = tpu.vector_load %arg7[%get3A_53] {strides = array<i32>} : memref<128xi32, #tpu.memory_space<vmem>>, vector<16xi32>,
        %gather3A_55 = tpu.vector_load_idx %arg6[%get3A_54] : memref<5120xi32, #tpu.memory_space<vmem>>[vector<16xi32>], vector<16xi32>,
        %swap3A_56 = arith.constant 112 : index
        %swap3A_57 = tpu.vector_load %arg8[%swap3A_56] {strides = array<i32>} : memref<128xi32, #tpu.memory_space<vmem>>, vector<16xi32>,
        tpu.vector_store %arg8[%swap3A_56], %gather3A_55 {strides = array<i32>} : memref<128xi32, #tpu.memory_space<vmem>>, vector<16xi32>,
        "tpu.region"() ({
          %run_scoped3A = tpu.sem_alloc : memref<!tpu.dma_semaphore, #tpu.memory_space<semaphore_mem>>
          %dma_start3A = arith.constant 0 : i32
          %dma_start3A_58 = arith.constant 0 : i32
          %dma_start3A_59 = tpu.memref_slice %arg2[%dma_start3A, %dma_start3A_58] : memref<5120x256xf32, #tpu.memory_space<hbm>> -> memref<5120x256xf32, #tpu.memory_space<hbm>>
          tpu.enqueue_indirect_dma source(%dma_start3A_59 : memref<5120x256xf32, #tpu.memory_space<hbm>>) target(%arg9 : memref<128x256xf32, #tpu.memory_space<vmem>>) offsets(%arg8 : memref<128xi32, #tpu.memory_space<vmem>>) semaphore(%run_scoped3A : memref<!tpu.dma_semaphore, #tpu.memory_space<semaphore_mem>>)
          %dma_wait3A = arith.constant 0 : i32
          %dma_wait3A_60 = arith.constant 0 : i32
          %dma_wait3A_61 = tpu.memref_slice %arg2[%dma_wait3A, %dma_wait3A_60] : memref<5120x256xf32, #tpu.memory_space<hbm>> -> memref<5120x256xf32, #tpu.memory_space<hbm>>
          tpu.wait_indirect_dma semaphore(%run_scoped3A : memref<!tpu.dma_semaphore, #tpu.memory_space<semaphore_mem>>) src(%dma_wait3A_61 : memref<5120x256xf32, #tpu.memory_space<hbm>>) dst(%arg9 : memref<128x256xf32, #tpu.memory_space<vmem>>)
          tpu.yield
        }) : () -> ()
        "tpu.region"() ({
          %run_scoped3A = tpu.sem_alloc : memref<!tpu.dma_semaphore, #tpu.memory_space<semaphore_mem>>
          %dma_start3A = arith.constant 0 : i32
          %dma_start3A_58 = tpu.memref_slice %arg5[%multiple_of3A, %dma_start3A] : memref<50000x256xf32, #tpu.memory_space<hbm>> -> memref<128x256xf32, #tpu.memory_space<hbm>>
          %dma_start3A_59 = arith.constant 0 : i32
          %dma_start3A_60 = tpu.memref_slice %arg5[%multiple_of3A, %dma_start3A_59] : memref<50000x256xf32, #tpu.memory_space<hbm>> -> memref<128x256xf32, #tpu.memory_space<hbm>>
          tpu.enqueue_dma source(%arg9 : memref<128x256xf32, #tpu.memory_space<vmem>>) target(%dma_start3A_60 : memref<128x256xf32, #tpu.memory_space<hbm>>) target_semaphore(%run_scoped3A : memref<!tpu.dma_semaphore, #tpu.memory_space<semaphore_mem>>)
          %dma_wait3A = arith.constant 0 : i32
          %dma_wait3A_61 = tpu.memref_slice %arg5[%multiple_of3A, %dma_wait3A] : memref<50000x256xf32, #tpu.memory_space<hbm>> -> memref<128x256xf32, #tpu.memory_space<hbm>>
          %dma_wait3A_62 = arith.constant 0 : i32
          %dma_wait3A_63 = tpu.memref_slice %arg5[%multiple_of3A, %dma_wait3A_62] : memref<50000x256xf32, #tpu.memory_space<hbm>> -> memref<128x256xf32, #tpu.memory_space<hbm>>
          tpu.wait_dma2 semaphore(%run_scoped3A : memref<!tpu.dma_semaphore, #tpu.memory_space<semaphore_mem>>) src(%arg9 : memref<128x256xf32, #tpu.memory_space<vmem>>) dst(%dma_wait3A_63 : memref<128x256xf32, #tpu.memory_space<hbm>>)
          tpu.yield
        }) : () -> ()
      } else {
      }
      %eq3A = arith.constant 390 : i32
      %eq3A_16 = arith.cmpi eq, %add3A_11, %eq3A : i32
      %convert_element_type3A_17 = arith.extui %eq3A_16 : i1 to i32
      %cond3A_18 = arith.constant 0 : i32
      %cond3A_19 = arith.cmpi ne, %convert_element_type3A_17, %cond3A_18 : i32
      scf.if %cond3A_19 {
        "tpu.region"() ({
          %run_scoped3A = tpu.sem_alloc : memref<!tpu.dma_semaphore, #tpu.memory_space<semaphore_mem>>
          %dma_start3A = tpu.memref_slice %arg4[%multiple_of3A] : memref<50000xi32, #tpu.memory_space<hbm>> -> memref<80xi32, #tpu.memory_space<hbm>>
          %dma_start3A_43 = tpu.memref_slice %arg4[%multiple_of3A] : memref<50000xi32, #tpu.memory_space<hbm>> -> memref<80xi32, #tpu.memory_space<hbm>>
          tpu.enqueue_dma source(%dma_start3A_43 : memref<80xi32, #tpu.memory_space<hbm>>) target(%arg10 : memref<80xi32, #tpu.memory_space<vmem>>) target_semaphore(%run_scoped3A : memref<!tpu.dma_semaphore, #tpu.memory_space<semaphore_mem>>)
          %dma_wait3A = tpu.memref_slice %arg4[%multiple_of3A] : memref<50000xi32, #tpu.memory_space<hbm>> -> memref<80xi32, #tpu.memory_space<hbm>>
          %dma_wait3A_44 = tpu.memref_slice %arg4[%multiple_of3A] : memref<50000xi32, #tpu.memory_space<hbm>> -> memref<80xi32, #tpu.memory_space<hbm>>
          tpu.wait_dma2 semaphore(%run_scoped3A : memref<!tpu.dma_semaphore, #tpu.memory_space<semaphore_mem>>) src(%dma_wait3A_44 : memref<80xi32, #tpu.memory_space<hbm>>) dst(%arg10 : memref<80xi32, #tpu.memory_space<vmem>>)
          tpu.yield
        }) : () -> ()
        %get3A = arith.constant 0 : index
        %get3A_21 = tpu.vector_load %arg10[%get3A] {strides = array<i32>} : memref<80xi32, #tpu.memory_space<vmem>>, vector<16xi32>,
        %gather3A = tpu.vector_load_idx %arg6[%get3A_21] : memref<5120xi32, #tpu.memory_space<vmem>>[vector<16xi32>], vector<16xi32>,
        %swap3A = arith.constant 0 : index
        %swap3A_22 = tpu.vector_load %arg11[%swap3A] {strides = array<i32>} : memref<80xi32, #tpu.memory_space<vmem>>, vector<16xi32>,
        tpu.vector_store %arg11[%swap3A], %gather3A {strides = array<i32>} : memref<80xi32, #tpu.memory_space<vmem>>, vector<16xi32>,
        %get3A_23 = arith.constant 16 : index
        %get3A_24 = tpu.vector_load %arg10[%get3A_23] {strides = array<i32>} : memref<80xi32, #tpu.memory_space<vmem>>, vector<16xi32>,
        %gather3A_25 = tpu.vector_load_idx %arg6[%get3A_24] : memref<5120xi32, #tpu.memory_space<vmem>>[vector<16xi32>], vector<16xi32>,
        %swap3A_26 = arith.constant 16 : index
        %swap3A_27 = tpu.vector_load %arg11[%swap3A_26] {strides = array<i32>} : memref<80xi32, #tpu.memory_space<vmem>>, vector<16xi32>,
        tpu.vector_store %arg11[%swap3A_26], %gather3A_25 {strides = array<i32>} : memref<80xi32, #tpu.memory_space<vmem>>, vector<16xi32>,
        %get3A_28 = arith.constant 32 : index
        %get3A_29 = tpu.vector_load %arg10[%get3A_28] {strides = array<i32>} : memref<80xi32, #tpu.memory_space<vmem>>, vector<16xi32>,
        %gather3A_30 = tpu.vector_load_idx %arg6[%get3A_29] : memref<5120xi32, #tpu.memory_space<vmem>>[vector<16xi32>], vector<16xi32>,
        %swap3A_31 = arith.constant 32 : index
        %swap3A_32 = tpu.vector_load %arg11[%swap3A_31] {strides = array<i32>} : memref<80xi32, #tpu.memory_space<vmem>>, vector<16xi32>,
        tpu.vector_store %arg11[%swap3A_31], %gather3A_30 {strides = array<i32>} : memref<80xi32, #tpu.memory_space<vmem>>, vector<16xi32>,
        %get3A_33 = arith.constant 48 : index
        %get3A_34 = tpu.vector_load %arg10[%get3A_33] {strides = array<i32>} : memref<80xi32, #tpu.memory_space<vmem>>, vector<16xi32>,
        %gather3A_35 = tpu.vector_load_idx %arg6[%get3A_34] : memref<5120xi32, #tpu.memory_space<vmem>>[vector<16xi32>], vector<16xi32>,
        %swap3A_36 = arith.constant 48 : index
        %swap3A_37 = tpu.vector_load %arg11[%swap3A_36] {strides = array<i32>} : memref<80xi32, #tpu.memory_space<vmem>>, vector<16xi32>,
        tpu.vector_store %arg11[%swap3A_36], %gather3A_35 {strides = array<i32>} : memref<80xi32, #tpu.memory_space<vmem>>, vector<16xi32>,
        %get3A_38 = arith.constant 64 : index
        %get3A_39 = tpu.vector_load %arg10[%get3A_38] {strides = array<i32>} : memref<80xi32, #tpu.memory_space<vmem>>, vector<16xi32>,
        %gather3A_40 = tpu.vector_load_idx %arg6[%get3A_39] : memref<5120xi32, #tpu.memory_space<vmem>>[vector<16xi32>], vector<16xi32>,
        %swap3A_41 = arith.constant 64 : index
        %swap3A_42 = tpu.vector_load %arg11[%swap3A_41] {strides = array<i32>} : memref<80xi32, #tpu.memory_space<vmem>>, vector<16xi32>,
        tpu.vector_store %arg11[%swap3A_41], %gather3A_40 {strides = array<i32>} : memref<80xi32, #tpu.memory_space<vmem>>, vector<16xi32>,
        "tpu.region"() ({
          %run_scoped3A = tpu.sem_alloc : memref<!tpu.dma_semaphore, #tpu.memory_space<semaphore_mem>>
          %dma_start3A = arith.constant 0 : i32
          %dma_start3A_43 = arith.constant 0 : i32
          %dma_start3A_44 = tpu.memref_slice %arg2[%dma_start3A, %dma_start3A_43] : memref<5120x256xf32, #tpu.memory_space<hbm>> -> memref<5120x256xf32, #tpu.memory_space<hbm>>
          tpu.enqueue_indirect_dma source(%dma_start3A_44 : memref<5120x256xf32, #tpu.memory_space<hbm>>) target(%arg12 : memref<80x256xf32, #tpu.memory_space<vmem>>) offsets(%arg11 : memref<80xi32, #tpu.memory_space<vmem>>) semaphore(%run_scoped3A : memref<!tpu.dma_semaphore, #tpu.memory_space<semaphore_mem>>)
          %dma_wait3A = arith.constant 0 : i32
          %dma_wait3A_45 = arith.constant 0 : i32
          %dma_wait3A_46 = tpu.memref_slice %arg2[%dma_wait3A, %dma_wait3A_45] : memref<5120x256xf32, #tpu.memory_space<hbm>> -> memref<5120x256xf32, #tpu.memory_space<hbm>>
          tpu.wait_indirect_dma semaphore(%run_scoped3A : memref<!tpu.dma_semaphore, #tpu.memory_space<semaphore_mem>>) src(%dma_wait3A_46 : memref<5120x256xf32, #tpu.memory_space<hbm>>) dst(%arg12 : memref<80x256xf32, #tpu.memory_space<vmem>>)
          tpu.yield
        }) : () -> ()
        "tpu.region"() ({
          %run_scoped3A = tpu.sem_alloc : memref<!tpu.dma_semaphore, #tpu.memory_space<semaphore_mem>>
          %dma_start3A = arith.constant 0 : i32
          %dma_start3A_43 = tpu.memref_slice %arg5[%multiple_of3A, %dma_start3A] : memref<50000x256xf32, #tpu.memory_space<hbm>> -> memref<80x256xf32, #tpu.memory_space<hbm>>
          %dma_start3A_44 = arith.constant 0 : i32
          %dma_start3A_45 = tpu.memref_slice %arg5[%multiple_of3A, %dma_start3A_44] : memref<50000x256xf32, #tpu.memory_space<hbm>> -> memref<80x256xf32, #tpu.memory_space<hbm>>
          tpu.enqueue_dma source(%arg12 : memref<80x256xf32, #tpu.memory_space<vmem>>) target(%dma_start3A_45 : memref<80x256xf32, #tpu.memory_space<hbm>>) target_semaphore(%run_scoped3A : memref<!tpu.dma_semaphore, #tpu.memory_space<semaphore_mem>>)
          %dma_wait3A = arith.constant 0 : i32
          %dma_wait3A_46 = tpu.memref_slice %arg5[%multiple_of3A, %dma_wait3A] : memref<50000x256xf32, #tpu.memory_space<hbm>> -> memref<80x256xf32, #tpu.memory_space<hbm>>
          %dma_wait3A_47 = arith.constant 0 : i32
          %dma_wait3A_48 = tpu.memref_slice %arg5[%multiple_of3A, %dma_wait3A_47] : memref<50000x256xf32, #tpu.memory_space<hbm>> -> memref<80x256xf32, #tpu.memory_space<hbm>>
          tpu.wait_dma2 semaphore(%run_scoped3A : memref<!tpu.dma_semaphore, #tpu.memory_space<semaphore_mem>>) src(%arg12 : memref<80x256xf32, #tpu.memory_space<vmem>>) dst(%dma_wait3A_48 : memref<80x256xf32, #tpu.memory_space<hbm>>)
          tpu.yield
        }) : () -> ()
      } else {
      }
      %scan3A_20 = arith.constant 0 : i32
      scf.yield %scan3A_20 : i32
    }
    %scan3A_6 = arith.constant 13 : i32
    return
  }
}

module attributes {stable_mosaic.version = 14 : i64} {
  func.func @_combine_body(%arg0: i32, %arg1: memref<1024x256xf32, #tpu.memory_space<vmem>>, %arg2: memref<1024x1xf32, #tpu.memory_space<vmem>>, %arg3: memref<1x5120xf32, #tpu.memory_space<vmem>>, %arg4: memref<1024x256xf32, #tpu.memory_space<vmem>>, %arg5: memref<1x5120xi32, #tpu.memory_space<vmem>>) attributes {dimension_semantics = [#tpu.dimension_semantics<arbitrary>], iteration_bounds = array<i64: 5>, scalar_prefetch = 0 : i64, scratch_operands = 0 : i64, tpu.core_type = #tpu.core_type<tc>, window_params = [{transform_indices = @transform_0, window_bounds = array<i64: 1024, 256>}, {transform_indices = @transform_1, window_bounds = array<i64: 1024, 1>}, {pipeline_mode = #tpu.pipeline_mode<synchronous>, transform_indices = @transform_2, window_bounds = array<i64: 1, 5120>}, {transform_indices = @transform_3, window_bounds = array<i64: 1024, 256>}, {pipeline_mode = #tpu.pipeline_mode<synchronous>, transform_indices = @transform_4, window_bounds = array<i64: 1, 5120>}]} {
    %get3A = arith.constant 0 : index
    %get3A_0 = arith.constant 0 : index
    %get3A_1 = vector.load %arg3[%get3A, %get3A_0] : memref<1x5120xf32, #tpu.memory_space<vmem>>, vector<1x5120xf32>
    %gt3A = arith.constant 0.000000e+00 : f32
    %gt3A_2 = vector.broadcast %gt3A : f32 to vector<1x5120xf32>
    %gt3A_3 = arith.cmpf ogt, %get3A_1, %gt3A_2 : vector<1x5120xf32>
    %iota3A = tpu.iota {dimensions = array<i32: 1>} : vector<1x5120xi32>
    %jit3A = arith.constant 1073741824 : i32
    %broadcast_in_dim3A = vector.broadcast %jit3A : i32 to vector<1x5120xi32>
    %select_n3A = arith.select %gt3A_3, %iota3A, %broadcast_in_dim3A : vector<1x5120xi1>, vector<1x5120xi32>
    %slice3A = vector.extract_strided_slice %select_n3A {offsets = [0, 1], sizes = [1, 5119], strides = [1, 1]} : vector<1x5120xi32> to vector<1x5119xi32>
    %broadcast_in_dim3A_4 = arith.constant 1073741824 : i32
    %broadcast_in_dim3A_5 = vector.broadcast %broadcast_in_dim3A_4 : i32 to vector<1x1xi32>
    %concatenate3A = tpu.concatenate %slice3A, %broadcast_in_dim3A_5 in 1 : vector<1x5119xi32>, vector<1x1xi32> -> vector<1x5120xi32>
    %min3A = arith.minsi %select_n3A, %concatenate3A : vector<1x5120xi32>
    %slice3A_6 = vector.extract_strided_slice %min3A {offsets = [0, 2], sizes = [1, 5118], strides = [1, 1]} : vector<1x5120xi32> to vector<1x5118xi32>
    %broadcast_in_dim3A_7 = arith.constant 1073741824 : i32
    %broadcast_in_dim3A_8 = vector.broadcast %broadcast_in_dim3A_7 : i32 to vector<1x2xi32>
    %concatenate3A_9 = tpu.concatenate %slice3A_6, %broadcast_in_dim3A_8 in 1 : vector<1x5118xi32>, vector<1x2xi32> -> vector<1x5120xi32>
    %min3A_10 = arith.minsi %min3A, %concatenate3A_9 : vector<1x5120xi32>
    %slice3A_11 = vector.extract_strided_slice %min3A_10 {offsets = [0, 4], sizes = [1, 5116], strides = [1, 1]} : vector<1x5120xi32> to vector<1x5116xi32>
    %broadcast_in_dim3A_12 = arith.constant 1073741824 : i32
    %broadcast_in_dim3A_13 = vector.broadcast %broadcast_in_dim3A_12 : i32 to vector<1x4xi32>
    %concatenate3A_14 = tpu.concatenate %slice3A_11, %broadcast_in_dim3A_13 in 1 : vector<1x5116xi32>, vector<1x4xi32> -> vector<1x5120xi32>
    %min3A_15 = arith.minsi %min3A_10, %concatenate3A_14 : vector<1x5120xi32>
    %slice3A_16 = vector.extract_strided_slice %min3A_15 {offsets = [0, 8], sizes = [1, 5112], strides = [1, 1]} : vector<1x5120xi32> to vector<1x5112xi32>
    %broadcast_in_dim3A_17 = arith.constant 1073741824 : i32
    %broadcast_in_dim3A_18 = vector.broadcast %broadcast_in_dim3A_17 : i32 to vector<1x8xi32>
    %concatenate3A_19 = tpu.concatenate %slice3A_16, %broadcast_in_dim3A_18 in 1 : vector<1x5112xi32>, vector<1x8xi32> -> vector<1x5120xi32>
    %min3A_20 = arith.minsi %min3A_15, %concatenate3A_19 : vector<1x5120xi32>
    %slice3A_21 = vector.extract_strided_slice %min3A_20 {offsets = [0, 16], sizes = [1, 5104], strides = [1, 1]} : vector<1x5120xi32> to vector<1x5104xi32>
    %broadcast_in_dim3A_22 = arith.constant 1073741824 : i32
    %broadcast_in_dim3A_23 = vector.broadcast %broadcast_in_dim3A_22 : i32 to vector<1x16xi32>
    %concatenate3A_24 = tpu.concatenate %slice3A_21, %broadcast_in_dim3A_23 in 1 : vector<1x5104xi32>, vector<1x16xi32> -> vector<1x5120xi32>
    %min3A_25 = arith.minsi %min3A_20, %concatenate3A_24 : vector<1x5120xi32>
    %slice3A_26 = vector.extract_strided_slice %min3A_25 {offsets = [0, 32], sizes = [1, 5088], strides = [1, 1]} : vector<1x5120xi32> to vector<1x5088xi32>
    %broadcast_in_dim3A_27 = arith.constant 1073741824 : i32
    %broadcast_in_dim3A_28 = vector.broadcast %broadcast_in_dim3A_27 : i32 to vector<1x32xi32>
    %concatenate3A_29 = tpu.concatenate %slice3A_26, %broadcast_in_dim3A_28 in 1 : vector<1x5088xi32>, vector<1x32xi32> -> vector<1x5120xi32>
    %min3A_30 = arith.minsi %min3A_25, %concatenate3A_29 : vector<1x5120xi32>
    %slice3A_31 = vector.extract_strided_slice %min3A_30 {offsets = [0, 64], sizes = [1, 5056], strides = [1, 1]} : vector<1x5120xi32> to vector<1x5056xi32>
    %broadcast_in_dim3A_32 = arith.constant 1073741824 : i32
    %broadcast_in_dim3A_33 = vector.broadcast %broadcast_in_dim3A_32 : i32 to vector<1x64xi32>
    %concatenate3A_34 = tpu.concatenate %slice3A_31, %broadcast_in_dim3A_33 in 1 : vector<1x5056xi32>, vector<1x64xi32> -> vector<1x5120xi32>
    %min3A_35 = arith.minsi %min3A_30, %concatenate3A_34 : vector<1x5120xi32>
    %slice3A_36 = vector.extract_strided_slice %min3A_35 {offsets = [0, 128], sizes = [1, 4992], strides = [1, 1]} : vector<1x5120xi32> to vector<1x4992xi32>
    %broadcast_in_dim3A_37 = arith.constant 1073741824 : i32
    %broadcast_in_dim3A_38 = vector.broadcast %broadcast_in_dim3A_37 : i32 to vector<1x128xi32>
    %concatenate3A_39 = tpu.concatenate %slice3A_36, %broadcast_in_dim3A_38 in 1 : vector<1x4992xi32>, vector<1x128xi32> -> vector<1x5120xi32>
    %min3A_40 = arith.minsi %min3A_35, %concatenate3A_39 : vector<1x5120xi32>
    %slice3A_41 = vector.extract_strided_slice %min3A_40 {offsets = [0, 256], sizes = [1, 4864], strides = [1, 1]} : vector<1x5120xi32> to vector<1x4864xi32>
    %broadcast_in_dim3A_42 = arith.constant 1073741824 : i32
    %broadcast_in_dim3A_43 = vector.broadcast %broadcast_in_dim3A_42 : i32 to vector<1x256xi32>
    %concatenate3A_44 = tpu.concatenate %slice3A_41, %broadcast_in_dim3A_43 in 1 : vector<1x4864xi32>, vector<1x256xi32> -> vector<1x5120xi32>
    %min3A_45 = arith.minsi %min3A_40, %concatenate3A_44 : vector<1x5120xi32>
    %slice3A_46 = vector.extract_strided_slice %min3A_45 {offsets = [0, 512], sizes = [1, 4608], strides = [1, 1]} : vector<1x5120xi32> to vector<1x4608xi32>
    %broadcast_in_dim3A_47 = arith.constant 1073741824 : i32
    %broadcast_in_dim3A_48 = vector.broadcast %broadcast_in_dim3A_47 : i32 to vector<1x512xi32>
    %concatenate3A_49 = tpu.concatenate %slice3A_46, %broadcast_in_dim3A_48 in 1 : vector<1x4608xi32>, vector<1x512xi32> -> vector<1x5120xi32>
    %min3A_50 = arith.minsi %min3A_45, %concatenate3A_49 : vector<1x5120xi32>
    %slice3A_51 = vector.extract_strided_slice %min3A_50 {offsets = [0, 1024], sizes = [1, 4096], strides = [1, 1]} : vector<1x5120xi32> to vector<1x4096xi32>
    %broadcast_in_dim3A_52 = arith.constant 1073741824 : i32
    %broadcast_in_dim3A_53 = vector.broadcast %broadcast_in_dim3A_52 : i32 to vector<1x1024xi32>
    %concatenate3A_54 = tpu.concatenate %slice3A_51, %broadcast_in_dim3A_53 in 1 : vector<1x4096xi32>, vector<1x1024xi32> -> vector<1x5120xi32>
    %min3A_55 = arith.minsi %min3A_50, %concatenate3A_54 : vector<1x5120xi32>
    %slice3A_56 = vector.extract_strided_slice %min3A_55 {offsets = [0, 2048], sizes = [1, 3072], strides = [1, 1]} : vector<1x5120xi32> to vector<1x3072xi32>
    %broadcast_in_dim3A_57 = arith.constant 1073741824 : i32
    %broadcast_in_dim3A_58 = vector.broadcast %broadcast_in_dim3A_57 : i32 to vector<1x2048xi32>
    %concatenate3A_59 = tpu.concatenate %slice3A_56, %broadcast_in_dim3A_58 in 1 : vector<1x3072xi32>, vector<1x2048xi32> -> vector<1x5120xi32>
    %min3A_60 = arith.minsi %min3A_55, %concatenate3A_59 : vector<1x5120xi32>
    %slice3A_61 = vector.extract_strided_slice %min3A_60 {offsets = [0, 4096], sizes = [1, 1024], strides = [1, 1]} : vector<1x5120xi32> to vector<1x1024xi32>
    %broadcast_in_dim3A_62 = arith.constant 1073741824 : i32
    %broadcast_in_dim3A_63 = vector.broadcast %broadcast_in_dim3A_62 : i32 to vector<1x4096xi32>
    %concatenate3A_64 = tpu.concatenate %slice3A_61, %broadcast_in_dim3A_63 in 1 : vector<1x1024xi32>, vector<1x4096xi32> -> vector<1x5120xi32>
    %min3A_65 = arith.minsi %min3A_60, %concatenate3A_64 : vector<1x5120xi32>
    %jit3A_66 = arith.constant -1 : i32
    %broadcast_in_dim3A_67 = vector.broadcast %jit3A_66 : i32 to vector<1x5120xi32>
    %select_n3A_68 = arith.select %gt3A_3, %iota3A, %broadcast_in_dim3A_67 : vector<1x5120xi1>, vector<1x5120xi32>
    %reduce_max3A = vector.shape_cast %select_n3A_68 : vector<1x5120xi32> to vector<1x1x5120xi32>
    %reduce_max3A_69 = arith.constant dense<-2147483648> : vector<1xi32>
    %reduce_max3A_70 = vector.multi_reduction <maxsi>, %reduce_max3A, %reduce_max3A_69 [1, 2] : vector<1x1x5120xi32> to vector<1xi32>
    %reduce_max3A_71 = vector.shape_cast %reduce_max3A_70 : vector<1xi32> to vector<1x1x1xi32>
    %reduce_max3A_72 = vector.extract %reduce_max3A_71[0, 0, 0] : i32 from vector<1x1x1xi32>
    %lt3A = arith.constant 1073741824 : i32
    %lt3A_73 = vector.broadcast %lt3A : i32 to vector<1x5120xi32>
    %lt3A_74 = arith.cmpi slt, %min3A_65, %lt3A_73 : vector<1x5120xi32>
    %broadcast_in_dim3A_75 = vector.broadcast %reduce_max3A_72 : i32 to vector<1x5120xi32>
    %select_n3A_76 = arith.select %lt3A_74, %min3A_65, %broadcast_in_dim3A_75 : vector<1x5120xi1>, vector<1x5120xi32>
    %swap3A = arith.constant 0 : index
    %swap3A_77 = arith.constant 0 : index
    %swap3A_78 = vector.load %arg5[%swap3A, %swap3A_77] : memref<1x5120xi32, #tpu.memory_space<vmem>>, vector<1x5120xi32>
    tpu.vector_store %arg5[%swap3A, %swap3A_77], %select_n3A_76 {strides = array<i32>} : memref<1x5120xi32, #tpu.memory_space<vmem>>, vector<1x5120xi32>,
    %get3A_79 = arith.constant 0 : index
    %get3A_80 = arith.constant 0 : index
    %get3A_81 = vector.load %arg1[%get3A_79, %get3A_80] : memref<1024x256xf32, #tpu.memory_space<vmem>>, vector<1024x256xf32>
    %get3A_82 = arith.constant 0 : index
    %get3A_83 = arith.constant 0 : index
    %get3A_84 = vector.load %arg2[%get3A_82, %get3A_83] : memref<1024x1xf32, #tpu.memory_space<vmem>>, vector<1024x1xf32>
    %max3A = arith.constant 1.000000e+00 : f32
    %max3A_85 = vector.broadcast %max3A : f32 to vector<1024x1xf32>
    %max3A_86 = arith.maximumf %get3A_84, %max3A_85 : vector<1024x1xf32>
    %div3A = vector.broadcast %max3A_86 : vector<1024x1xf32> to vector<1024x256xf32>
    %div3A_87 = arith.divf %get3A_81, %div3A : vector<1024x256xf32>
    %swap3A_88 = arith.constant 0 : index
    %swap3A_89 = arith.constant 0 : index
    %swap3A_90 = vector.load %arg4[%swap3A_88, %swap3A_89] : memref<1024x256xf32, #tpu.memory_space<vmem>>, vector<1024x256xf32>
    tpu.vector_store %arg4[%swap3A_88, %swap3A_89], %div3A_87 {strides = array<i32>} : memref<1024x256xf32, #tpu.memory_space<vmem>>, vector<1024x256xf32>,
    return
  }
  func.func @transform_0(%arg0: i32) -> (i32, i32) {
    %c0_i32 = arith.constant 0 : i32
    %c0_i32_0 = arith.constant 0 : i32
    return %arg0, %c0_i32 : i32, i32
  }
  func.func @transform_1(%arg0: i32) -> (i32, i32) {
    %c0_i32 = arith.constant 0 : i32
    %c0_i32_0 = arith.constant 0 : i32
    return %arg0, %c0_i32 : i32, i32
  }
  func.func @transform_2(%arg0: i32) -> (i32, i32) {
    %c0_i32 = arith.constant 0 : i32
    %c0_i32_0 = arith.constant 0 : i32
    %c0_i32_1 = arith.constant 0 : i32
    return %c0_i32, %c0_i32_0 : i32, i32
  }
  func.func @transform_3(%arg0: i32) -> (i32, i32) {
    %c0_i32 = arith.constant 0 : i32
    %c0_i32_0 = arith.constant 0 : i32
    return %arg0, %c0_i32 : i32, i32
  }
  func.func @transform_4(%arg0: i32) -> (i32, i32) {
    %c0_i32 = arith.constant 0 : i32
    %c0_i32_0 = arith.constant 0 : i32
    %c0_i32_1 = arith.constant 0 : i32
    return %c0_i32, %c0_i32_0 : i32, i32
  }
}

module attributes {stable_mosaic.version = 14 : i64} {
  func.func @_dense_body(%arg0: i32, %arg1: memref<1000x256xf32, #tpu.memory_space<vmem>>, %arg2: memref<1000x256xf32, #tpu.memory_space<vmem>>, %arg3: memref<1024x512xf32, #tpu.memory_space<vmem>>, %arg4: memref<1x1024xf32, #tpu.memory_space<vmem>>, %arg5: memref<1x1024xf32, #tpu.memory_space<vmem>>, %arg6: memref<1x1024xf32, #tpu.memory_space<vmem>>, %arg7: memref<1x1xf32, #tpu.memory_space<vmem>>, %arg8: memref<1000x256xf32, #tpu.memory_space<vmem>>) attributes {dimension_semantics = [#tpu.dimension_semantics<arbitrary>], iteration_bounds = array<i64: 50>, scalar_prefetch = 0 : i64, scratch_operands = 0 : i64, tpu.core_type = #tpu.core_type<tc>, window_params = [{transform_indices = @transform_0, window_bounds = array<i64: 1000, 256>}, {transform_indices = @transform_1, window_bounds = array<i64: 1000, 256>}, {pipeline_mode = #tpu.pipeline_mode<synchronous>, transform_indices = @transform_2, window_bounds = array<i64: 1024, 512>}, {pipeline_mode = #tpu.pipeline_mode<synchronous>, transform_indices = @transform_3, window_bounds = array<i64: 1, 1024>}, {pipeline_mode = #tpu.pipeline_mode<synchronous>, transform_indices = @transform_4, window_bounds = array<i64: 1, 1024>}, {pipeline_mode = #tpu.pipeline_mode<synchronous>, transform_indices = @transform_5, window_bounds = array<i64: 1, 1024>}, {pipeline_mode = #tpu.pipeline_mode<synchronous>, transform_indices = @transform_6, window_bounds = array<i64: 1, 1>}, {transform_indices = @transform_7, window_bounds = array<i64: 1000, 256>}]} {
    %get3A = arith.constant 0 : index
    %get3A_0 = arith.constant 0 : index
    %get3A_1 = vector.load %arg1[%get3A, %get3A_0] : memref<1000x256xf32, #tpu.memory_space<vmem>>, vector<1000x256xf32>
    %get3A_2 = arith.constant 0 : index
    %get3A_3 = arith.constant 0 : index
    %get3A_4 = vector.load %arg2[%get3A_2, %get3A_3] : memref<1000x256xf32, #tpu.memory_space<vmem>>, vector<1000x256xf32>
    %concatenate3A = tpu.concatenate %get3A_1, %get3A_4 in 1 : vector<1000x256xf32>, vector<1000x256xf32> -> vector<1000x512xf32>
    %get3A_5 = arith.constant 0 : index
    %get3A_6 = arith.constant 0 : index
    %get3A_7 = vector.load %arg3[%get3A_5, %get3A_6] : memref<1024x512xf32, #tpu.memory_space<vmem>>, vector<1024x512xf32>
    %dot_general3A = arith.constant dense<0.000000e+00> : vector<1000x1024xf32>
    %dot_general3A_8 = tpu.matmul %concatenate3A, %get3A_7, %dot_general3A {dimension_numbers = #tpu.dot_dimension_numbers<[1], [1], [0], [0], [0, 0, 1, 0], [], []>, transpose_lhs_hint = false} : vector<1000x512xf32>, vector<1024x512xf32>, vector<1000x1024xf32> -> vector<1000x1024xf32>
    %get3A_9 = arith.constant 0 : index
    %get3A_10 = arith.constant 0 : index
    %get3A_11 = vector.load %arg4[%get3A_9, %get3A_10] : memref<1x1024xf32, #tpu.memory_space<vmem>>, vector<1x1024xf32>
    %add3A = vector.broadcast %get3A_11 : vector<1x1024xf32> to vector<1000x1024xf32>
    %add3A_12 = arith.addf %dot_general3A_8, %add3A : vector<1000x1024xf32>
    %neg3A = arith.constant 0.000000e+00 : f32
    %neg3A_13 = vector.broadcast %neg3A : f32 to vector<1000x1024xf32>
    %neg3A_14 = arith.subf %neg3A_13, %add3A_12 : vector<1000x1024xf32>
    %exp3A = math.exp %neg3A_14 : vector<1000x1024xf32>
    %add3A_15 = arith.constant 1.000000e+00 : f32
    %add3A_16 = vector.broadcast %add3A_15 : f32 to vector<1000x1024xf32>
    %add3A_17 = arith.addf %add3A_16, %exp3A : vector<1000x1024xf32>
    %div3A = arith.constant 1.000000e+00 : f32
    %div3A_18 = vector.broadcast %div3A : f32 to vector<1000x1024xf32>
    %div3A_19 = arith.divf %div3A_18, %add3A_17 : vector<1000x1024xf32>
    %mul3A = arith.mulf %add3A_12, %div3A_19 : vector<1000x1024xf32>
    %mul3A_20 = arith.mulf %mul3A, %mul3A : vector<1000x1024xf32>
    %reduce_sum3A = arith.constant dense<0.000000e+00> : vector<1000xf32>
    %reduce_sum3A_21 = vector.multi_reduction <add>, %mul3A_20, %reduce_sum3A [1] : vector<1000x1024xf32> to vector<1000xf32>
    %broadcast_in_dim3A = vector.shape_cast %reduce_sum3A_21 : vector<1000xf32> to vector<1000x1xf32>
    %div3A_22 = arith.constant 1.024000e+03 : f32
    %div3A_23 = vector.broadcast %div3A_22 : f32 to vector<1000x1xf32>
    %div3A_24 = arith.divf %broadcast_in_dim3A, %div3A_23 : vector<1000x1xf32>
    %add3A_25 = arith.constant 1.1920929E-7 : f32
    %add3A_26 = vector.broadcast %add3A_25 : f32 to vector<1000x1xf32>
    %add3A_27 = arith.addf %div3A_24, %add3A_26 : vector<1000x1xf32>
    %rsqrt3A = math.rsqrt %add3A_27 : vector<1000x1xf32>
    %mul3A_28 = vector.broadcast %rsqrt3A : vector<1000x1xf32> to vector<1000x1024xf32>
    %mul3A_29 = arith.mulf %mul3A, %mul3A_28 : vector<1000x1024xf32>
    %get3A_30 = arith.constant 0 : index
    %get3A_31 = arith.constant 0 : index
    %get3A_32 = vector.load %arg5[%get3A_30, %get3A_31] : memref<1x1024xf32, #tpu.memory_space<vmem>>, vector<1x1024xf32>
    %mul3A_33 = vector.broadcast %get3A_32 : vector<1x1024xf32> to vector<1000x1024xf32>
    %mul3A_34 = arith.mulf %mul3A_29, %mul3A_33 : vector<1000x1024xf32>
    %get3A_35 = arith.constant 0 : index
    %get3A_36 = arith.constant 0 : index
    %get3A_37 = vector.load %arg6[%get3A_35, %get3A_36] : memref<1x1024xf32, #tpu.memory_space<vmem>>, vector<1x1024xf32>
    %mul3A_38 = vector.broadcast %get3A_37 : vector<1x1024xf32> to vector<1000x1024xf32>
    %mul3A_39 = arith.mulf %mul3A_34, %mul3A_38 : vector<1000x1024xf32>
    %reduce_sum3A_40 = arith.constant dense<0.000000e+00> : vector<1000xf32>
    %reduce_sum3A_41 = vector.multi_reduction <add>, %mul3A_39, %reduce_sum3A_40 [1] : vector<1000x1024xf32> to vector<1000xf32>
    %broadcast_in_dim3A_42 = vector.shape_cast %reduce_sum3A_41 : vector<1000xf32> to vector<1000x1xf32>
    %get3A_43 = arith.constant 0 : index
    %get3A_44 = arith.constant 0 : index
    %get3A_45 = vector.load %arg7[%get3A_43, %get3A_44] : memref<1x1xf32, #tpu.memory_space<vmem>>, vector<1x1xf32>
    %add3A_46 = vector.broadcast %get3A_45 : vector<1x1xf32> to vector<1000x1xf32>
    %add3A_47 = arith.addf %broadcast_in_dim3A_42, %add3A_46 : vector<1000x1xf32>
    %neg3A_48 = arith.constant 0.000000e+00 : f32
    %neg3A_49 = vector.broadcast %neg3A_48 : f32 to vector<1000x1xf32>
    %neg3A_50 = arith.subf %neg3A_49, %add3A_47 : vector<1000x1xf32>
    %exp3A_51 = math.exp %neg3A_50 : vector<1000x1xf32>
    %add3A_52 = arith.constant 1.000000e+00 : f32
    %add3A_53 = vector.broadcast %add3A_52 : f32 to vector<1000x1xf32>
    %add3A_54 = arith.addf %add3A_53, %exp3A_51 : vector<1000x1xf32>
    %div3A_55 = arith.constant 1.000000e+00 : f32
    %div3A_56 = vector.broadcast %div3A_55 : f32 to vector<1000x1xf32>
    %div3A_57 = arith.divf %div3A_56, %add3A_54 : vector<1000x1xf32>
    %mul3A_58 = vector.broadcast %div3A_57 : vector<1000x1xf32> to vector<1000x256xf32>
    %mul3A_59 = arith.mulf %get3A_1, %mul3A_58 : vector<1000x256xf32>
    %sub3A = arith.constant 1.000000e+00 : f32
    %sub3A_60 = vector.broadcast %sub3A : f32 to vector<1000x1xf32>
    %sub3A_61 = arith.subf %sub3A_60, %div3A_57 : vector<1000x1xf32>
    %mul3A_62 = vector.broadcast %sub3A_61 : vector<1000x1xf32> to vector<1000x256xf32>
    %mul3A_63 = arith.mulf %get3A_4, %mul3A_62 : vector<1000x256xf32>
    %add3A_64 = arith.addf %mul3A_59, %mul3A_63 : vector<1000x256xf32>
    %swap3A = arith.constant 0 : index
    %swap3A_65 = arith.constant 0 : index
    %swap3A_66 = vector.load %arg8[%swap3A, %swap3A_65] : memref<1000x256xf32, #tpu.memory_space<vmem>>, vector<1000x256xf32>
    tpu.vector_store %arg8[%swap3A, %swap3A_65], %add3A_64 {strides = array<i32>} : memref<1000x256xf32, #tpu.memory_space<vmem>>, vector<1000x256xf32>,
    return
  }
  func.func @transform_0(%arg0: i32) -> (i32, i32) {
    %c0_i32 = arith.constant 0 : i32
    %c0_i32_0 = arith.constant 0 : i32
    return %arg0, %c0_i32 : i32, i32
  }
  func.func @transform_1(%arg0: i32) -> (i32, i32) {
    %c0_i32 = arith.constant 0 : i32
    %c0_i32_0 = arith.constant 0 : i32
    return %arg0, %c0_i32 : i32, i32
  }
  func.func @transform_2(%arg0: i32) -> (i32, i32) {
    %c0_i32 = arith.constant 0 : i32
    %c0_i32_0 = arith.constant 0 : i32
    %c0_i32_1 = arith.constant 0 : i32
    return %c0_i32, %c0_i32_0 : i32, i32
  }
  func.func @transform_3(%arg0: i32) -> (i32, i32) {
    %c0_i32 = arith.constant 0 : i32
    %c0_i32_0 = arith.constant 0 : i32
    %c0_i32_1 = arith.constant 0 : i32
    return %c0_i32, %c0_i32_0 : i32, i32
  }
  func.func @transform_4(%arg0: i32) -> (i32, i32) {
    %c0_i32 = arith.constant 0 : i32
    %c0_i32_0 = arith.constant 0 : i32
    %c0_i32_1 = arith.constant 0 : i32
    return %c0_i32, %c0_i32_0 : i32, i32
  }
  func.func @transform_5(%arg0: i32) -> (i32, i32) {
    %c0_i32 = arith.constant 0 : i32
    %c0_i32_0 = arith.constant 0 : i32
    %c0_i32_1 = arith.constant 0 : i32
    return %c0_i32, %c0_i32_0 : i32, i32
  }
  func.func @transform_6(%arg0: i32) -> (i32, i32) {
    %c0_i32 = arith.constant 0 : i32
    %c0_i32_0 = arith.constant 0 : i32
    %c0_i32_1 = arith.constant 0 : i32
    return %c0_i32, %c0_i32_0 : i32, i32
  }
  func.func @transform_7(%arg0: i32) -> (i32, i32) {
    %c0_i32 = arith.constant 0 : i32
    %c0_i32_0 = arith.constant 0 : i32
    return %arg0, %c0_i32 : i32, i32
  }
}

</mosaic_0001>

<sc_bundles>
// kernel: kernel.6.cloned.1.call-start
scs
__scs_entry_jumppad:
0x0: {  	(pc) =	sbr.rel $0x88, $3  }
0x1: {  	(tag) =	ssettag $0x0;
	lr =	simm.s32 $0x1  }
0x2: {  	[smem:$0x3F98] =	sst lr;
	_ =	strace $0xD0000000  }
0x3: {  	_ = 	snop  }
0x4: {  	_ = 	snop  }
0x5: {  	_ = 	snop  }
0x6: {  	_ = 	snop  }
0x7: {  	_ = 	snop  }
__scs_overlays_trampoline_lowered:
0x8: {  	[smem:$0x3FA7] =	sst s0  }
0x9: {  	[smem:$0x3FA8] =	sst s1  }
0xa: {  	[smem:$0x3FA9] =	sst s2  }
0xb: {  	[smem:$0x3FAA] =	sst s3  }
0xc: {  	[smem:$0x3FAB] =	sst s4  }
0xd: {  	[smem:$0x3FAC] =	sst s5  }
0xe: {  	[smem:$0x3FAD] =	sst s6  }
0xf: {  	[smem:$0x3FAE] =	sst s7  }
0x10: {  	[smem:$0x3FAF] =	sst s8  }
0x11: {  	[smem:$0x3FB0] =	sst s9;
	s0 =	simm.s32 @!p0 $0x0  }
0x12: {  	s1 =	sld [smem:$0x3F96];
	s0 =	simm.s32 @p0 $0x1  }
0x13: {  	[smem:$0x3FB1] =	sst s0;
	s0 =	simm.s32 @!p1 $0x0  }
0x14: {  	s2 =	sld [smem:$0x3F95];
	s0 =	simm.s32 @p1 $0x1  }
0x15: {  	[smem:$0x3FB2] =	sst s0;
	s0 =	simm.s32 @!p2 $0x0  }
0x16: {  	s3 =	sld [smem:$0x3FDB];
	s0 =	simm.s32 @p2 $0x1  }
0x17: {  	s4 =	simm.s32 $0x1BF5;
	[smem:$0x3FB4] =	sst s0  }
0x18: {  	s0 =	sld [smem:$0x3F97];
	_ =	swait.ge [sflag:s4], $0x0  }
0x19: {  	s7 =	sld [smem:$0x3F98]  }
0x1a: {  	s8 =	sadd.s32 $0xFFFFE003, lr  }
0x1b: {  	s9 =	sadd.s32 $0xFFFFFEF7, lr;
	s5 =	simm.s32 $0xFFFFFFFF;
	p2 =	slt.u32 s8, $0xFFFFF086  }
0x1c: {  	p1 =	slt.u32 s9, $0xF7A;
	s5 =	simm.s32 @!p2 $0x0  }
0x1d: {  	s5 =	simm.s32 @p1 $0x1;
	p0 =	seq.s32 s7, s2  }
0x1e: {  	s7 =	smul.u32 @!p0 $0xF7A, s2;
	p2 =	seq.s32 @!p0 s5, $0x0  }
0x1f: {  	s9 =	smul.u32 $0xF7A, s1;
	s8 =	simm.s32 @!p0 $0x1BF5;
	p2 =	por !p2, p0  }
0x20: {  	[sflag:s8] =	ssyncset.s32 @!p0 $0xFFFFF086;
	s6 =	sadd.s32 @!p0 s3, s7;
	s7 =	simm.s32 @!p0 $0x108  }
0x21: {  	s3 =	sadd.s32 s3, s9;
	s6 =	sadd.s32 @!p0 $0x88, s6;
	s7 =	simm.s32 @p2 $0x1082  }
0x22: {  	[simem:s7], [sflag:s8] =	dma.local @!p0 [hbm:s6], $0xF7A  }
0x23: {  	s9 =	sor.u32 $0xD0000000, s2;
	s6 =	simm.s32 $0x108;
	_ =	swait.ge @!p0 [sflag:s8], $0x0  }
0x24: {  	s3 =	sadd.s32 $0x88, s3;
	s6 =	simm.s32 @!p1 $0x1082;
	[sflag:s4] =	ssyncset.s32 $0xFFFFF086  }
0x25: {  	[simem:s6], [sflag:s4] =	dma.local [hbm:s3], $0xF7A  }
0x26: {  	[smem:$0x3F98] =	sst s1;
	(tag) =	ssettag s2;
	_ =	strace s9  }
0x27: {  	s1 =	sld [smem:$0x3FA8]  }
0x28: {  	s2 =	sld [smem:$0x3FA9]  }
0x29: {  	s4 =	sld [smem:$0x3FAB]  }
0x2a: {  	p0 =	seq.s32 s5, $0x0;
	s5 =	sld [smem:$0x3FAC]  }
0x2b: {  	s6 =	sld [smem:$0x3FAD]  }
0x2c: {  	s7 =	sld [smem:$0x3FAE]  }
0x2d: {  	s3 =	simm.s32 $0x108;
	s8 =	sld [smem:$0x3FAF]  }
0x2e: {  	s3 =	simm.s32 @!p0 $0x1082;
	s9 =	sld [smem:$0x3FB0]  }
0x2f: {  	lr =	sadd.s32 s0, s3;
	s0 =	sld [smem:$0x3FA7]  }
0x30: {  	s3 =	sld [smem:$0x3FAA]  }
0x31: {  	[smem:$0x3FB3] =	sst s10  }
0x32: {  	s10 =	sld [smem:$0x3FB1];
	_ =	sdelay $0x3  }
0x33: {  	p0 =	seq.s32 s10, $0x1;
	s10 =	sld [smem:$0x3FB3];
	_ =	sdelay $0x3  }
0x34: {  	[smem:$0x3FB3] =	sst s10  }
0x35: {  	s10 =	sld [smem:$0x3FB2];
	_ =	sdelay $0x3  }
0x36: {  	p1 =	seq.s32 s10, $0x1;
	s10 =	sld [smem:$0x3FB3];
	_ =	sdelay $0x3  }
0x37: {  	[smem:$0x3FB3] =	sst s10  }
0x38: {  	s10 =	sld [smem:$0x3FB4]  }
0x39: {  	_ = 	snop;
	(pc) =	sbr.ind lr, $3  }
0x3a: {  	_ = 	snop  }
0x3b: {  	_ = 	snop  }
0x3c: {  	p2 =	seq.s32 s10, $0x1;
	s10 =	sld [smem:$0x3FB3]  }
0x3d: {  	_ =	shalt  }
0x3e: {  	_ =	shalt  }
0x3f: {  	_ =	shalt  }
0x40: {  	_ =	shalt  }
0x41: {  	_ =	shalt  }
0x42: {  	_ =	shalt  }
0x43: {  	_ =	shalt  }
0x44: {  	_ =	shalt  }
0x45: {  	_ =	shalt  }
0x46: {  	_ =	shalt  }
0x47: {  	_ =	shalt  }
0x48: {  	_ =	shalt  }
0x49: {  	_ =	shalt  }
0x4a: {  	_ =	shalt  }
0x4b: {  	_ =	shalt  }
0x4c: {  	_ =	shalt  }
0x4d: {  	_ =	shalt  }
0x4e: {  	_ =	shalt  }
0x4f: {  	_ =	shalt  }
0x50: {  	_ =	shalt  }
0x51: {  	_ =	shalt  }
0x52: {  	_ =	shalt  }
0x53: {  	_ =	shalt  }
0x54: {  	_ =	shalt  }
0x55: {  	_ =	shalt  }
0x56: {  	_ =	shalt  }
0x57: {  	_ =	shalt  }
0x58: {  	_ =	shalt  }
0x59: {  	_ =	shalt  }
0x5a: {  	_ =	shalt  }
0x5b: {  	_ =	shalt  }
0x5c: {  	_ =	shalt  }
0x5d: {  	_ =	shalt  }
0x5e: {  	_ =	shalt  }
0x5f: {  	_ =	shalt  }
0x60: {  	_ =	shalt  }
0x61: {  	_ =	shalt  }
0x62: {  	_ =	shalt  }
0x63: {  	_ =	shalt  }
0x64: {  	_ =	shalt  }
0x65: {  	_ =	shalt  }
0x66: {  	_ =	shalt  }
0x67: {  	_ =	shalt  }
0x68: {  	_ =	shalt  }
0x69: {  	_ =	shalt  }
0x6a: {  	_ =	shalt  }
0x6b: {  	_ =	shalt  }
0x6c: {  	_ =	shalt  }
0x6d: {  	_ =	shalt  }
0x6e: {  	_ =	shalt  }
0x6f: {  	_ =	shalt  }
0x70: {  	_ =	shalt  }
0x71: {  	_ =	shalt  }
0x72: {  	_ =	shalt  }
0x73: {  	_ =	shalt  }
0x74: {  	_ =	shalt  }
0x75: {  	_ =	shalt  }
0x76: {  	_ =	shalt  }
0x77: {  	_ =	shalt  }
0x78: {  	_ =	shalt  }
0x79: {  	_ =	shalt  }
0x7a: {  	_ =	shalt  }
0x7b: {  	_ =	shalt  }
0x7c: {  	_ =	shalt  }
0x7d: {  	_ =	shalt  }
0x7e: {  	_ =	shalt  }
0x7f: {  	_ =	shalt  }
0x80: {  	_ =	shalt  }
0x81: {  	_ =	shalt  }
0x82: {  	_ =	shalt  }
0x83: {  	_ =	shalt  }
0x84: {  	_ =	shalt  }
0x85: {  	_ =	shalt  }
0x86: {  	_ =	shalt  }
0x87: {  	_ =	shalt  }
.Lfunc_end0:
.L_simem_size_0:
called_computation_lowered:
.L_overlay_start_0:
0x88: {  	s2 =	sld [smem:$0x3FD9]  }
0x89: {  	s3 =	sld [smem:$0x3FFE];
	_ =	sdelay $0x1  }
0x8a: {  	s1 =	srdreg.scid  }
0x8b: {  	s0 =	sand.u32 $0x1, s1  }
0x8c: {  	s17 =	sshll.u32 s0, $0xA;
	s2 =	sadd.s32 s3, s2  }
0x8d: {  	s2 =	sadd.s32 s2, s17  }
0x8e: {  	[smem:$0x3FBF] =	sst s2  }
0x8f: {  	_ = 	snop  }
0x90: {  	s2 =	sld [smem:$0x3FC7]  }
0x91: {  	s18 =	sld [smem:$0x3FC6]  }
0x92: {  	s4 =	sld [smem:$0x3FD0];
	(tm) =	ssettm $0x1  }
0x93: {  	s5 =	sld [smem:$0x3FFB];
	_ =	sdelay $0x3  }
0x94: {  	_ =	strace s5  }
0x95: {  	s5 =	sld [smem:$0x3FFC];
	_ =	sdelay $0x3  }
0x96: {  	_ =	strace s5  }
0x97: {  	s5 =	sld [smem:$0x3FFD];
	_ =	sdelay $0x3  }
0x98: {  	_ =	strace s5  }
0x99: {  	_ =	strace $0x8FFFFFFF  }
0x9a: {  	s19 =	sld [smem:$0x3FDB];
	_ =	sdelay $0x1  }
0x9b: {  	s6 =	simm.s32 $_scs_section_size  }
0x9c: {  	s7 =	simm.s32 $_size__tile_overlayer_lowered;
	s8 =	simm.s32 $_tile_overlayer_lowered  }
0x9d: {  	s22 =	simm.s32 $0x1BFF;
	s21 =	sshll.u32 s8, $0x1;
	s5 =	sadd.s32 s6, s19  }
0x9e: {  	s9 =	simm.s32 $0x0;
	s20 =	sshll.u32 s7, $0x1;
	s7 =	sadd.s32 s21, s5  }
0x9f: {  	[timem:s9], [sflag:s22] =	dma.local [hbm:s7], s20  }
0xa0: {  	_ =	swait.ge [sflag:s22], s20  }
0xa1: {  	s6 =	ssub.s32 $0x0, s20;
	[sflag:s22] =	ssyncset.done $0x0  }
0xa2: {  	[sflag:s22] =	ssyncadd.s32 s6;
	_ =	sdelay $0x1  }
0xa3: {  	s23 =	simm.s32 $0x1B8B  }
0xa4: {  	_ =	swait.ge [sflag:s23], $0x1  }
0xa5: {  	[sflag:s23] =	ssyncset.done $0x0  }
0xa6: {  	s25 =	simm.s32 $0x1B8E;
	s24 =	sld [smem:$0x3FFE];
	[sflag:s23] =	ssyncadd.s32 $0xFFFFFFFF  }
0xa7: {  	s26 =	simm.s32 $execute0_lowered;
	[smem:$0x3FD2] =	sst s25  }
0xa8: {  	s7 =	sshll.u32 s26, $0x1;
	_ =	strace $0x80000046;
	[dreg:$0x1] =	wrdreg $0xFFFFFFFF  }
0xa9: {  	s28 =	simm.s32 $_size_execute0_lowered;
	s5 =	sadd.s32 s5, s7;
	[dreg:$0x0] =	wrdreg $0x0  }
0xaa: {  	s7 =	sshll.u32 s28, $0x1;
	[dreg:$0x2] =	wrdreg s5  }
0xab: {  	[dreg:$0x3] =	wrdreg s7  }
0xac: {  	[dreg:$0x4] =	wrdreg $0xC0  }
0xad: {  	_ =	task [dreg:s9], $0x5FFFF  }
0xae: {  	[dreg:$0x1] =	wrdreg $0xFFFFFFFF  }
0xaf: {  	[dreg:$0x0] =	wrdreg $0x60  }
0xb0: {  	[dreg:$0x2] =	wrdreg s2  }
0xb1: {  	[dreg:$0x3] =	wrdreg s18  }
0xb2: {  	[dreg:$0x4] =	wrdreg s4  }
0xb3: {  	[dreg:$0x5] =	wrdreg s24  }
0xb4: {  	[dreg:$0x6] =	wrdreg $0x9  }
0xb5: {  	_ =	task.clear_ibuf [dreg:s9], $0x7FFFF;
	_ =	strace $0x90000046  }
0xb6: {  	s29 =	simm.s32 $0x9;
	_ =	strace $0x80000048  }
0xb7: {  	_ =	swait.ge [sflag:s29], $0x1  }
0xb8: {  	[sflag:s29] =	ssyncadd.s32 $0xFFFFFFFF  }
0xb9: {  	_ =	strace $0x90000048  }
0xba: {  	_ =	sfence  }
0xbb: {  	s30 =	sld [smem:$0x0];
	_ =	sdelay $0x2  }
0xbc: {  	s31 =	sshll.u32 s1, $0xD;
	s1 =	sshrl.u32 s1, $0x2  }
0xbd: {  	s3 =	sand.u32 $0x4000, s31;
	s1 =	sadd.s32 s1, s30  }
0xbe: {  	s0 =	sor.u32 s3, s0;
	s1 =	sshll.u32 s1, $0x11  }
0xbf: {  	s0 =	sor.u32 s1, s0  }
0xc0: {  	s0 =	sadd.s32 $0x8F2B, s0  }
0xc1: {  	[sflag:s0] =	ssyncadd.remote.s32 $0x1  }
0xc2: {  	_ =	sfence.sel $0xFFFF  }
0xc3: {  	[dreg:$0x0] =	wrdreg $0xFFFFFFFF;
	(pc) =	sbr.abs _section_cstart, $3  }
0xc4: {  	[dreg:$0x1] =	wrdreg $0xFFFFFFFF  }
0xc5: {  	_ =	task.clear_ibuf [dreg:s9], $0x2FFFF;
	_ =	strace $0x9FFFFFFF  }
0xc6: {  	(tm) =	ssettm $0x7FFFFFFF  }
0xc7: {  	_ =	shalt  }
tec
execute0_lowered:
.L_overlay_start_1:
0x0: {  	(tag) =	ssettag $0x1  }
0x1: {  	s1 =	srdreg.scid  }
0x2: {  	s0 =	rddreg [dreg:$0x0];
	s1 =	sand.u32 $0x1, s1  }
0x3: {  	s2 =	rddreg [dreg:$0x2];
	s4 =	stileid.u32;
	s3 =	sshll.u32 s1, $0x4  }
0x4: {  	s5 =	rddreg [dreg:$0x3];
	s9 =	simm.s32 $0x1;
	s3 =	sor.u32 s4, s3  }
0x5: {  	s1 =	ssub.s32 $0x2, s1;
	s4 =	simm.s32 $0x0;
	s6 =	smul.u32 $0xA0, s3  }
0x6: {  	v2 =	vlaneseq.u32;
	v3 =	vimm.f32 $0.0e+00;
	v4 =	vimm.s32 $0x0;
	s25 =	simm.s32 $0x17400;
	s8 =	sshrl.u32 s1, $0x1;
	[smem:$0x7FF] =	sst s4  }
0x7: {  	v6 =	vimm.s32 $0xA0;
	vm0 =	vmmov $0xffff;
	v5 =	vand.u32 $0x7, v2;
	s3 =	smul.u32 $0x1400, s3;
	s1 =	ssub.s32 s1, s8;
	s7 =	sshrl.u32 s6, $0x3  }
0x8: {  	vm1 =	vcmask $0x300;
	v7 =	vshrl.u32 v2, $0x3;
	v10 =	vmul.u32 $0x80, v5;
	_ =	strace $0x80000047;
	s1 =	smax.u32 s1, $0x1;
	s7 =	sadd.s32 s7, s5  }
0x9: {  	v8 =	vor.u32 $0x8, v2;
	v9 =	vsel vm1, $0x3F800000, v3;
	v7 =	vmul.u32 $0x8, v7;
	s30 =	sadd.s32 $0xA0, s6;
	[dreg:$0x6] =	wrdreg s1;
	s31 =	sadd.s32 $0x2200, s7  }
0xa: {  	v10 =	vor.u32 $0x800, v10;
	v0 =	vmov s6;
	s5 =	sadd.s32 s2, s3;
	v1 =	vmov s30;
	s2 =	simm.s32 $0x0;
	[dreg:$0x5] =	wrdreg s31  }
.LBB2_1:
0xb: {  	s1 =	simm.s32 $0x0  }
0xc: {  	s1 =	smul.u32 $0x3000, s1;
	_ =	sdelay $0x1  }
0xd: {  	s31 =	sand.u32 $0x380, s4;
	s1 =	sshra.s32 s1, $0x2  }
0xe: {  	s1 =	sor.u32 s31, s1  }
0xf: {  	[tilespmem:s1+$0x800] =	vst v3  }
0x10: {  	[tilespmem:s1+$0x0] =	vst v3  }
0x11: {  	[tilespmem:s1+$0x10] =	vst v3  }
0x12: {  	[tilespmem:s1+$0x20] =	vst v3  }
0x13: {  	[tilespmem:s1+$0x30] =	vst v3  }
0x14: {  	[tilespmem:s1+$0x40] =	vst v3  }
0x15: {  	[tilespmem:s1+$0x50] =	vst v3  }
0x16: {  	[tilespmem:s1+$0x60] =	vst v3  }
0x17: {  	[tilespmem:s1+$0x70] =	vst v3  }
0x18: {  	[tilespmem:s1+$0x400] =	vst v3  }
0x19: {  	[tilespmem:s1+$0x410] =	vst v3  }
0x1a: {  	[dreg:$0x7] =	wrdreg s2;
	[tilespmem:s1+$0x420] =	vst v3  }
0x1b: {  	s6 =	simm.s32 $0x0;
	s3 =	simm.s32 $0x2;
	s2 =	simm.s32 $0x0;
	[tilespmem:s1+$0x430] =	vst v3  }
.LBB2_2:
0x1c: {  	p0 =	sne.s32 s3, $0xA0;
	s6 =	smul.u32 $0x3000, s6;
	[tilespmem:s1+$0x440] =	vst v3  }
0x1d: {  	s2 =	sadd.s32 $0x80, s2;
	[tilespmem:s1+$0x450] =	vst v3  }
0x1e: {  	s7 =	sand.u32 $0x380, s2;
	s6 =	sshra.s32 s6, $0x2;
	[tilespmem:s1+$0x460] =	vst v3  }
0x1f: {  	[tilespmem:s1+$0x470] =	vst v3;
	s1 =	sor.u32 s7, s6  }
0x20: {  	[tilespmem:s1+$0x800] =	vst v3  }
0x21: {  	[tilespmem:s1+$0x0] =	vst v3  }
0x22: {  	[tilespmem:s1+$0x10] =	vst v3  }
0x23: {  	[tilespmem:s1+$0x20] =	vst v3  }
0x24: {  	[tilespmem:s1+$0x30] =	vst v3  }
0x25: {  	[tilespmem:s1+$0x40] =	vst v3  }
0x26: {  	[tilespmem:s1+$0x50] =	vst v3  }
0x27: {  	[tilespmem:s1+$0x60] =	vst v3  }
.Ltmp0:
0x28: {  	[tilespmem:s1+$0x70] =	vst v3;
	(pc) =	sbr.rel @p0 .LBB2_2-.Ltmp0, $4  }
0x29: {  	[tilespmem:s1+$0x400] =	vst v3  }
0x2a: {  	[tilespmem:s1+$0x410] =	vst v3  }
0x2b: {  	[tilespmem:s1+$0x420] =	vst v3  }
0x2c: {  	s6 =	sshrl.u32 s3, $0x3;
	s3 =	sadd.s32 $0x1, s3;
	[tilespmem:s1+$0x430] =	vst v3  }
0x2d: {  	s3 =	smul.u32 $0x3000, s6;
	[tilespmem:s1+$0x440] =	vst v3  }
0x2e: {  	[tilespmem:s1+$0x450] =	vst v3;
	s2 =	sadd.s32 $0x80, s2  }
0x2f: {  	[tilespmem:s1+$0x460] =	vst v3;
	s2 =	sand.u32 $0x380, s2;
	s3 =	sshra.s32 s3, $0x2  }
0x30: {  	[tilespmem:s1+$0x470] =	vst v3;
	s2 =	sor.u32 s2, s3  }
0x31: {  	[tilespmem:s2+$0x800] =	vst v3  }
0x32: {  	[tilespmem:s2+$0x0] =	vst v3  }
0x33: {  	[tilespmem:s2+$0x10] =	vst v3  }
0x34: {  	[tilespmem:s2+$0x20] =	vst v3  }
0x35: {  	[tilespmem:s2+$0x30] =	vst v3  }
0x36: {  	[tilespmem:s2+$0x40] =	vst v3  }
0x37: {  	[tilespmem:s2+$0x50] =	vst v3  }
0x38: {  	[tilespmem:s2+$0x60] =	vst v3  }
0x39: {  	[tilespmem:s2+$0x70] =	vst v3  }
0x3a: {  	[tilespmem:s2+$0x400] =	vst v3  }
0x3b: {  	[tilespmem:s2+$0x410] =	vst v3  }
0x3c: {  	p0 =	por $0x1, $0x1;
	[tilespmem:s2+$0x420] =	vst v3  }
.Ltmp1:
0x3d: {  	[tilespmem:s2+$0x430] =	vst v3;
	(pc) =	sbr.rel @!p0 .LBB2_5-.Ltmp1, $4  }
0x3e: {  	[tilespmem:s2+$0x440] =	vst v3  }
0x3f: {  	[tilespmem:s2+$0x450] =	vst v3  }
0x40: {  	[tilespmem:s2+$0x460] =	vst v3  }
0x41: {  	s29 =	simm.s32 $0x0;
	s1 =	simm.s32 $0x40;
	[tilespmem:s2+$0x470] =	vst v3;
	s2 =	simm.s32 $0x0  }
.LBB2_4:
0x42: {  	p0 =	sne.s32 s1, $0xA000;
	[tilespmem:s2+$0x1A380] =	vst v4;
	s2 =	smov.u32 s1;
	s1 =	sadd.s32 $0x40, s1  }
.Ltmp2:
0x43: {  	(pc) =	sbr.rel @p0 .LBB2_4-.Ltmp2, $2  }
0x44: {  	_ =	sdelay $0x2  }
0x45: {  	s2 =	sshra.s32 s2, $0x2  }
.LBB2_5:
.Ltmp3:
0x46: {  	(pc) =	sbr.rel .LBB2_6-.Ltmp3, $2  }
0x47: {  	_ =	sdelay $0x2  }
0x48: {  	[tilespmem:s2+$0x1A380] =	vst v4;
	s1 =	simm.s32 $0x0  }
.LBB2_16:
0x49: {  	s1 =	rddreg [dreg:$0x8]  }
0x4a: {  	s1 =	sadd.s32 $0x1, s1  }
0x4b: {  	p0 =	sne.s32 s1, $0xA  }
.Ltmp4:
0x4c: {  	_ = 	snop;
	(pc) =	sbr.rel @!p0 .LBB2_17-.Ltmp4, $2  }
0x4d: {  	_ =	sdelay $0x2  }
0x4e: {  	s29 =	sadd.s32 $0x2710, s29  }
.LBB2_6:
0x4f: {  	[dreg:$0x8] =	wrdreg s1;
	s1 =	smul.u32 $0x2710, s1  }
0x50: {  	_ = 	snop  }
0x51: {  	s3 =	rddreg [dreg:$0x1];
	s2 =	sshrl.u32 s1, $0x3  }
0x52: {  	s20 =	simm.s32 $0x0;
	s6 =	simm.s32 $0x17C00;
	s2 =	sadd.s32 s3, s2  }
0x53: {  	[tilespmem:s6], [sflag:$0x1] =	stream.linear.gather [hbm4b:s2+s20], $0x2710, $0x38;
	[tilespmem:$0x1F580] =	vst v63  }
0x54: {  	_ =	swait.ge [sflag:s9], $0x2710  }
0x55: {  	[sflag:s9] =	ssyncset.done $0x0  }
0x56: {  	s21 =	simm.s32 $0x17C20;
	[sflag:s9] =	ssyncadd.s32 $0xFFFFD8F0  }
0x57: {  	v11 =	vld [tilespmem:s21+$0x0]  }
0x58: {  	v12 =	vld [tilespmem:s21+$0xFFFFFFE0]  }
0x59: {  	v13 =	vld [tilespmem:s21+$0xFFFFFFF0];
	_ =	sdelay $0x3  }
0x5a: {  	v14 =	vld [tilespmem:s21+$0x10];
	vm1 =	vge.s32 v12, v0;
	vm2 =	vlt.s32 v12, v1;
	vm3 =	vge.s32 v11, v0  }
0x5b: {  	vm4 =	vlt.s32 v13, v1;
	vm1 =	vmand vm1, vm2;
	vm2 =	vge.s32 v13, v0  }
0x5c: {  	s22 =	simm.s32 $0x17C60;
	v15 =	vmpcnt.ones.xlane vm1;
	vm4 =	vmand vm2, vm4;
	vm2 =	vlt.s32 v11, v1  }
0x5d: {  	s8 =	sadd.s32 $0x20, s29;
	v17 =	vld [tilespmem:s22+$0x10];
	v16 =	vmpcnt.ones.xlane vm4;
	vm3 =	vmand vm3, vm2  }
0x5e: {  	s23 =	simm.s32 $0x17CA0;
	v63 =	vor.u32 s8, v2;
	v19 =	vld [tilespmem:s22+$0x0];
	v18 =	vmpcnt.ones.xlane vm3;
	(v2sf) =	vpush v15, $0x0  }
0x5f: {  	v25 =	vld [tilespmem:s23+$0x0];
	vm5 =	vge.s32 v14, v0;
	vm2 =	vlt.s32 v14, v1;
	(v2sf) =	vpush v16, $0x0  }
0x60: {  	v22 =	vsub.s32 v14, v0;
	vm2 =	vmand vm5, vm2;
	(v2sf) =	vpush v18, $0x0  }
0x61: {  	v23 =	vsub.s32 v11, v0;
	v21 =	vsub.s32 v12, v0;
	v16 =	vld [tilespmem:s22+$0xFFFFFFE0];
	v14 =	vmpcnt.ones.xlane vm2  }
0x62: {  	v12 =	vsub.s32 v17, v0;
	vm7 =	vge.s32 v17, v0;
	v15 =	vsub.s32 v13, v0;
	v13 =	vld [tilespmem:s22+$0xFFFFFFF0]  }
0x63: {  	vm8 =	vge.s32 v19, v0;
	vm10 =	vlt.s32 v19, v1;
	(v2sf) =	vpush v14, $0x0  }
0x64: {  	v24 =	vld [tilespmem:s23+$0x10];
	vm8 =	vmand vm8, vm10;
	vm10 =	vge.s32 v25, v0;
	v11 =	vsub.s32 v19, v0  }
0x65: {  	v20 =	vmpcnt.ones.xlane vm8;
	vm6 =	vmmov vm4;
	vm5 =	vmmov vm1  }
0x66: {  	vm4 =	vmmov vm3;
	vm1 =	vge.s32 v16, v0;
	vm3 =	vlt.s32 v16, v1  }
0x67: {  	vm9 =	vlt.s32 v13, v1;
	vm3 =	vmand vm1, vm3;
	vm1 =	vge.s32 v13, v0  }
0x68: {  	v14 =	vor.u32 s29, v2;
	v18 =	vmpcnt.ones.xlane vm3;
	vm11 =	vmand vm1, vm9  }
0x69: {  	s7 =	sadd.s32 $0x10, s29;
	[tilespmem:s20+$0x1A380] =	vst.msk vm5, v14;
	v14 =	vsub.s32 v24, v0;
	vm1 =	vlt.s32 v17, v1;
	v19 =	vmpcnt.ones.xlane vm11  }
0x6a: {  	[tilespmem:s20+$0x1CC00] =	vst.msk vm5, v21;
	v21 =	vor.u32 s7, v2;
	vm1 =	vmand vm7, vm1;
	(v2sf) =	vpush v18, $0x0  }
0x6b: {  	vm5 =	vge.s32 v24, v0;
	v17 =	vld [tilespmem:s23+$0xFFFFFFE0];
	v26 =	vmpcnt.ones.xlane vm1;
	(v2sf) =	vpush v19, $0x0  }
0x6c: {  	vm9 =	vmmov vm2;
	v18 =	vsub.s32 v13, v0;
	v13 =	vld [tilespmem:s23+$0xFFFFFFF0];
	(v2sf) =	vpush v20, $0x0  }
0x6d: {  	vm2 =	vmmov vm6;
	vm3 =	vmmov vm3;
	(v2sf) =	vpush v26, $0x0;
	s24 =	spop (v2sf)  }
0x6e: {  	s2 =	sadd.s32 $0x40, s29;
	vm6 =	vmmov vm11;
	vm11 =	vmmov vm4;
	vm4 =	vmmov vm8;
	s6 =	sadd.s32 $0x0, s24;
	s28 =	spop (v2sf)  }
0x6f: {  	s26 =	sadd.s32 $0x30, s29;
	v19 =	vsub.s32 v16, v0;
	v16 =	vsub.s32 v25, v0;
	v20 =	vor.u32 s2, v2;
	[tilespmem:s6+$0x1A380] =	vst.msk vm2, v21;
	s30 =	sadd.s32 s6, s28;
	s31 =	spop (v2sf)  }
0x70: {  	vm7 =	vge.s32 v17, v0;
	vm8 =	vlt.s32 v17, v1;
	v21 =	vor.u32 s26, v2;
	[tilespmem:s30+$0x1A380] =	vst.msk vm11, v63;
	s7 =	sadd.s32 s30, s31  }
0x71: {  	vm7 =	vmand vm7, vm8;
	vm8 =	vge.s32 v13, v0;
	vm12 =	vlt.s32 v13, v1;
	[tilespmem:s7+$0x1A380] =	vst.msk vm9, v21  }
0x72: {  	s3 =	simm.s32 $0x8;
	vm8 =	vmand vm8, vm12;
	vm12 =	vlt.s32 v25, v1;
	s10 =	spop (v2sf);
	v21 =	vmpcnt.ones.xlane vm7;
	[tilespmem:s30+$0x1CC00] =	vst.msk vm11, v23  }
0x73: {  	s8 =	smov.u32 s2;
	s10 =	sadd.s32 s7, s10;
	[tilespmem:s7+$0x1CC00] =	vst.msk vm9, v22;
	v22 =	vmpcnt.ones.xlane vm8;
	vm9 =	vmand vm10, vm12;
	vm10 =	vlt.s32 v24, v1;
	s7 =	simm.s32 $0x17CE0  }
.LBB2_7:
0x74: {  	v24 =	vmpcnt.ones.xlane vm9;
	(v2sf) =	vpush v21, $0x0  }
0x75: {  	v23 =	vld [tilespmem:s7+$0x10];
	[tilespmem:s6+$0x1CC00] =	vst.msk vm2, v15;
	v15 =	vmovc v18;
	vm11 =	vmmov vm1;
	vm1 =	vmand vm5, vm10;
	vm2 =	vmmov vm6  }
0x76: {  	v21 =	vsub.s32 v17, v0;
	v25 =	vld [tilespmem:s7+$0x0];
	v26 =	vmpcnt.ones.xlane vm1;
	(v2sf) =	vpush v22, $0x0;
	[tilespmem:s10+$0x1A380] =	vst.msk vm3, v20  }
0x77: {  	s3 =	sadd.s32 $0x4, s3;
	v18 =	vsub.s32 v13, v0;
	v17 =	vld [tilespmem:s7+$0xFFFFFFE0];
	(v2sf) =	vpush v24, $0x0;
	[tilespmem:s10+$0x1CC00] =	vst.msk vm3, v19;
	v19 =	vmovc v21;
	vm3 =	vmmov vm7  }
0x78: {  	s2 =	sadd.s32 $0x40, s2;
	vm6 =	vmmov vm8;
	vm12 =	vmmov vm4;
	p0 =	slt.u32 s3, $0x26C;
	v13 =	vld [tilespmem:s7+$0xFFFFFFF0];
	(v2sf) =	vpush v26, $0x0  }
0x79: {  	s11 =	sadd.s32 $0x10, s8;
	s12 =	sadd.s32 $0x20, s8;
	vm4 =	vmmov vm9;
	v20 =	vor.u32 s2, v2;
	s6 =	spop (v2sf)  }
0x7a: {  	s8 =	sadd.s32 $0x30, s8;
	v21 =	vor.u32 s11, v2;
	v24 =	vor.u32 s12, v2;
	v22 =	vsub.s32 v23, v0;
	s6 =	sadd.s32 s10, s6;
	s10 =	spop (v2sf)  }
.Ltmp5:
0x7b: {  	vm5 =	vge.s32 v23, v0;
	v26 =	vsub.s32 v25, v0;
	[tilespmem:s6+$0x1A380] =	vst.msk vm2, v21;
	s11 =	sadd.s32 s6, s10;
	v21 =	vor.u32 s8, v2;
	s8 =	spop (v2sf);
	(pc) =	sbr.rel @p0 .LBB2_7-.Ltmp5, $4  }
0x7c: {  	vm9 =	vge.s32 v25, v0;
	vm7 =	vge.s32 v17, v0;
	vm8 =	vlt.s32 v17, v1;
	[tilespmem:s11+$0x1A380] =	vst.msk vm12, v24;
	s12 =	sadd.s32 s11, s8;
	s10 =	spop (v2sf);
	s8 =	smov.u32 s2  }
0x7d: {  	vm7 =	vmand vm7, vm8;
	vm8 =	vge.s32 v13, v0;
	vm10 =	vlt.s32 v13, v1;
	[tilespmem:s12+$0x1A380] =	vst.msk vm11, v21;
	s10 =	sadd.s32 s12, s10  }
0x7e: {  	v21 =	vmpcnt.ones.xlane vm7;
	vm8 =	vmand vm8, vm10;
	vm10 =	vlt.s32 v25, v1;
	[tilespmem:s12+$0x1CC00] =	vst.msk vm11, v12;
	v12 =	vmovc v14;
	v14 =	vmovc v22  }
0x7f: {  	s7 =	sadd.s32 $0x40, s7;
	v22 =	vmpcnt.ones.xlane vm8;
	vm9 =	vmand vm9, vm10;
	vm10 =	vlt.s32 v23, v1;
	[tilespmem:s11+$0x1CC00] =	vst.msk vm12, v11;
	v11 =	vmovc v16;
	v16 =	vmovc v26  }
0x80: {  	v23 =	vmpcnt.ones.xlane vm9;
	(v2sf) =	vpush v21, $0x0  }
0x81: {  	(v2sf) =	vpush v22, $0x0  }
0x82: {  	(v2sf) =	vpush v23, $0x0;
	_ =	sdelay $0x3  }
0x83: {  	[tilespmem:s6+$0x1CC00] =	vst.msk vm2, v15  }
0x84: {  	[tilespmem:s10+$0x1A380] =	vst.msk vm3, v20;
	s3 =	sadd.s32 $0x10, s8;
	s22 =	spop (v2sf)  }
0x85: {  	vm2 =	vmmov vm6;
	[tilespmem:s10+$0x1CC00] =	vst.msk vm3, v19;
	v56 =	vor.u32 s3, v2;
	s6 =	sadd.s32 s10, s22  }
0x86: {  	s7 =	sadd.s32 $0x20, s8;
	s23 =	spop (v2sf);
	[tilespmem:s6+$0x1A380] =	vst.msk vm2, v56  }
0x87: {  	s24 =	sadd.s32 $0x30, s8;
	vm3 =	vmmov vm4;
	v57 =	vor.u32 s7, v2;
	s3 =	sadd.s32 s6, s23;
	s26 =	spop (v2sf);
	[tilespmem:s6+$0x1CC00] =	vst.msk vm2, v18  }
0x88: {  	vm1 =	vmmov vm1;
	v58 =	vor.u32 s24, v2;
	[tilespmem:s3+$0x1A380] =	vst.msk vm3, v57;
	s28 =	sadd.s32 s3, s26  }
0x89: {  	[tilespmem:s28+$0x1A380] =	vst.msk vm1, v58  }
0x8a: {  	s2 =	sadd.s32 $0x40, s2;
	s30 =	spop (v2sf);
	[tilespmem:s3+$0x1CC00] =	vst.msk vm3, v11  }
0x8b: {  	v11 =	vor.u32 s2, v2;
	s10 =	sadd.s32 s28, s30;
	[tilespmem:s28+$0x1CC00] =	vst.msk vm1, v12;
	vm1 =	vmmov vm7  }
0x8c: {  	v59 =	vsub.s32 v17, v0;
	s11 =	sadd.s32 $0x10, s2;
	vm2 =	vmmov vm8;
	[tilespmem:s10+$0x1A380] =	vst.msk vm1, v11;
	s12 =	spop (v2sf)  }
0x8d: {  	s13 =	sadd.s32 $0x20, s2;
	vm2 =	vmmov vm2;
	vm3 =	vmmov vm9;
	v11 =	vor.u32 s11, v2;
	[tilespmem:s10+$0x1CC00] =	vst.msk vm1, v59;
	s3 =	sadd.s32 s10, s12;
	s14 =	spop (v2sf)  }
0x8e: {  	v60 =	vor.u32 s13, v2;
	s2 =	sadd.s32 $0x30, s2;
	vm3 =	vmmov vm3;
	vm1 =	vmand vm5, vm10;
	[tilespmem:s3+$0x1A380] =	vst.msk vm2, v11;
	s6 =	sadd.s32 s3, s14;
	s15 =	spop (v2sf)  }
0x8f: {  	vm15 =	vmmov vm1;
	v11 =	vor.u32 s2, v2;
	[tilespmem:s6+$0x1A380] =	vst.msk vm3, v60;
	s16 =	sadd.s32 s6, s15  }
0x90: {  	[tilespmem:s16+$0x1A380] =	vst.msk vm15, v11  }
0x91: {  	[tilespmem:s6+$0x1CC00] =	vst.msk vm3, v16  }
0x92: {  	v11 =	vsub.s32 v13, v0;
	[tilespmem:s16+$0x1CC00] =	vst.msk vm15, v14  }
0x93: {  	[tilespmem:s3+$0x1CC00] =	vst.msk vm2, v11  }
0x94: {  	v11 =	vld [tilespmem:$0x1A300];
	_ =	sdelay $0x4  }
0x95: {  	vm2 =	vge.s32 v11, v0;
	vm3 =	vlt.s32 v11, v1  }
0x96: {  	v61 =	vmpcnt.ones.xlane vm1;
	vm1 =	vmand vm2, vm3  }
0x97: {  	v62 =	vmpcnt.ones.xlane vm1  }
0x98: {  	(v2sf) =	vpush v61, $0x0  }
0x99: {  	(v2sf) =	vpush v62, $0x0;
	_ =	sdelay $0xd  }
0x9a: {  	s17 =	spop (v2sf)  }
0x9b: {  	s2 =	sadd.s32 s16, s17;
	s18 =	spop (v2sf)  }
0x9c: {  	s3 =	sadd.s32 s2, s18  }
0x9d: {  	s1 =	sadd.s32 $0x2700, s1;
	s7 =	simm.s32 $0x1;
	s19 =	sadd.s32 $0xF, s3  }
0x9e: {  	s20 =	sadd.s32 $0x7F, s3;
	p0 =	slt.s32 s19, $0x1;
	s21 =	sand.u32 $0xF, s19  }
0x9f: {  	s22 =	sand.u32 $0x7F, s20;
	p2 =	slt.s32 s20, $0x1;
	s23 =	sshra.s32 s19, $0x1F  }
0xa0: {  	s24 =	sshra.s32 s20, $0x1F;
	p1 =	sne.s32 s21, $0x0;
	p3 =	sne.s32 s22, $0x0  }
0xa1: {  	s8 =	sshrl.u32 s23, $0x1C;
	s26 =	sshrl.u32 s24, $0x19;
	p6 =	por !p2, !p3  }
0xa2: {  	p0 =	por !p0, !p1;
	s28 =	sadd.s32 s26, s20;
	p1 =	por !p6, !p6  }
0xa3: {  	v63 =	vor.u32 s1, v2;
	s6 =	sadd.s32 s8, s19;
	s1 =	sshra.s32 s28, $0x7;
	s7 =	simm.s32 @!p1 $0x0  }
0xa4: {  	s8 =	simm.s32 $0x1;
	p0 =	por !p0, !p0;
	s31 =	ssub.s32 s1, s7  }
0xa5: {  	s8 =	simm.s32 @!p0 $0x0;
	p0 =	slt.s32 s31, $0x1  }
.Ltmp6:
0xa6: {  	_ = 	snop;
	(pc) =	sbr.rel @!p0 .LBB2_9-.Ltmp6, $4  }
.Ltmp7:
0xa7: {  	v11 =	vsub.s32 v11, v0;
	[tilespmem:s2+$0x1A380] =	vst.msk vm1, v63;
	(pc) =	sbr.rel @p0 .LBB2_16-.Ltmp7, $4  }
0xa8: {  	[tilespmem:s2+$0x1CC00] =	vst.msk vm1, v11;
	s30 =	sshra.s32 s6, $0x4  }
0xa9: {  	[tilespmem:s3+$0x1A380] =	vst v4;
	s26 =	ssub.s32 s30, s8  }
0xaa: {  	[tilespmem:s3+$0x1CC00] =	vst v6;
	s6 =	simm.s32 $0x0;
	s1 =	simm.s32 $0x0;
	s3 =	smov.u32 s26  }
0xab: {  	_ = 	snop  }
.LBB2_15:
0xac: {  	s6 =	sadd.s32 $0x1, s6  }
0xad: {  	p0 =	sne.s32 s6, s31  }
.Ltmp8:
0xae: {  	_ = 	snop;
	(pc) =	sbr.rel @!p0 .LBB2_16-.Ltmp8, $2  }
0xaf: {  	_ =	sdelay $0x2  }
0xb0: {  	s3 =	sadd.s32 $0xFFFFFFF8, s3;
	s1 =	sadd.s32 $0x80, s1  }
.LBB2_9:
0xb1: {  	s2 =	sshll.u32 s6, $0x9  }
0xb2: {  	s2 =	sshra.s32 s2, $0x2  }
0xb3: {  	v11 =	vld [tilespmem:s2+$0x1A380];
	_ =	sdelay $0x4  }
0xb4: {  	v12 =	vshll.u32 v11, $0x1  }
0xb5: {  	v11 =	vand.u32 $0x7, v11;
	v12 =	vand.u32 $0xFFFFFFF0, v12  }
0xb6: {  	v11 =	vor.u32 v11, v12  }
0xb7: {  	v12 =	vperm.xlane v11, v5;
	_ =	sdelay $0x1  }
0xb8: {  	v11 =	vperm.xlane v11, v8;
	v12 =	vadd.s32 v7, v12;
	_ =	sdelay $0x1  }
0xb9: {  	v11 =	vadd.s32 v7, v11;
	_ =	sdelay $0x1  }
0xba: {  	s7 =	simm.s32 $0xFC00  }
0xbb: {  	[tilespmem:s7], [sflag:$0x1] =	stream.indirect_vreg.gather [hbm4b:s0+s4], $0x80, v12, vm0, $0xb8;
	[tilespmem:$0x1F580] =	vst v63  }
0xbc: {  	s10 =	simm.s32 $0x10400  }
0xbd: {  	[tilespmem:s10], [sflag:$0x1] =	stream.indirect_vreg.gather [hbm4b:s0+s4], $0x80, v11, vm0, $0xb8;
	[tilespmem:$0x1F580] =	vst v63  }
0xbe: {  	v11 =	vld [tilespmem:s2+$0x1A390];
	_ =	sdelay $0x4  }
0xbf: {  	v57 =	vshll.u32 v11, $0x1  }
0xc0: {  	v11 =	vand.u32 $0x7, v11;
	v12 =	vand.u32 $0xFFFFFFF0, v57  }
0xc1: {  	v11 =	vor.u32 v11, v12  }
0xc2: {  	v12 =	vperm.xlane v11, v5;
	_ =	sdelay $0x1  }
0xc3: {  	v11 =	vperm.xlane v11, v8;
	v12 =	vadd.s32 v7, v12;
	_ =	sdelay $0x1  }
0xc4: {  	v11 =	vadd.s32 v7, v11;
	_ =	sdelay $0x1  }
0xc5: {  	s11 =	simm.s32 $0x10C00  }
0xc6: {  	[tilespmem:s11], [sflag:$0x1] =	stream.indirect_vreg.gather [hbm4b:s0+s4], $0x80, v12, vm0, $0xb8;
	[tilespmem:$0x1F580] =	vst v63  }
0xc7: {  	s12 =	simm.s32 $0x11400  }
0xc8: {  	[tilespmem:s12], [sflag:$0x1] =	stream.indirect_vreg.gather [hbm4b:s0+s4], $0x80, v11, vm0, $0xb8;
	[tilespmem:$0x1F580] =	vst v63  }
0xc9: {  	v11 =	vld [tilespmem:s2+$0x1A3A0];
	_ =	sdelay $0x4  }
0xca: {  	v58 =	vshll.u32 v11, $0x1  }
0xcb: {  	v11 =	vand.u32 $0x7, v11;
	v12 =	vand.u32 $0xFFFFFFF0, v58  }
0xcc: {  	v11 =	vor.u32 v11, v12  }
0xcd: {  	v12 =	vperm.xlane v11, v5;
	_ =	sdelay $0x1  }
0xce: {  	v11 =	vperm.xlane v11, v8;
	v12 =	vadd.s32 v7, v12;
	_ =	sdelay $0x1  }
0xcf: {  	v11 =	vadd.s32 v7, v11;
	_ =	sdelay $0x1  }
0xd0: {  	s13 =	simm.s32 $0x11C00  }
0xd1: {  	[tilespmem:s13], [sflag:$0x1] =	stream.indirect_vreg.gather [hbm4b:s0+s4], $0x80, v12, vm0, $0xb8;
	[tilespmem:$0x1F580] =	vst v63  }
0xd2: {  	s14 =	simm.s32 $0x12400  }
0xd3: {  	[tilespmem:s14], [sflag:$0x1] =	stream.indirect_vreg.gather [hbm4b:s0+s4], $0x80, v11, vm0, $0xb8;
	[tilespmem:$0x1F580] =	vst v63  }
0xd4: {  	v11 =	vld [tilespmem:s2+$0x1A3B0];
	_ =	sdelay $0x4  }
0xd5: {  	v59 =	vshll.u32 v11, $0x1  }
0xd6: {  	v11 =	vand.u32 $0x7, v11;
	v12 =	vand.u32 $0xFFFFFFF0, v59  }
0xd7: {  	v11 =	vor.u32 v11, v12  }
0xd8: {  	v12 =	vperm.xlane v11, v5;
	_ =	sdelay $0x1  }
0xd9: {  	v11 =	vperm.xlane v11, v8;
	v12 =	vadd.s32 v7, v12;
	_ =	sdelay $0x1  }
0xda: {  	v11 =	vadd.s32 v7, v11;
	_ =	sdelay $0x1  }
0xdb: {  	s15 =	simm.s32 $0x12C00  }
0xdc: {  	[tilespmem:s15], [sflag:$0x1] =	stream.indirect_vreg.gather [hbm4b:s0+s4], $0x80, v12, vm0, $0xb8;
	[tilespmem:$0x1F580] =	vst v63  }
0xdd: {  	s16 =	simm.s32 $0x13400  }
0xde: {  	[tilespmem:s16], [sflag:$0x1] =	stream.indirect_vreg.gather [hbm4b:s0+s4], $0x80, v11, vm0, $0xb8;
	[tilespmem:$0x1F580] =	vst v63  }
0xdf: {  	v11 =	vld [tilespmem:s2+$0x1A3C0];
	_ =	sdelay $0x4  }
0xe0: {  	v60 =	vshll.u32 v11, $0x1  }
0xe1: {  	v11 =	vand.u32 $0x7, v11;
	v12 =	vand.u32 $0xFFFFFFF0, v60  }
0xe2: {  	v11 =	vor.u32 v11, v12  }
0xe3: {  	v12 =	vperm.xlane v11, v5;
	_ =	sdelay $0x1  }
0xe4: {  	v11 =	vperm.xlane v11, v8;
	v12 =	vadd.s32 v7, v12;
	_ =	sdelay $0x1  }
0xe5: {  	v11 =	vadd.s32 v7, v11;
	_ =	sdelay $0x1  }
0xe6: {  	s17 =	simm.s32 $0x13C00  }
0xe7: {  	[tilespmem:s17], [sflag:$0x1] =	stream.indirect_vreg.gather [hbm4b:s0+s4], $0x80, v12, vm0, $0xb8;
	[tilespmem:$0x1F580] =	vst v63  }
0xe8: {  	s18 =	simm.s32 $0x14400  }
0xe9: {  	[tilespmem:s18], [sflag:$0x1] =	stream.indirect_vreg.gather [hbm4b:s0+s4], $0x80, v11, vm0, $0xb8;
	[tilespmem:$0x1F580] =	vst v63  }
0xea: {  	v11 =	vld [tilespmem:s2+$0x1A3D0];
	_ =	sdelay $0x4  }
0xeb: {  	v61 =	vshll.u32 v11, $0x1  }
0xec: {  	v11 =	vand.u32 $0x7, v11;
	v12 =	vand.u32 $0xFFFFFFF0, v61  }
0xed: {  	v11 =	vor.u32 v11, v12  }
0xee: {  	v12 =	vperm.xlane v11, v5;
	_ =	sdelay $0x1  }
0xef: {  	v11 =	vperm.xlane v11, v8;
	v12 =	vadd.s32 v7, v12;
	_ =	sdelay $0x1  }
0xf0: {  	v11 =	vadd.s32 v7, v11;
	_ =	sdelay $0x1  }
0xf1: {  	s19 =	simm.s32 $0x14C00  }
0xf2: {  	[tilespmem:s19], [sflag:$0x1] =	stream.indirect_vreg.gather [hbm4b:s0+s4], $0x80, v12, vm0, $0xb8;
	[tilespmem:$0x1F580] =	vst v63  }
0xf3: {  	s20 =	simm.s32 $0x15400  }
0xf4: {  	[tilespmem:s20], [sflag:$0x1] =	stream.indirect_vreg.gather [hbm4b:s0+s4], $0x80, v11, vm0, $0xb8;
	[tilespmem:$0x1F580] =	vst v63  }
0xf5: {  	v11 =	vld [tilespmem:s2+$0x1A3E0];
	_ =	sdelay $0x4  }
0xf6: {  	v62 =	vshll.u32 v11, $0x1  }
0xf7: {  	v11 =	vand.u32 $0x7, v11;
	v12 =	vand.u32 $0xFFFFFFF0, v62  }
0xf8: {  	v11 =	vor.u32 v11, v12  }
0xf9: {  	v12 =	vperm.xlane v11, v5;
	_ =	sdelay $0x1  }
0xfa: {  	v11 =	vperm.xlane v11, v8;
	v12 =	vadd.s32 v7, v12;
	_ =	sdelay $0x1  }
0xfb: {  	v11 =	vadd.s32 v7, v11;
	_ =	sdelay $0x1  }
0xfc: {  	s21 =	simm.s32 $0x15C00  }
0xfd: {  	[tilespmem:s21], [sflag:$0x1] =	stream.indirect_vreg.gather [hbm4b:s0+s4], $0x80, v12, vm0, $0xb8;
	[tilespmem:$0x1F580] =	vst v63  }
0xfe: {  	s22 =	simm.s32 $0x16400  }
0xff: {  	[tilespmem:s22], [sflag:$0x1] =	stream.indirect_vreg.gather [hbm4b:s0+s4], $0x80, v11, vm0, $0xb8;
	[tilespmem:$0x1F580] =	vst v63  }
0x100: {  	v11 =	vld [tilespmem:s2+$0x1A3F0];
	_ =	sdelay $0x4  }
0x101: {  	v63 =	vshll.u32 v11, $0x1  }
0x102: {  	v11 =	vand.u32 $0x7, v11;
	v12 =	vand.u32 $0xFFFFFFF0, v63  }
0x103: {  	s24 =	sshll.u32 s6, $0x3;
	v11 =	vor.u32 v11, v12  }
0x104: {  	s7 =	ssub.s32 s26, s24;
	v12 =	vperm.xlane v11, v5  }
0x105: {  	p0 =	slt.s32 s7, $0x8  }
0x106: {  	s7 =	simm.s32 @!p0 $0x8;
	v11 =	vperm.xlane v11, v8;
	v12 =	vadd.s32 v7, v12  }
0x107: {  	s30 =	sshrl.u32 s7, $0x1F  }
0x108: {  	s2 =	sadd.s32 s30, s7;
	v11 =	vadd.s32 v7, v11  }
0x109: {  	s28 =	sand.u32 $0xFFFFFFFE, s2  }
0x10a: {  	s23 =	simm.s32 $0x16C00;
	p0 =	slt.s32 s28, $0x1  }
0x10b: {  	[tilespmem:s23], [sflag:$0x1] =	stream.indirect_vreg.gather [hbm4b:s0+s4], $0x80, v12, vm0, $0xb8;
	[tilespmem:$0x1F580] =	vst v63  }
.Ltmp9:
0x10c: {  	_ = 	snop;
	(pc) =	sbr.rel @p0 .LBB2_12-.Ltmp9, $4  }
0x10d: {  	[tilespmem:s25], [sflag:$0x1] =	stream.indirect_vreg.gather [hbm4b:s0+s4], $0x80, v11, vm0, $0xb8;
	[tilespmem:$0x1F580] =	vst v63  }
0x10e: {  	_ =	swait.ge [sflag:s9], $0x8000  }
0x10f: {  	[sflag:s9] =	ssyncset.done $0x0  }
0x110: {  	[sflag:s9] =	ssyncadd.s32 $0xFFFF8000  }
0x111: {  	s8 =	sadd.s32 $0x0, s1  }
0x112: {  	s10 =	simm.s32 $0x10;
	s8 =	sand.u32 $0xFFFFFF80, s8  }
0x113: {  	s10 =	sand.u32 $0x70, s10;
	s8 =	sadd.s32 $0x1CC00, s8  }
0x114: {  	s10 =	sor.u32 s10, s8  }
0x115: {  	s2 =	simm.s32 $0x0;
	v11 =	vld [tilespmem:s10+$0x0]  }
0x116: {  	s2 =	sand.u32 $0x60, s2  }
0x117: {  	s2 =	sor.u32 s2, s8  }
0x118: {  	v12 =	vld [tilespmem:s2+$0x0];
	_ =	sdelay $0x1  }
0x119: {  	(v2sf) =	vpush v11, $0x0;
	_ =	sdelay $0x2  }
0x11a: {  	(v2sf) =	vpush v12, $0x0  }
0x11b: {  	(v2sf) =	vpush v12, $0x1  }
0x11c: {  	(v2sf) =	vpush v12, $0x2  }
0x11d: {  	(v2sf) =	vpush v11, $0x1;
	_ =	sdelay $0x4  }
0x11e: {  	(v2sf) =	vpush v12, $0x3  }
0x11f: {  	(v2sf) =	vpush v11, $0x2;
	_ =	sdelay $0x2  }
0x120: {  	s30 =	simm.s32 $0x10C00;
	s18 =	spop (v2sf)  }
0x121: {  	v13 =	vld [tilespmem:s30+$0x0];
	(v2sf) =	vpush v12, $0x4;
	s19 =	sshrl.u32 s18, $0x3  }
0x122: {  	(v2sf) =	vpush v12, $0x5;
	s2 =	sshll.u32 s18, $0x7;
	s8 =	smul.u32 $0x3000, s19  }
0x123: {  	s20 =	spop (v2sf);
	(v2sf) =	vpush v11, $0x3;
	s2 =	sand.u32 $0x380, s2  }
0x124: {  	v14 =	vld [tilespmem:s30+$0xFFFFF000];
	s11 =	spop (v2sf);
	s12 =	sshrl.u32 s20, $0x3;
	s8 =	sshra.s32 s8, $0x2  }
0x125: {  	s12 =	smul.u32 $0x3000, s12;
	s2 =	sor.u32 s2, s8;
	s8 =	spop (v2sf)  }
0x126: {  	s10 =	sshll.u32 s20, $0x7;
	[tilespmem:s2+$0x0] =	vst.add.f32.msk $0xffff, v13;
	s13 =	spop (v2sf)  }
0x127: {  	(v2sf) =	vpush v12, $0x6;
	s10 =	sand.u32 $0x380, s10;
	s12 =	sshra.s32 s12, $0x2;
	[tilespmem:s2+$0x800] =	vst.add.f32.msk $0xffff, v9;
	s21 =	sshrl.u32 s13, $0x3  }
0x128: {  	(v2sf) =	vpush v12, $0x7;
	s10 =	sor.u32 s10, s12;
	v13 =	vld [tilespmem:s30+$0x80];
	s2 =	smul.u32 $0x3000, s21  }
0x129: {  	(v2sf) =	vpush v11, $0x4;
	s13 =	sshll.u32 s13, $0x7;
	[tilespmem:s10+$0x0] =	vst.add.f32.msk $0xffff, v14  }
0x12a: {  	s14 =	sshrl.u32 s11, $0x3;
	[tilespmem:s10+$0x800] =	vst.add.f32.msk $0xffff, v9;
	s22 =	sand.u32 $0x380, s13;
	s2 =	sshra.s32 s2, $0x2  }
0x12b: {  	s23 =	smul.u32 $0x3000, s14;
	s13 =	spop (v2sf);
	v14 =	vld [tilespmem:s30+$0xFFFFF080];
	s2 =	sor.u32 s22, s2  }
0x12c: {  	s11 =	sshll.u32 s11, $0x7;
	s24 =	spop (v2sf);
	[tilespmem:s2+$0x800] =	vst.add.f32.msk $0xffff, v9  }
0x12d: {  	s11 =	sand.u32 $0x380, s11;
	s12 =	sshra.s32 s23, $0x2;
	s15 =	sshrl.u32 s24, $0x3;
	[tilespmem:s2+$0x0] =	vst.add.f32.msk $0xffff, v13  }
0x12e: {  	s16 =	sor.u32 s11, s12;
	(v2sf) =	vpush v12, $0x8;
	s2 =	smul.u32 $0x3000, s15;
	v13 =	vld [tilespmem:s30+$0x100]  }
0x12f: {  	s18 =	sshrl.u32 s8, $0x3;
	[tilespmem:s16+$0x800] =	vst.add.f32.msk $0xffff, v9;
	(v2sf) =	vpush v11, $0x5;
	s17 =	sshll.u32 s24, $0x7  }
0x130: {  	s11 =	sand.u32 $0x380, s17;
	[tilespmem:s16+$0x0] =	vst.add.f32.msk $0xffff, v14;
	s2 =	sshra.s32 s2, $0x2;
	s12 =	spop (v2sf)  }
0x131: {  	s19 =	smul.u32 $0x3000, s18;
	v14 =	vld [tilespmem:s30+$0xFFFFF100];
	s2 =	sor.u32 s11, s2;
	s15 =	spop (v2sf)  }
0x132: {  	p1 =	sgt.s32 s28, $0x2;
	s8 =	sshll.u32 s8, $0x7;
	[tilespmem:s2+$0x800] =	vst.add.f32.msk $0xffff, v9;
	s20 =	spop (v2sf)  }
0x133: {  	s8 =	sand.u32 $0x380, s8;
	(v2sf) =	vpush v12, $0x9;
	s11 =	sshra.s32 s19, $0x2;
	[tilespmem:s2+$0x0] =	vst.add.f32.msk $0xffff, v13;
	s21 =	sshrl.u32 s20, $0x3  }
0x134: {  	s23 =	sshrl.u32 s13, $0x3;
	s8 =	sor.u32 s8, s11;
	(v2sf) =	vpush v12, $0xA;
	v13 =	vld [tilespmem:s30+$0x180];
	s2 =	smul.u32 $0x3000, s21  }
0x135: {  	s13 =	sshll.u32 s13, $0x7;
	s14 =	smul.u32 $0x3000, s23;
	[tilespmem:s8+$0x800] =	vst.add.f32.msk $0xffff, v9;
	s22 =	sshll.u32 s20, $0x7;
	(v2sf) =	vpush v11, $0x6  }
0x136: {  	s11 =	spop (v2sf);
	s10 =	sand.u32 $0x380, s22;
	[tilespmem:s8+$0x0] =	vst.add.f32.msk $0xffff, v14;
	s2 =	sshra.s32 s2, $0x2  }
0x137: {  	s13 =	sand.u32 $0x380, s13;
	v14 =	vld [tilespmem:s30+$0xFFFFF180];
	s10 =	sor.u32 s10, s2;
	s2 =	spop (v2sf)  }
0x138: {  	s14 =	sshra.s32 s14, $0x2;
	s17 =	sshrl.u32 s12, $0x3;
	(v2sf) =	vpush v12, $0xB;
	[tilespmem:s10+$0x800] =	vst.add.f32.msk $0xffff, v9;
	s16 =	spop (v2sf)  }
0x139: {  	s12 =	sshll.u32 s12, $0x7;
	s18 =	smul.u32 $0x3000, s17;
	[tilespmem:s10+$0x0] =	vst.add.f32.msk $0xffff, v13;
	s24 =	sshrl.u32 s16, $0x3  }
0x13a: {  	s13 =	sor.u32 s13, s14;
	s12 =	sand.u32 $0x380, s12;
	(v2sf) =	vpush v12, $0xC;
	v13 =	vld [tilespmem:s30+$0x200];
	s10 =	smul.u32 $0x3000, s24  }
0x13b: {  	s20 =	sshrl.u32 s15, $0x3;
	s15 =	sshll.u32 s15, $0x7;
	[tilespmem:s13+$0x800] =	vst.add.f32.msk $0xffff, v9;
	(v2sf) =	vpush v11, $0x7;
	s16 =	sshll.u32 s16, $0x7  }
0x13c: {  	s19 =	sshra.s32 s18, $0x2;
	s8 =	sand.u32 $0x380, s16;
	[tilespmem:s13+$0x0] =	vst.add.f32.msk $0xffff, v14;
	s10 =	sshra.s32 s10, $0x2  }
0x13d: {  	s14 =	smul.u32 $0x3000, s20;
	s16 =	spop (v2sf);
	v14 =	vld [tilespmem:s30+$0xFFFFF200];
	s8 =	sor.u32 s8, s10  }
0x13e: {  	s23 =	sand.u32 $0x380, s15;
	s24 =	sshrl.u32 s11, $0x3;
	s21 =	spop (v2sf);
	[tilespmem:s8+$0x800] =	vst.add.f32.msk $0xffff, v9  }
0x13f: {  	s14 =	sshra.s32 s14, $0x2;
	s15 =	smul.u32 $0x3000, s24;
	s22 =	sshrl.u32 s21, $0x3;
	[tilespmem:s8+$0x0] =	vst.add.f32.msk $0xffff, v13  }
0x140: {  	(v2sf) =	vpush v12, $0xD;
	s11 =	sshll.u32 s11, $0x7;
	s10 =	sor.u32 s12, s19;
	s8 =	smul.u32 $0x3000, s22;
	v13 =	vld [tilespmem:s30+$0x280]  }
0x141: {  	(v2sf) =	vpush v11, $0x8;
	s11 =	sand.u32 $0x380, s11;
	s24 =	sshrl.u32 s16, $0x3;
	s18 =	sshll.u32 s21, $0x7;
	[tilespmem:s10+$0x800] =	vst.add.f32.msk $0xffff, v9  }
0x142: {  	s13 =	sand.u32 $0x380, s18;
	s17 =	spop (v2sf);
	(v2sf) =	vpush v12, $0xE;
	[tilespmem:s10+$0x0] =	vst.add.f32.msk $0xffff, v14;
	s18 =	sshra.s32 s8, $0x2  }
0x143: {  	s16 =	sshll.u32 s16, $0x7;
	s8 =	spop (v2sf);
	(v2sf) =	vpush v12, $0xF;
	v12 =	vld [tilespmem:s30+$0xFFFFF280];
	s13 =	sor.u32 s13, s18  }
0x144: {  	s21 =	sshrl.u32 s2, $0x3;
	s2 =	sshll.u32 s2, $0x7;
	s19 =	spop (v2sf);
	[tilespmem:s13+$0x800] =	vst.add.f32.msk $0xffff, v9  }
0x145: {  	s12 =	sor.u32 s23, s14;
	s18 =	smul.u32 $0x3000, s21;
	s20 =	sshrl.u32 s19, $0x3;
	[tilespmem:s13+$0x0] =	vst.add.f32.msk $0xffff, v13  }
0x146: {  	s15 =	sshra.s32 s15, $0x2;
	s2 =	sand.u32 $0x380, s2;
	(v2sf) =	vpush v11, $0x9;
	s13 =	smul.u32 $0x3000, s20;
	v13 =	vld [tilespmem:s30+$0x300]  }
0x147: {  	s15 =	sor.u32 s11, s15;
	[tilespmem:s12+$0x800] =	vst.add.f32.msk $0xffff, v9;
	s22 =	sshll.u32 s19, $0x7;
	s11 =	spop (v2sf)  }
0x148: {  	s10 =	sand.u32 $0x380, s22;
	s23 =	sshra.s32 s18, $0x2;
	[tilespmem:s12+$0x0] =	vst.add.f32.msk $0xffff, v12;
	s13 =	sshra.s32 s13, $0x2  }
0x149: {  	s18 =	smul.u32 $0x3000, s24;
	v12 =	vld [tilespmem:s30+$0xFFFFF300];
	s13 =	sor.u32 s10, s13;
	s10 =	spop (v2sf)  }
0x14a: {  	s14 =	sor.u32 s2, s23;
	s23 =	sshrl.u32 s17, $0x3;
	[tilespmem:s13+$0x800] =	vst.add.f32.msk $0xffff, v9;
	s19 =	spop (v2sf)  }
0x14b: {  	s22 =	sshra.s32 s18, $0x2;
	s18 =	smul.u32 $0x3000, s23;
	s20 =	sshrl.u32 s19, $0x3;
	[tilespmem:s13+$0x0] =	vst.add.f32.msk $0xffff, v13  }
0x14c: {  	s21 =	sand.u32 $0x380, s16;
	(v2sf) =	vpush v11, $0xA;
	s17 =	sshll.u32 s17, $0x7;
	s13 =	smul.u32 $0x3000, s20;
	v13 =	vld [tilespmem:s30+$0x380]  }
0x14d: {  	s17 =	sand.u32 $0x380, s17;
	[tilespmem:s15+$0x800] =	vst.add.f32.msk $0xffff, v9;
	s16 =	sor.u32 s21, s22;
	s24 =	sshll.u32 s19, $0x7  }
0x14e: {  	s22 =	sshrl.u32 s8, $0x3;
	s12 =	sand.u32 $0x380, s24;
	[tilespmem:s15+$0x0] =	vst.add.f32.msk $0xffff, v12;
	s13 =	sshra.s32 s13, $0x2  }
0x14f: {  	s8 =	sshll.u32 s8, $0x7;
	s19 =	spop (v2sf);
	v12 =	vld [tilespmem:s30+$0xFFFFF380];
	s12 =	sor.u32 s12, s13  }
0x150: {  	s18 =	sshra.s32 s18, $0x2;
	s20 =	spop (v2sf);
	s24 =	sshrl.u32 s11, $0x3;
	[tilespmem:s12+$0x800] =	vst.add.f32.msk $0xffff, v9  }
0x151: {  	s2 =	sor.u32 s17, s18;
	s21 =	sshrl.u32 s20, $0x3;
	s18 =	smul.u32 $0x3000, s24;
	[tilespmem:s12+$0x0] =	vst.add.f32.msk $0xffff, v13  }
0x152: {  	p0 =	por $0x0, $0x0;
	s8 =	sand.u32 $0x380, s8;
	(v2sf) =	vpush v11, $0xB;
	s12 =	smul.u32 $0x3000, s21;
	v13 =	vld [tilespmem:s30+$0x800]  }
0x153: {  	s23 =	sshll.u32 s20, $0x7;
	[tilespmem:s14+$0x800] =	vst.add.f32.msk $0xffff, v9;
	s13 =	smul.u32 $0x3000, s22;
	s17 =	spop (v2sf)  }
0x154: {  	s15 =	sand.u32 $0x380, s23;
	s20 =	spop (v2sf);
	[tilespmem:s14+$0x0] =	vst.add.f32.msk $0xffff, v12;
	s12 =	sshra.s32 s12, $0x2  }
0x155: {  	s13 =	sshra.s32 s13, $0x2;
	s21 =	spop (v2sf);
	v12 =	vld [tilespmem:s30+$0xFFFFF800];
	s12 =	sor.u32 s15, s12  }
0x156: {  	s11 =	sshll.u32 s11, $0x7;
	s15 =	sor.u32 s8, s13;
	s13 =	sshrl.u32 s21, $0x3;
	[tilespmem:s12+$0x800] =	vst.add.f32.msk $0xffff, v9  }
0x157: {  	s18 =	sshra.s32 s18, $0x2;
	s8 =	sand.u32 $0x380, s11;
	s11 =	smul.u32 $0x3000, s13;
	[tilespmem:s12+$0x0] =	vst.add.f32.msk $0xffff, v13  }
0x158: {  	s22 =	sshrl.u32 s10, $0x3;
	s10 =	sshll.u32 s10, $0x7;
	s23 =	sshll.u32 s21, $0x7;
	v13 =	vld [tilespmem:s30+$0x880]  }
0x159: {  	s24 =	sand.u32 $0x380, s23;
	[tilespmem:s16+$0x800] =	vst.add.f32.msk $0xffff, v9;
	s13 =	smul.u32 $0x3000, s22;
	s11 =	sshra.s32 s11, $0x2  }
0x15a: {  	s23 =	sshrl.u32 s19, $0x3;
	s14 =	sor.u32 s8, s18;
	s21 =	sor.u32 s24, s11;
	[tilespmem:s16+$0x0] =	vst.add.f32.msk $0xffff, v12  }
0x15b: {  	s12 =	sand.u32 $0x380, s10;
	s22 =	sshra.s32 s13, $0x2;
	s24 =	spop (v2sf);
	[tilespmem:s21+$0x800] =	vst.add.f32.msk $0xffff, v9  }
0x15c: {  	s13 =	sor.u32 s12, s22;
	s12 =	smul.u32 $0x3000, s23;
	s22 =	sshll.u32 s19, $0x7;
	v12 =	vld [tilespmem:s30+$0xFFFFF880]  }
0x15d: {  	s18 =	sshll.u32 s17, $0x7;
	s11 =	sand.u32 $0x380, s22;
	[tilespmem:s21+$0x0] =	vst.add.f32.msk $0xffff, v13;
	s21 =	sshrl.u32 s24, $0x3  }
0x15e: {  	s8 =	sshra.s32 s12, $0x2;
	s24 =	sshll.u32 s24, $0x7;
	v13 =	vld [tilespmem:s30+$0x900];
	s10 =	smul.u32 $0x3000, s21  }
0x15f: {  	s23 =	sshrl.u32 s17, $0x3;
	s12 =	sor.u32 s11, s8;
	s16 =	sand.u32 $0x380, s24  }
0x160: {  	[tilespmem:s2+$0x800] =	vst.add.f32.msk $0xffff, v9;
	s21 =	smul.u32 $0x3000, s23;
	s23 =	sshrl.u32 s20, $0x3;
	s10 =	sshra.s32 s10, $0x2  }
0x161: {  	s24 =	spop (v2sf);
	[tilespmem:s2+$0x0] =	vst.add.f32.msk $0xffff, v12;
	s19 =	smul.u32 $0x3000, s23;
	s8 =	sor.u32 s16, s10  }
.Ltmp10:
0x162: {  	s16 =	sshra.s32 s21, $0x2;
	s21 =	sshrl.u32 s24, $0x3;
	[tilespmem:s8+$0x800] =	vst.add.f32.msk $0xffff, v9;
	(pc) =	sbr.rel @!p1 .LBB2_11-.Ltmp10, $4  }
0x163: {  	s22 =	sand.u32 $0x380, s18;
	s23 =	sshra.s32 s19, $0x2;
	[tilespmem:s8+$0x0] =	vst.add.f32.msk $0xffff, v13;
	s8 =	smul.u32 $0x3000, s21  }
0x164: {  	(v2sf) =	vpush v11, $0xC;
	v14 =	vld [tilespmem:s30+$0xFFFFF900];
	s24 =	sshll.u32 s24, $0x7;
	s11 =	sor.u32 s22, s16;
	s22 =	sshll.u32 s20, $0x7  }
0x165: {  	(v2sf) =	vpush v11, $0xD;
	[tilespmem:s15+$0x800] =	vst.add.f32.msk $0xffff, v9;
	s2 =	sand.u32 $0x380, s24;
	s10 =	sand.u32 $0x380, s22;
	s8 =	sshra.s32 s8, $0x2  }
0x166: {  	(v2sf) =	vpush v11, $0xE;
	v13 =	vld [tilespmem:s30+$0x980];
	s17 =	sor.u32 s10, s23;
	s18 =	sor.u32 s2, s8;
	s2 =	simm.s32 $0x20  }
0x167: {  	_ =	sdelay $0xa  }
0x168: {  	[tilespmem:s18+$0x800] =	vst.add.f32.msk $0xffff, v9  }
0x169: {  	s10 =	sadd.s32 $0x20, s1;
	[tilespmem:s15+$0x0] =	vst.add.f32.msk $0xffff, v14;
	s8 =	spop (v2sf)  }
0x16a: {  	s24 =	simm.s32 $0x30;
	s10 =	sand.u32 $0xFFFFFF80, s10;
	[tilespmem:s18+$0x0] =	vst.add.f32.msk $0xffff, v13;
	s16 =	sshrl.u32 s8, $0x3  }
0x16b: {  	s10 =	sadd.s32 $0x1CC00, s10;
	s18 =	sand.u32 $0x70, s24;
	v12 =	vld [tilespmem:s30+$0xA00];
	s16 =	smul.u32 $0x3000, s16  }
0x16c: {  	(v2sf) =	vpush v11, $0xF;
	s2 =	sand.u32 $0x60, s2;
	v14 =	vld [tilespmem:s30+$0xFFFFF980];
	s18 =	sor.u32 s18, s10;
	s8 =	sshll.u32 s8, $0x7  }
0x16d: {  	s2 =	sor.u32 s2, s10;
	v11 =	vld [tilespmem:s18+$0x0];
	s8 =	sand.u32 $0x380, s8;
	s19 =	sshra.s32 s16, $0x2  }
0x16e: {  	v13 =	vld [tilespmem:s2+$0x0];
	s8 =	sor.u32 s8, s19  }
0x16f: {  	s20 =	spop (v2sf);
	[tilespmem:s8+$0x800] =	vst.add.f32.msk $0xffff, v9  }
0x170: {  	s21 =	sshrl.u32 s20, $0x3;
	[tilespmem:s8+$0x0] =	vst.add.f32.msk $0xffff, v12  }
0x171: {  	s8 =	smul.u32 $0x3000, s21;
	v12 =	vld [tilespmem:s30+$0xA80]  }
0x172: {  	[tilespmem:s14+$0x800] =	vst.add.f32.msk $0xffff, v9;
	(v2sf) =	vpush v11, $0x0;
	s22 =	sshll.u32 s20, $0x7  }
0x173: {  	[tilespmem:s14+$0x0] =	vst.add.f32.msk $0xffff, v14;
	s2 =	sand.u32 $0x380, s22;
	s8 =	sshra.s32 s8, $0x2  }
0x174: {  	v14 =	vld [tilespmem:s30+$0xFFFFFA00];
	s23 =	spop (v2sf);
	(v2sf) =	vpush v13, $0x0;
	s2 =	sor.u32 s2, s8  }
0x175: {  	(v2sf) =	vpush v13, $0x1;
	[tilespmem:s2+$0x800] =	vst.add.f32.msk $0xffff, v9  }
0x176: {  	s24 =	sshrl.u32 s23, $0x3;
	[tilespmem:s2+$0x0] =	vst.add.f32.msk $0xffff, v12  }
0x177: {  	(v2sf) =	vpush v13, $0x2;
	s2 =	smul.u32 $0x3000, s24;
	v12 =	vld [tilespmem:s30+$0xB00]  }
0x178: {  	[tilespmem:s13+$0x800] =	vst.add.f32.msk $0xffff, v9;
	(v2sf) =	vpush v11, $0x1;
	s8 =	sshll.u32 s23, $0x7  }
0x179: {  	[tilespmem:s13+$0x0] =	vst.add.f32.msk $0xffff, v14;
	s8 =	sand.u32 $0x380, s8;
	s2 =	sshra.s32 s2, $0x2  }
0x17a: {  	v14 =	vld [tilespmem:s30+$0xFFFFFA80];
	s2 =	sor.u32 s8, s2  }
0x17b: {  	s10 =	spop (v2sf);
	[tilespmem:s2+$0x800] =	vst.add.f32.msk $0xffff, v9  }
0x17c: {  	s14 =	sshrl.u32 s10, $0x3;
	[tilespmem:s2+$0x0] =	vst.add.f32.msk $0xffff, v12  }
0x17d: {  	(v2sf) =	vpush v13, $0x3;
	s8 =	smul.u32 $0x3000, s14;
	v12 =	vld [tilespmem:s30+$0xB80]  }
0x17e: {  	[tilespmem:s12+$0x800] =	vst.add.f32.msk $0xffff, v9;
	(v2sf) =	vpush v11, $0x2;
	s2 =	sshll.u32 s10, $0x7  }
0x17f: {  	[tilespmem:s12+$0x0] =	vst.add.f32.msk $0xffff, v14;
	s8 =	sshra.s32 s8, $0x2;
	s2 =	sand.u32 $0x380, s2  }
0x180: {  	v14 =	vld [tilespmem:s30+$0xFFFFFB00];
	s2 =	sor.u32 s2, s8  }
0x181: {  	(v2sf) =	vpush v13, $0x4;
	s15 =	spop (v2sf);
	[tilespmem:s2+$0x800] =	vst.add.f32.msk $0xffff, v9  }
0x182: {  	(v2sf) =	vpush v13, $0x5;
	s16 =	sshrl.u32 s15, $0x3;
	s8 =	simm.s32 $0x12C00;
	[tilespmem:s2+$0x0] =	vst.add.f32.msk $0xffff, v12  }
0x183: {  	s18 =	spop (v2sf);
	(v2sf) =	vpush v11, $0x3;
	v12 =	vld [tilespmem:s8+$0x0];
	s2 =	smul.u32 $0x3000, s16  }
0x184: {  	[tilespmem:s11+$0x800] =	vst.add.f32.msk $0xffff, v9;
	s10 =	sshll.u32 s15, $0x7;
	s12 =	spop (v2sf)  }
0x185: {  	[tilespmem:s11+$0x0] =	vst.add.f32.msk $0xffff, v14;
	s19 =	sshrl.u32 s18, $0x3;
	s10 =	sand.u32 $0x380, s10;
	s2 =	sshra.s32 s2, $0x2  }
0x186: {  	s14 =	smul.u32 $0x3000, s19;
	v15 =	vld [tilespmem:s8+$0xFFFFF000];
	s2 =	sor.u32 s10, s2;
	s10 =	spop (v2sf)  }
0x187: {  	s13 =	sshll.u32 s18, $0x7;
	s20 =	spop (v2sf);
	[tilespmem:s2+$0x800] =	vst.add.f32.msk $0xffff, v9  }
0x188: {  	(v2sf) =	vpush v13, $0x6;
	s13 =	sand.u32 $0x380, s13;
	s14 =	sshra.s32 s14, $0x2;
	[tilespmem:s2+$0x0] =	vst.add.f32.msk $0xffff, v12;
	s21 =	sshrl.u32 s20, $0x3  }
0x189: {  	s13 =	sor.u32 s13, s14;
	(v2sf) =	vpush v13, $0x7;
	v12 =	vld [tilespmem:s8+$0x80];
	s2 =	smul.u32 $0x3000, s21  }
0x18a: {  	[tilespmem:s13+$0x800] =	vst.add.f32.msk $0xffff, v9;
	(v2sf) =	vpush v11, $0x4;
	s22 =	sshll.u32 s20, $0x7  }
0x18b: {  	s24 =	sshrl.u32 s12, $0x3;
	[tilespmem:s13+$0x0] =	vst.add.f32.msk $0xffff, v15;
	s23 =	sand.u32 $0x380, s22;
	s2 =	sshra.s32 s2, $0x2  }
0x18c: {  	s16 =	smul.u32 $0x3000, s24;
	v15 =	vld [tilespmem:s8+$0xFFFFF080];
	s14 =	spop (v2sf);
	s2 =	sor.u32 s23, s2  }
0x18d: {  	s12 =	sshll.u32 s12, $0x7;
	s18 =	spop (v2sf);
	[tilespmem:s2+$0x800] =	vst.add.f32.msk $0xffff, v9  }
0x18e: {  	s12 =	sand.u32 $0x380, s12;
	s11 =	sshra.s32 s16, $0x2;
	(v2sf) =	vpush v13, $0x8;
	s19 =	sshrl.u32 s18, $0x3;
	[tilespmem:s2+$0x0] =	vst.add.f32.msk $0xffff, v12  }
0x18f: {  	s11 =	sor.u32 s12, s11;
	s21 =	sshrl.u32 s10, $0x3;
	s2 =	smul.u32 $0x3000, s19;
	v14 =	vld [tilespmem:s8+$0x100]  }
0x190: {  	[tilespmem:s11+$0x800] =	vst.add.f32.msk $0xffff, v9;
	(v2sf) =	vpush v11, $0x5;
	s10 =	sshll.u32 s10, $0x7;
	s20 =	sshll.u32 s18, $0x7;
	s13 =	spop (v2sf)  }
0x191: {  	s12 =	sand.u32 $0x380, s20;
	s16 =	spop (v2sf);
	[tilespmem:s11+$0x0] =	vst.add.f32.msk $0xffff, v15;
	s2 =	sshra.s32 s2, $0x2  }
0x192: {  	s22 =	smul.u32 $0x3000, s21;
	s23 =	spop (v2sf);
	(v2sf) =	vpush v13, $0x9;
	v15 =	vld [tilespmem:s8+$0xFFFFF100];
	s2 =	sor.u32 s12, s2  }
0x193: {  	s10 =	sand.u32 $0x380, s10;
	[tilespmem:s2+$0x800] =	vst.add.f32.msk $0xffff, v9  }
0x194: {  	s24 =	sshrl.u32 s23, $0x3;
	(v2sf) =	vpush v13, $0xA;
	s18 =	sshll.u32 s23, $0x7;
	s12 =	sshra.s32 s22, $0x2;
	[tilespmem:s2+$0x0] =	vst.add.f32.msk $0xffff, v14  }
0x195: {  	(v2sf) =	vpush v11, $0x6;
	s19 =	sshrl.u32 s14, $0x3;
	s10 =	sor.u32 s10, s12;
	s2 =	smul.u32 $0x3000, s24;
	v14 =	vld [tilespmem:s8+$0x180]  }
0x196: {  	s11 =	sand.u32 $0x380, s18;
	s14 =	sshll.u32 s14, $0x7;
	s15 =	smul.u32 $0x3000, s19;
	[tilespmem:s10+$0x800] =	vst.add.f32.msk $0xffff, v9  }
0x197: {  	s14 =	sand.u32 $0x380, s14;
	s12 =	spop (v2sf);
	[tilespmem:s10+$0x0] =	vst.add.f32.msk $0xffff, v15;
	s2 =	sshra.s32 s2, $0x2  }
0x198: {  	s19 =	sshrl.u32 s13, $0x3;
	v15 =	vld [tilespmem:s8+$0xFFFFF180];
	s11 =	sor.u32 s11, s2;
	s2 =	spop (v2sf)  }
0x199: {  	s13 =	sshll.u32 s13, $0x7;
	s22 =	smul.u32 $0x3000, s19;
	(v2sf) =	vpush v13, $0xB;
	[tilespmem:s11+$0x800] =	vst.add.f32.msk $0xffff, v9;
	s20 =	spop (v2sf)  }
0x19a: {  	s13 =	sand.u32 $0x380, s13;
	s15 =	sshra.s32 s15, $0x2;
	(v2sf) =	vpush v13, $0xC;
	s21 =	sshrl.u32 s20, $0x3;
	[tilespmem:s11+$0x0] =	vst.add.f32.msk $0xffff, v14  }
0x19b: {  	s14 =	sor.u32 s14, s15;
	s15 =	sshra.s32 s22, $0x2;
	(v2sf) =	vpush v11, $0x7;
	s11 =	smul.u32 $0x3000, s21;
	v14 =	vld [tilespmem:s8+$0x200]  }
0x19c: {  	s22 =	sshll.u32 s16, $0x7;
	s24 =	sshrl.u32 s16, $0x3;
	s23 =	sshll.u32 s20, $0x7  }
0x19d: {  	[tilespmem:s14+$0x800] =	vst.add.f32.msk $0xffff, v9;
	s19 =	spop (v2sf);
	(v2sf) =	vpush v13, $0xD;
	s10 =	sand.u32 $0x380, s23;
	s11 =	sshra.s32 s11, $0x2  }
0x19e: {  	s20 =	smul.u32 $0x3000, s24;
	s24 =	sshrl.u32 s12, $0x3;
	[tilespmem:s14+$0x0] =	vst.add.f32.msk $0xffff, v15;
	s10 =	sor.u32 s10, s11  }
0x19f: {  	s21 =	spop (v2sf);
	(v2sf) =	vpush v11, $0x8;
	s16 =	smul.u32 $0x3000, s24;
	s24 =	sshrl.u32 s2, $0x3;
	[tilespmem:s10+$0x800] =	vst.add.f32.msk $0xffff, v9  }
0x1a0: {  	s2 =	sshll.u32 s2, $0x7;
	s23 =	sshrl.u32 s21, $0x3;
	s21 =	sshll.u32 s21, $0x7;
	[tilespmem:s10+$0x0] =	vst.add.f32.msk $0xffff, v14  }
0x1a1: {  	s14 =	spop (v2sf);
	s2 =	sand.u32 $0x380, s2;
	s10 =	smul.u32 $0x3000, s23;
	v14 =	vld [tilespmem:s8+$0x280]  }
0x1a2: {  	(v2sf) =	vpush v13, $0xE;
	s18 =	sand.u32 $0x380, s21;
	s11 =	sor.u32 s13, s15;
	s15 =	sshra.s32 s20, $0x2  }
0x1a3: {  	v15 =	vld [tilespmem:s8+$0xFFFFF200];
	s20 =	sshll.u32 s12, $0x7;
	s12 =	spop (v2sf);
	s10 =	sshra.s32 s10, $0x2  }
0x1a4: {  	s16 =	sshra.s32 s16, $0x2;
	[tilespmem:s11+$0x800] =	vst.add.f32.msk $0xffff, v9;
	s23 =	spop (v2sf);
	s10 =	sor.u32 s18, s10  }
0x1a5: {  	s13 =	sand.u32 $0x380, s22;
	s22 =	sand.u32 $0x380, s20;
	s21 =	sshrl.u32 s23, $0x3;
	[tilespmem:s10+$0x800] =	vst.add.f32.msk $0xffff, v9  }
0x1a6: {  	(v2sf) =	vpush v13, $0xF;
	s13 =	sor.u32 s13, s15;
	s15 =	sor.u32 s22, s16;
	[tilespmem:s10+$0x0] =	vst.add.f32.msk $0xffff, v14;
	s10 =	smul.u32 $0x3000, s21  }
0x1a7: {  	s22 =	smul.u32 $0x3000, s24;
	s24 =	sshrl.u32 s19, $0x3;
	(v2sf) =	vpush v11, $0x9;
	s23 =	sshll.u32 s23, $0x7;
	v14 =	vld [tilespmem:s8+$0x300]  }
0x1a8: {  	[tilespmem:s11+$0x0] =	vst.add.f32.msk $0xffff, v15;
	s11 =	sand.u32 $0x380, s23;
	s18 =	spop (v2sf);
	s10 =	sshra.s32 s10, $0x2  }
0x1a9: {  	s19 =	sshll.u32 s19, $0x7;
	v13 =	vld [tilespmem:s8+$0xFFFFF280];
	s10 =	sor.u32 s11, s10;
	s11 =	spop (v2sf)  }
0x1aa: {  	[tilespmem:s13+$0x800] =	vst.add.f32.msk $0xffff, v9;
	s20 =	smul.u32 $0x3000, s24;
	s16 =	sshra.s32 s22, $0x2;
	(v2sf) =	vpush v11, $0xA;
	s21 =	spop (v2sf)  }
0x1ab: {  	s16 =	sor.u32 s2, s16;
	s2 =	sand.u32 $0x380, s19;
	[tilespmem:s10+$0x800] =	vst.add.f32.msk $0xffff, v9;
	s22 =	sshrl.u32 s21, $0x3  }
0x1ac: {  	s23 =	sshra.s32 s20, $0x2;
	s20 =	spop (v2sf);
	[tilespmem:s10+$0x0] =	vst.add.f32.msk $0xffff, v14;
	s24 =	smul.u32 $0x3000, s22  }
0x1ad: {  	s10 =	sor.u32 s2, s23;
	s22 =	sshrl.u32 s14, $0x3;
	s23 =	sshll.u32 s21, $0x7;
	v14 =	vld [tilespmem:s8+$0x380]  }
0x1ae: {  	[tilespmem:s13+$0x0] =	vst.add.f32.msk $0xffff, v13;
	s14 =	sshll.u32 s14, $0x7;
	s21 =	spop (v2sf);
	s2 =	smul.u32 $0x3000, s22  }
0x1af: {  	v13 =	vld [tilespmem:s8+$0xFFFFF300];
	(v2sf) =	vpush v11, $0xB;
	s13 =	sand.u32 $0x380, s23;
	s14 =	sand.u32 $0x380, s14;
	s24 =	sshra.s32 s24, $0x2  }
0x1b0: {  	[tilespmem:s15+$0x800] =	vst.add.f32.msk $0xffff, v9;
	s22 =	sshll.u32 s12, $0x7;
	s23 =	sshrl.u32 s21, $0x3;
	s13 =	sor.u32 s13, s24  }
0x1b1: {  	s12 =	sshrl.u32 s12, $0x3;
	s19 =	spop (v2sf);
	s2 =	sshra.s32 s2, $0x2;
	[tilespmem:s13+$0x800] =	vst.add.f32.msk $0xffff, v9  }
0x1b2: {  	s12 =	smul.u32 $0x3000, s12;
	s24 =	sshrl.u32 s18, $0x3;
	s2 =	sor.u32 s14, s2;
	[tilespmem:s13+$0x0] =	vst.add.f32.msk $0xffff, v14  }
0x1b3: {  	s14 =	sand.u32 $0x380, s22;
	s22 =	sshll.u32 s21, $0x7;
	s13 =	smul.u32 $0x3000, s23;
	v14 =	vld [tilespmem:s8+$0x800]  }
0x1b4: {  	[tilespmem:s15+$0x0] =	vst.add.f32.msk $0xffff, v13;
	s21 =	smul.u32 $0x3000, s24;
	s12 =	sshra.s32 s12, $0x2;
	s15 =	sand.u32 $0x380, s22  }
0x1b5: {  	s22 =	spop (v2sf);
	s23 =	sshll.u32 s18, $0x7;
	s13 =	sshra.s32 s13, $0x2  }
0x1b6: {  	v13 =	vld [tilespmem:s8+$0xFFFFF380];
	s18 =	spop (v2sf);
	s21 =	sshra.s32 s21, $0x2;
	s13 =	sor.u32 s15, s13  }
0x1b7: {  	s23 =	sand.u32 $0x380, s23;
	s24 =	sshrl.u32 s18, $0x3;
	s15 =	sor.u32 s14, s12;
	[tilespmem:s13+$0x800] =	vst.add.f32.msk $0xffff, v9  }
0x1b8: {  	s14 =	sor.u32 s23, s21;
	s23 =	smul.u32 $0x3000, s24;
	s24 =	sshrl.u32 s11, $0x3;
	[tilespmem:s13+$0x0] =	vst.add.f32.msk $0xffff, v14  }
0x1b9: {  	s11 =	sshll.u32 s11, $0x7;
	s21 =	sshll.u32 s18, $0x7;
	s18 =	spop (v2sf);
	v14 =	vld [tilespmem:s8+$0x880]  }
0x1ba: {  	[tilespmem:s16+$0x800] =	vst.add.f32.msk $0xffff, v9;
	s12 =	sshra.s32 s23, $0x2;
	s23 =	sshrl.u32 s20, $0x3;
	s13 =	smul.u32 $0x3000, s24  }
0x1bb: {  	[tilespmem:s16+$0x0] =	vst.add.f32.msk $0xffff, v13;
	s16 =	sand.u32 $0x380, s21;
	s11 =	sand.u32 $0x380, s11;
	s24 =	smul.u32 $0x3000, s23  }
0x1bc: {  	s21 =	sshll.u32 s20, $0x7;
	s12 =	sor.u32 s16, s12;
	s13 =	sshra.s32 s13, $0x2  }
0x1bd: {  	[tilespmem:s12+$0x800] =	vst.add.f32.msk $0xffff, v9;
	s16 =	sshra.s32 s24, $0x2;
	s13 =	sor.u32 s11, s13;
	s11 =	sand.u32 $0x380, s21  }
0x1be: {  	[tilespmem:s12+$0x0] =	vst.add.f32.msk $0xffff, v14;
	s12 =	sor.u32 s11, s16;
	s16 =	spop (v2sf);
	(v2sf) =	vpush v11, $0xC  }
0x1bf: {  	v13 =	vld [tilespmem:s8+$0xFFFFF800];
	_ =	sdelay $0x1  }
0x1c0: {  	v12 =	vld [tilespmem:s30+$0xFFFFFB80]  }
0x1c1: {  	[tilespmem:s10+$0x800] =	vst.add.f32.msk $0xffff, v9;
	s23 =	sshrl.u32 s18, $0x3  }
0x1c2: {  	p1 =	sgt.s32 s28, $0x4;
	s20 =	smul.u32 $0x3000, s23;
	v14 =	vld [tilespmem:s8+$0x900]  }
0x1c3: {  	p0 =	por $0x1, $0x1;
	[tilespmem:s10+$0x0] =	vst.add.f32.msk $0xffff, v13;
	s23 =	sshll.u32 s18, $0x7;
	s24 =	sshrl.u32 s19, $0x3;
	(v2sf) =	vpush v11, $0xD  }
0x1c4: {  	v15 =	vld [tilespmem:s8+$0xFFFFF880];
	s10 =	sand.u32 $0x380, s23;
	s19 =	sshll.u32 s19, $0x7;
	s18 =	sshra.s32 s20, $0x2  }
0x1c5: {  	[tilespmem:s2+$0x800] =	vst.add.f32.msk $0xffff, v9;
	s24 =	smul.u32 $0x3000, s24;
	s20 =	sshrl.u32 s22, $0x3;
	s10 =	sor.u32 s10, s18  }
0x1c6: {  	s30 =	simm.s32 $0x4;
	s19 =	sand.u32 $0x380, s19;
	s18 =	smul.u32 $0x3000, s20;
	[tilespmem:s10+$0x800] =	vst.add.f32.msk $0xffff, v9  }
.Ltmp11:
0x1c7: {  	s22 =	sshll.u32 s22, $0x7;
	s21 =	sshrl.u32 s16, $0x3;
	[tilespmem:s10+$0x0] =	vst.add.f32.msk $0xffff, v14;
	(pc) =	sbr.rel @!p1 .LBB2_24-.Ltmp11, $4  }
0x1c8: {  	s11 =	sshra.s32 s24, $0x2;
	s24 =	sand.u32 $0x380, s22;
	s23 =	smul.u32 $0x3000, s21;
	v13 =	vld [tilespmem:s8+$0x980]  }
0x1c9: {  	[tilespmem:s2+$0x0] =	vst.add.f32.msk $0xffff, v15;
	s18 =	sshra.s32 s18, $0x2;
	s16 =	sshll.u32 s16, $0x7;
	s11 =	sor.u32 s19, s11;
	(v2sf) =	vpush v11, $0xE  }
0x1ca: {  	s2 =	sor.u32 s24, s18;
	s16 =	sand.u32 $0x380, s16;
	s10 =	sshra.s32 s23, $0x2;
	v14 =	vld [tilespmem:s8+$0xFFFFF900]  }
0x1cb: {  	[tilespmem:s15+$0x800] =	vst.add.f32.msk $0xffff, v9;
	s18 =	sor.u32 s16, s10;
	s10 =	simm.s32 $0x40;
	s16 =	simm.s32 $0x12C00  }
.LBB2_25:
0x1cc: {  	s19 =	sadd.s32 s10, s1;
	s20 =	sand.u32 $0x60, s10;
	[tilespmem:s18+$0x800] =	vst.add.f32.msk $0xffff, v9;
	s21 =	spop (v2sf)  }
0x1cd: {  	s22 =	sadd.s32 $0x10, s10;
	s19 =	sand.u32 $0xFFFFFF80, s19;
	[tilespmem:s18+$0x0] =	vst.add.f32.msk $0xffff, v13;
	s18 =	sshrl.u32 s21, $0x3  }
0x1ce: {  	s22 =	sand.u32 $0x70, s22;
	s19 =	sadd.s32 $0x1CC00, s19;
	v13 =	vld [tilespmem:s8+$0xA00];
	s18 =	smul.u32 $0x3000, s18  }
0x1cf: {  	s30 =	sadd.s32 $0x2, s30;
	s22 =	sor.u32 s22, s19;
	[tilespmem:s15+$0x0] =	vst.add.f32.msk $0xffff, v14;
	s15 =	sshll.u32 s21, $0x7  }
0x1d0: {  	p1 =	slt.s32 s30, s28;
	v14 =	vld [tilespmem:s8+$0xFFFFF980];
	s15 =	sand.u32 $0x380, s15;
	s18 =	sshra.s32 s18, $0x2;
	(v2sf) =	vpush v11, $0xF  }
0x1d1: {  	s19 =	sor.u32 s20, s19;
	v11 =	vld [tilespmem:s22+$0x0];
	s15 =	sor.u32 s15, s18  }
0x1d2: {  	[tilespmem:s15+$0x800] =	vst.add.f32.msk $0xffff, v9;
	s18 =	spop (v2sf)  }
0x1d3: {  	[tilespmem:s15+$0x0] =	vst.add.f32.msk $0xffff, v13;
	s15 =	sshrl.u32 s18, $0x3  }
0x1d4: {  	v15 =	vld [tilespmem:s8+$0xA80];
	s15 =	smul.u32 $0x3000, s15  }
0x1d5: {  	s18 =	sshll.u32 s18, $0x7;
	v13 =	vld [tilespmem:s19+$0x0]  }
0x1d6: {  	s18 =	sand.u32 $0x380, s18;
	[tilespmem:s14+$0x0] =	vst.add.f32.msk $0xffff, v14;
	s15 =	sshra.s32 s15, $0x2  }
0x1d7: {  	(v2sf) =	vpush v11, $0x0;
	[tilespmem:s14+$0x800] =	vst.add.f32.msk $0xffff, v9;
	s14 =	sor.u32 s18, s15  }
0x1d8: {  	[tilespmem:s14+$0x800] =	vst.add.f32.msk $0xffff, v9;
	s15 =	spop (v2sf)  }
0x1d9: {  	[tilespmem:s14+$0x0] =	vst.add.f32.msk $0xffff, v15;
	s14 =	sshrl.u32 s15, $0x3  }
0x1da: {  	(v2sf) =	vpush v13, $0x0;
	v14 =	vld [tilespmem:s8+$0xB00];
	s14 =	smul.u32 $0x3000, s14  }
0x1db: {  	s15 =	sshll.u32 s15, $0x7;
	(v2sf) =	vpush v13, $0x1;
	v15 =	vld [tilespmem:s8+$0xFFFFFA00]  }
0x1dc: {  	s15 =	sand.u32 $0x380, s15;
	(v2sf) =	vpush v13, $0x2;
	[tilespmem:s13+$0x800] =	vst.add.f32.msk $0xffff, v9;
	s14 =	sshra.s32 s14, $0x2  }
0x1dd: {  	(v2sf) =	vpush v11, $0x1;
	s14 =	sor.u32 s15, s14;
	[tilespmem:s17+$0x0] =	vst.add.f32.msk $0xffff, v12  }
0x1de: {  	(v2sf) =	vpush v13, $0x3;
	[tilespmem:s14+$0x800] =	vst.add.f32.msk $0xffff, v9  }
0x1df: {  	[tilespmem:s14+$0x0] =	vst.add.f32.msk $0xffff, v14;
	s14 =	spop (v2sf)  }
0x1e0: {  	v12 =	vld [tilespmem:s8+$0xB80];
	s15 =	sshrl.u32 s14, $0x3  }
0x1e1: {  	[tilespmem:s13+$0x0] =	vst.add.f32.msk $0xffff, v15;
	s13 =	smul.u32 $0x3000, s15  }
0x1e2: {  	s14 =	sshll.u32 s14, $0x7;
	v14 =	vld [tilespmem:s8+$0xFFFFFA80]  }
0x1e3: {  	s14 =	sand.u32 $0x380, s14;
	(v2sf) =	vpush v11, $0x2;
	[tilespmem:s12+$0x800] =	vst.add.f32.msk $0xffff, v9;
	s13 =	sshra.s32 s13, $0x2  }
0x1e4: {  	(v2sf) =	vpush v13, $0x4;
	s13 =	sor.u32 s14, s13;
	[tilespmem:s17+$0x800] =	vst.add.f32.msk $0xffff, v9;
	s17 =	smov.u32 s2  }
0x1e5: {  	(v2sf) =	vpush v13, $0x5;
	[tilespmem:s13+$0x0] =	vst.add.f32.msk $0xffff, v12  }
0x1e6: {  	s8 =	sadd.s32 $0x2000, s8;
	s2 =	spop (v2sf);
	[tilespmem:s13+$0x800] =	vst.add.f32.msk $0xffff, v9  }
0x1e7: {  	v12 =	vld [tilespmem:s8+$0x0];
	s13 =	sshrl.u32 s2, $0x3  }
0x1e8: {  	v15 =	vld [tilespmem:s8+$0xFFFFF000];
	s13 =	smul.u32 $0x3000, s13  }
0x1e9: {  	s2 =	sshll.u32 s2, $0x7;
	s14 =	spop (v2sf);
	(v2sf) =	vpush v11, $0x3;
	[tilespmem:s12+$0x0] =	vst.add.f32.msk $0xffff, v14  }
0x1ea: {  	s2 =	sand.u32 $0x380, s2;
	s12 =	sshra.s32 s13, $0x2;
	s13 =	spop (v2sf);
	(v2sf) =	vpush v13, $0x6;
	v14 =	vld [tilespmem:s16+$0xFFFFFB00]  }
0x1eb: {  	s15 =	sshrl.u32 s14, $0x3;
	s2 =	sor.u32 s2, s12;
	s12 =	spop (v2sf);
	[tilespmem:s11+$0x800] =	vst.add.f32.msk $0xffff, v9  }
0x1ec: {  	s14 =	sshll.u32 s14, $0x7;
	s15 =	smul.u32 $0x3000, s15;
	[tilespmem:s2+$0x0] =	vst.add.f32.msk $0xffff, v12;
	s18 =	spop (v2sf)  }
0x1ed: {  	s14 =	sand.u32 $0x380, s14;
	[tilespmem:s2+$0x800] =	vst.add.f32.msk $0xffff, v9;
	s2 =	sshrl.u32 s18, $0x3;
	s19 =	spop (v2sf)  }
0x1ee: {  	s20 =	sshrl.u32 s13, $0x3;
	s15 =	sshra.s32 s15, $0x2;
	v12 =	vld [tilespmem:s8+$0x80];
	s2 =	smul.u32 $0x3000, s2;
	(v2sf) =	vpush v13, $0x7  }
0x1ef: {  	s18 =	sshll.u32 s18, $0x7;
	s14 =	sor.u32 s14, s15;
	s15 =	smul.u32 $0x3000, s20;
	(v2sf) =	vpush v11, $0x4;
	[tilespmem:s11+$0x0] =	vst.add.f32.msk $0xffff, v14  }
0x1f0: {  	s11 =	sshll.u32 s13, $0x7;
	s13 =	sand.u32 $0x380, s18;
	[tilespmem:s14+$0x0] =	vst.add.f32.msk $0xffff, v15;
	s2 =	sshra.s32 s2, $0x2  }
0x1f1: {  	s11 =	sand.u32 $0x380, s11;
	[tilespmem:s14+$0x800] =	vst.add.f32.msk $0xffff, v9;
	s14 =	sshra.s32 s15, $0x2;
	s2 =	sor.u32 s13, s2;
	(v2sf) =	vpush v13, $0x8  }
0x1f2: {  	s13 =	sshrl.u32 s12, $0x3;
	s11 =	sor.u32 s11, s14;
	[tilespmem:s2+$0x800] =	vst.add.f32.msk $0xffff, v9;
	s14 =	spop (v2sf)  }
0x1f3: {  	s13 =	smul.u32 $0x3000, s13;
	[tilespmem:s2+$0x0] =	vst.add.f32.msk $0xffff, v12;
	s2 =	sshrl.u32 s14, $0x3;
	s15 =	spop (v2sf)  }
0x1f4: {  	s12 =	sshll.u32 s12, $0x7;
	v14 =	vld [tilespmem:s8+$0x100];
	s2 =	smul.u32 $0x3000, s2;
	s18 =	spop (v2sf)  }
0x1f5: {  	s12 =	sand.u32 $0x380, s12;
	s14 =	sshll.u32 s14, $0x7;
	s13 =	sshra.s32 s13, $0x2;
	v15 =	vld [tilespmem:s8+$0xFFFFF080];
	(v2sf) =	vpush v11, $0x5  }
0x1f6: {  	s12 =	sor.u32 s12, s13;
	s13 =	sand.u32 $0x380, s14;
	[tilespmem:s11+$0x800] =	vst.add.f32.msk $0xffff, v9;
	s2 =	sshra.s32 s2, $0x2;
	(v2sf) =	vpush v13, $0x9  }
0x1f7: {  	s14 =	sshrl.u32 s19, $0x3;
	s19 =	sshll.u32 s19, $0x7;
	s2 =	sor.u32 s13, s2;
	v12 =	vld [tilespmem:s16+$0xFFFFFB80]  }
0x1f8: {  	s14 =	smul.u32 $0x3000, s14;
	s13 =	sand.u32 $0x380, s19;
	[tilespmem:s2+$0x800] =	vst.add.f32.msk $0xffff, v9;
	s16 =	spop (v2sf)  }
0x1f9: {  	s19 =	sshrl.u32 s15, $0x3;
	[tilespmem:s2+$0x0] =	vst.add.f32.msk $0xffff, v14;
	s2 =	sshrl.u32 s16, $0x3;
	s20 =	spop (v2sf);
	(v2sf) =	vpush v13, $0xA  }
0x1fa: {  	s15 =	sshll.u32 s15, $0x7;
	s14 =	sshra.s32 s14, $0x2;
	v14 =	vld [tilespmem:s8+$0x180];
	s2 =	smul.u32 $0x3000, s2  }
0x1fb: {  	[tilespmem:s11+$0x0] =	vst.add.f32.msk $0xffff, v15;
	s11 =	sor.u32 s13, s14;
	s13 =	smul.u32 $0x3000, s19;
	s14 =	sshll.u32 s16, $0x7;
	(v2sf) =	vpush v11, $0x6  }
0x1fc: {  	s15 =	sand.u32 $0x380, s15;
	v15 =	vld [tilespmem:s8+$0xFFFFF100];
	s14 =	sand.u32 $0x380, s14;
	s2 =	sshra.s32 s2, $0x2;
	(v2sf) =	vpush v13, $0xB  }
0x1fd: {  	[tilespmem:s12+$0x800] =	vst.add.f32.msk $0xffff, v9;
	s13 =	sshra.s32 s13, $0x2;
	s14 =	sor.u32 s14, s2;
	s16 =	spop (v2sf)  }
0x1fe: {  	s2 =	sor.u32 s15, s13;
	s13 =	sshrl.u32 s18, $0x3;
	[tilespmem:s14+$0x800] =	vst.add.f32.msk $0xffff, v9;
	s15 =	spop (v2sf)  }
0x1ff: {  	s18 =	sshll.u32 s18, $0x7;
	s13 =	smul.u32 $0x3000, s13;
	[tilespmem:s14+$0x0] =	vst.add.f32.msk $0xffff, v14;
	s14 =	sshrl.u32 s15, $0x3  }
0x200: {  	s18 =	sand.u32 $0x380, s18;
	v14 =	vld [tilespmem:s8+$0x200];
	s14 =	smul.u32 $0x3000, s14;
	s19 =	spop (v2sf);
	(v2sf) =	vpush v13, $0xC  }
0x201: {  	s21 =	sshrl.u32 s20, $0x3;
	s15 =	sshll.u32 s15, $0x7;
	[tilespmem:s12+$0x0] =	vst.add.f32.msk $0xffff, v15;
	s12 =	sshra.s32 s13, $0x2;
	(v2sf) =	vpush v11, $0x7  }
0x202: {  	v15 =	vld [tilespmem:s8+$0xFFFFF180];
	s13 =	sor.u32 s18, s12;
	s12 =	sand.u32 $0x380, s15;
	s14 =	sshra.s32 s14, $0x2  }
0x203: {  	s15 =	sshll.u32 s20, $0x7;
	s18 =	smul.u32 $0x3000, s21;
	[tilespmem:s11+$0x800] =	vst.add.f32.msk $0xffff, v9;
	s12 =	sor.u32 s12, s14;
	(v2sf) =	vpush v13, $0xD  }
0x204: {  	s14 =	sand.u32 $0x380, s15;
	s15 =	sshrl.u32 s16, $0x3;
	[tilespmem:s12+$0x800] =	vst.add.f32.msk $0xffff, v9;
	s20 =	spop (v2sf)  }
0x205: {  	s18 =	sshra.s32 s18, $0x2;
	[tilespmem:s12+$0x0] =	vst.add.f32.msk $0xffff, v14;
	s21 =	sshrl.u32 s20, $0x3;
	s22 =	spop (v2sf)  }
0x206: {  	s12 =	sor.u32 s14, s18;
	s14 =	sshll.u32 s16, $0x7;
	v14 =	vld [tilespmem:s8+$0x280];
	s16 =	smul.u32 $0x3000, s21  }
0x207: {  	[tilespmem:s11+$0x0] =	vst.add.f32.msk $0xffff, v15;
	s11 =	sand.u32 $0x380, s14;
	s14 =	smul.u32 $0x3000, s15;
	s15 =	sshll.u32 s20, $0x7;
	(v2sf) =	vpush v11, $0x8  }
0x208: {  	v15 =	vld [tilespmem:s8+$0xFFFFF200];
	s15 =	sand.u32 $0x380, s15;
	s16 =	sshra.s32 s16, $0x2;
	s20 =	spop (v2sf)  }
0x209: {  	s18 =	sshrl.u32 s19, $0x3;
	[tilespmem:s2+$0x800] =	vst.add.f32.msk $0xffff, v9;
	s14 =	sshra.s32 s14, $0x2;
	s15 =	sor.u32 s15, s16;
	(v2sf) =	vpush v13, $0xE  }
0x20a: {  	s11 =	sor.u32 s11, s14;
	s14 =	smul.u32 $0x3000, s18;
	[tilespmem:s15+$0x800] =	vst.add.f32.msk $0xffff, v9;
	s16 =	spop (v2sf)  }
0x20b: {  	s18 =	sshll.u32 s19, $0x7;
	[tilespmem:s15+$0x0] =	vst.add.f32.msk $0xffff, v14;
	s15 =	sshrl.u32 s16, $0x3;
	s19 =	spop (v2sf)  }
0x20c: {  	s18 =	sand.u32 $0x380, s18;
	s14 =	sshra.s32 s14, $0x2;
	v14 =	vld [tilespmem:s8+$0x300];
	s15 =	smul.u32 $0x3000, s15;
	(v2sf) =	vpush v13, $0xF  }
0x20d: {  	s16 =	sshll.u32 s16, $0x7;
	[tilespmem:s2+$0x0] =	vst.add.f32.msk $0xffff, v15;
	s2 =	sor.u32 s18, s14;
	s14 =	sshrl.u32 s22, $0x3;
	(v2sf) =	vpush v11, $0x9  }
0x20e: {  	s16 =	sand.u32 $0x380, s16;
	v13 =	vld [tilespmem:s8+$0xFFFFF280];
	s14 =	smul.u32 $0x3000, s14;
	s15 =	sshra.s32 s15, $0x2  }
0x20f: {  	s18 =	sshll.u32 s22, $0x7;
	[tilespmem:s13+$0x800] =	vst.add.f32.msk $0xffff, v9;
	s15 =	sor.u32 s16, s15;
	s16 =	spop (v2sf)  }
0x210: {  	s18 =	sand.u32 $0x380, s18;
	s14 =	sshra.s32 s14, $0x2;
	[tilespmem:s15+$0x800] =	vst.add.f32.msk $0xffff, v9;
	s21 =	spop (v2sf)  }
0x211: {  	s18 =	sor.u32 s18, s14;
	s14 =	sshrl.u32 s20, $0x3;
	[tilespmem:s15+$0x0] =	vst.add.f32.msk $0xffff, v14;
	s15 =	sshrl.u32 s21, $0x3  }
0x212: {  	s20 =	sshll.u32 s20, $0x7;
	v14 =	vld [tilespmem:s8+$0x380];
	s15 =	smul.u32 $0x3000, s15;
	s22 =	spop (v2sf)  }
0x213: {  	s14 =	smul.u32 $0x3000, s14;
	[tilespmem:s13+$0x0] =	vst.add.f32.msk $0xffff, v13;
	s13 =	sand.u32 $0x380, s20;
	s20 =	sshll.u32 s21, $0x7;
	(v2sf) =	vpush v11, $0xA  }
0x214: {  	s21 =	sshrl.u32 s19, $0x3;
	v13 =	vld [tilespmem:s8+$0xFFFFF300];
	s20 =	sand.u32 $0x380, s20;
	s15 =	sshra.s32 s15, $0x2  }
0x215: {  	s14 =	sshra.s32 s14, $0x2;
	s21 =	smul.u32 $0x3000, s21;
	[tilespmem:s12+$0x800] =	vst.add.f32.msk $0xffff, v9;
	s20 =	sor.u32 s20, s15  }
0x216: {  	s15 =	sor.u32 s13, s14;
	s13 =	sshll.u32 s19, $0x7;
	[tilespmem:s20+$0x800] =	vst.add.f32.msk $0xffff, v9;
	s19 =	spop (v2sf)  }
0x217: {  	s13 =	sand.u32 $0x380, s13;
	s14 =	sshra.s32 s21, $0x2;
	[tilespmem:s20+$0x0] =	vst.add.f32.msk $0xffff, v14;
	s20 =	sshrl.u32 s19, $0x3  }
0x218: {  	s14 =	sor.u32 s13, s14;
	v14 =	vld [tilespmem:s8+$0x800];
	s13 =	smul.u32 $0x3000, s20;
	s20 =	spop (v2sf)  }
0x219: {  	s19 =	sshll.u32 s19, $0x7;
	[tilespmem:s12+$0x0] =	vst.add.f32.msk $0xffff, v13;
	s12 =	sshrl.u32 s16, $0x3;
	s16 =	sshll.u32 s16, $0x7;
	(v2sf) =	vpush v11, $0xB  }
0x21a: {  	s19 =	sand.u32 $0x380, s19;
	v13 =	vld [tilespmem:s8+$0xFFFFF380];
	s12 =	smul.u32 $0x3000, s12;
	s13 =	sshra.s32 s13, $0x2  }
0x21b: {  	s16 =	sand.u32 $0x380, s16;
	[tilespmem:s11+$0x800] =	vst.add.f32.msk $0xffff, v9;
	s19 =	sor.u32 s19, s13;
	s21 =	spop (v2sf)  }
0x21c: {  	s23 =	sshrl.u32 s22, $0x3;
	s12 =	sshra.s32 s12, $0x2;
	[tilespmem:s19+$0x800] =	vst.add.f32.msk $0xffff, v9;
	s24 =	spop (v2sf)  }
0x21d: {  	s13 =	sor.u32 s16, s12;
	s12 =	smul.u32 $0x3000, s23;
	[tilespmem:s19+$0x0] =	vst.add.f32.msk $0xffff, v14;
	s16 =	sshrl.u32 s24, $0x3  }
0x21e: {  	s19 =	sshll.u32 s22, $0x7;
	s22 =	sshrl.u32 s20, $0x3;
	v14 =	vld [tilespmem:s8+$0x880];
	s16 =	smul.u32 $0x3000, s16  }
0x21f: {  	[tilespmem:s11+$0x0] =	vst.add.f32.msk $0xffff, v13;
	s11 =	sand.u32 $0x380, s19;
	s12 =	sshra.s32 s12, $0x2;
	s19 =	sshll.u32 s24, $0x7;
	(v2sf) =	vpush v11, $0xC  }
0x220: {  	v13 =	vld [tilespmem:s8+$0xFFFFF800];
	s12 =	sor.u32 s11, s12;
	s11 =	sand.u32 $0x380, s19;
	s16 =	sshra.s32 s16, $0x2  }
0x221: {  	s19 =	sshll.u32 s20, $0x7;
	s20 =	smul.u32 $0x3000, s22;
	[tilespmem:s2+$0x800] =	vst.add.f32.msk $0xffff, v9;
	s11 =	sor.u32 s11, s16  }
0x222: {  	s16 =	sand.u32 $0x380, s19;
	s19 =	sshrl.u32 s21, $0x3;
	[tilespmem:s11+$0x800] =	vst.add.f32.msk $0xffff, v9;
	s22 =	spop (v2sf)  }
0x223: {  	s20 =	sshra.s32 s20, $0x2;
	s19 =	smul.u32 $0x3000, s19;
	[tilespmem:s11+$0x0] =	vst.add.f32.msk $0xffff, v14;
	s23 =	sshrl.u32 s22, $0x3  }
0x224: {  	s11 =	sor.u32 s16, s20;
	s16 =	sshll.u32 s21, $0x7;
	v14 =	vld [tilespmem:s8+$0x900];
	s20 =	smul.u32 $0x3000, s23  }
0x225: {  	[tilespmem:s2+$0x0] =	vst.add.f32.msk $0xffff, v13;
	s2 =	sand.u32 $0x380, s16;
	s16 =	sshra.s32 s19, $0x2;
	s19 =	sshll.u32 s22, $0x7;
	(v2sf) =	vpush v11, $0xD  }
0x226: {  	v15 =	vld [tilespmem:s8+$0xFFFFF880];
	s2 =	sor.u32 s2, s16;
	s16 =	sand.u32 $0x380, s19;
	s19 =	sshra.s32 s20, $0x2  }
0x227: {  	[tilespmem:s18+$0x800] =	vst.add.f32.msk $0xffff, v9;
	s19 =	sor.u32 s16, s19;
	s16 =	smov.u32 s8  }
0x228: {  	[tilespmem:s19+$0x800] =	vst.add.f32.msk $0xffff, v9;
	s20 =	spop (v2sf)  }
.Ltmp12:
0x229: {  	[tilespmem:s19+$0x0] =	vst.add.f32.msk $0xffff, v14;
	s19 =	sshrl.u32 s20, $0x3;
	(pc) =	sbr.rel @p1 .LBB2_25-.Ltmp12, $4  }
0x22a: {  	v13 =	vld [tilespmem:s8+$0x980];
	s19 =	smul.u32 $0x3000, s19  }
0x22b: {  	[tilespmem:s18+$0x0] =	vst.add.f32.msk $0xffff, v15;
	s18 =	sshll.u32 s20, $0x7;
	(v2sf) =	vpush v11, $0xE  }
0x22c: {  	v14 =	vld [tilespmem:s8+$0xFFFFF900];
	s18 =	sand.u32 $0x380, s18;
	s19 =	sshra.s32 s19, $0x2  }
0x22d: {  	s10 =	sadd.s32 $0x20, s10;
	[tilespmem:s15+$0x800] =	vst.add.f32.msk $0xffff, v9;
	s18 =	sor.u32 s18, s19  }
0x22e: {  	s10 =	smov.u32 s17;
	s30 =	smov.u32 s8;
	s17 =	smov.u32 s2  }
.LBB2_27:
0x22f: {  	_ = 	snop  }
0x230: {  	[tilespmem:s18+$0x800] =	vst.add.f32.msk $0xffff, v9  }
0x231: {  	[tilespmem:s15+$0x0] =	vst.add.f32.msk $0xffff, v14  }
0x232: {  	v14 =	vld [tilespmem:s30+$0xFFFFF980]  }
0x233: {  	s2 =	spop (v2sf);
	[tilespmem:s18+$0x0] =	vst.add.f32.msk $0xffff, v13  }
0x234: {  	[tilespmem:s10+$0x0] =	vst.add.f32.msk @p0 $0xffff, v12;
	s8 =	sshrl.u32 s2, $0x3  }
0x235: {  	v13 =	vld [tilespmem:s30+$0xA00];
	s8 =	smul.u32 $0x3000, s8  }
0x236: {  	s2 =	sshll.u32 s2, $0x7;
	[tilespmem:s14+$0x800] =	vst.add.f32.msk $0xffff, v9  }
0x237: {  	(v2sf) =	vpush v11, $0xF;
	s2 =	sand.u32 $0x380, s2;
	s8 =	sshra.s32 s8, $0x2;
	[tilespmem:s14+$0x0] =	vst.add.f32.msk $0xffff, v14  }
0x238: {  	s2 =	sor.u32 s2, s8;
	v11 =	vld [tilespmem:s30+$0xFFFFFA00]  }
0x239: {  	s20 =	spop (v2sf);
	[tilespmem:s2+$0x800] =	vst.add.f32.msk $0xffff, v9  }
0x23a: {  	[tilespmem:s2+$0x0] =	vst.add.f32.msk $0xffff, v13;
	s21 =	sshrl.u32 s20, $0x3  }
0x23b: {  	v13 =	vld [tilespmem:s30+$0xA80];
	s2 =	smul.u32 $0x3000, s21  }
0x23c: {  	s8 =	sshll.u32 s20, $0x7;
	[tilespmem:s13+$0x800] =	vst.add.f32.msk $0xffff, v9  }
0x23d: {  	s8 =	sand.u32 $0x380, s8;
	s2 =	sshra.s32 s2, $0x2;
	[tilespmem:s13+$0x0] =	vst.add.f32.msk $0xffff, v11  }
0x23e: {  	s2 =	sor.u32 s8, s2;
	v11 =	vld [tilespmem:s30+$0xFFFFFA80]  }
0x23f: {  	[tilespmem:s2+$0x800] =	vst.add.f32.msk $0xffff, v9;
	s22 =	spop (v2sf)  }
0x240: {  	[tilespmem:s2+$0x0] =	vst.add.f32.msk $0xffff, v13;
	s23 =	sshrl.u32 s22, $0x3  }
0x241: {  	v13 =	vld [tilespmem:s30+$0xB00];
	s2 =	smul.u32 $0x3000, s23  }
0x242: {  	s8 =	sshll.u32 s22, $0x7;
	[tilespmem:s12+$0x800] =	vst.add.f32.msk $0xffff, v9  }
0x243: {  	s8 =	sand.u32 $0x380, s8;
	s2 =	sshra.s32 s2, $0x2;
	[tilespmem:s12+$0x0] =	vst.add.f32.msk $0xffff, v11  }
0x244: {  	s2 =	sor.u32 s8, s2;
	v11 =	vld [tilespmem:s16+$0xFFFFFB00]  }
0x245: {  	[tilespmem:s2+$0x800] =	vst.add.f32.msk $0xffff, v9  }
0x246: {  	s24 =	spop (v2sf);
	[tilespmem:s2+$0x0] =	vst.add.f32.msk $0xffff, v13  }
0x247: {  	v13 =	vld [tilespmem:s30+$0xB80];
	s30 =	sshrl.u32 s24, $0x3  }
0x248: {  	s8 =	smul.u32 $0x3000, s30;
	[tilespmem:s11+$0x800] =	vst.add.f32.msk $0xffff, v9  }
0x249: {  	s2 =	sshll.u32 s24, $0x7;
	[tilespmem:s11+$0x0] =	vst.add.f32.msk $0xffff, v11  }
0x24a: {  	s2 =	sand.u32 $0x380, s2;
	s8 =	sshra.s32 s8, $0x2;
	v11 =	vld [tilespmem:s16+$0xFFFFFB80]  }
0x24b: {  	[tilespmem:s10+$0x800] =	vst.add.f32.msk @p0 $0xffff, v9;
	s2 =	sor.u32 s2, s8  }
0x24c: {  	[tilespmem:s2+$0x0] =	vst.add.f32.msk $0xffff, v13  }
0x24d: {  	[tilespmem:s2+$0x800] =	vst.add.f32.msk $0xffff, v9  }
0x24e: {  	[tilespmem:s17+$0x800] =	vst.add.f32.msk $0xffff, v9  }
0x24f: {  	[tilespmem:s17+$0x0] =	vst.add.f32.msk $0xffff, v11  }
.LBB2_12:
0x250: {  	p0 =	sge.s32 s28, s7  }
.Ltmp13:
0x251: {  	_ = 	snop;
	(pc) =	sbr.rel @p0 .LBB2_15-.Ltmp13, $1  }
0x252: {  	_ =	sdelay $0x3  }
0x253: {  	p0 =	slt.s32 s3, $0x8;
	s8 =	smov.u32 s3  }
0x254: {  	s2 =	ssub.s32 s7, s28;
	s8 =	simm.s32 @!p0 $0x8  }
0x255: {  	s10 =	sshll.u32 s2, $0xE;
	s28 =	sshll.u32 s8, $0xE  }
0x256: {  	s7 =	ssub.s32 s28, s10  }
0x257: {  	s30 =	sshll.u32 s2, $0x4;
	s8 =	sshll.u32 s8, $0x4;
	s11 =	sshra.s32 s7, $0x2  }
0x258: {  	s7 =	ssub.s32 s8, s30;
	s8 =	sadd.s32 $0x10400, s11  }
.LBB2_14:
0x259: {  	s10 =	sadd.s32 s7, s1  }
0x25a: {  	s11 =	sand.u32 $0x70, s7;
	s10 =	sand.u32 $0xFFFFFF80, s10  }
0x25b: {  	s10 =	sor.u32 s11, s10  }
0x25c: {  	v11 =	vld [tilespmem:s10+$0x1CC00];
	_ =	sdelay $0x4  }
0x25d: {  	(v2sf) =	vpush v11, $0x0;
	_ =	sdelay $0x5  }
0x25e: {  	(v2sf) =	vpush v11, $0x1;
	_ =	sdelay $0x5  }
0x25f: {  	(v2sf) =	vpush v11, $0x2;
	_ =	sdelay $0x2  }
0x260: {  	s28 =	spop (v2sf)  }
0x261: {  	v12 =	vld [tilespmem:s8+$0xFFFFF800];
	s30 =	sshrl.u32 s28, $0x3  }
0x262: {  	s11 =	smul.u32 $0x3000, s30  }
0x263: {  	(v2sf) =	vpush v11, $0x3;
	s10 =	sshll.u32 s28, $0x7  }
0x264: {  	s10 =	sand.u32 $0x380, s10;
	s11 =	sshra.s32 s11, $0x2  }
0x265: {  	s10 =	sor.u32 s10, s11  }
0x266: {  	s12 =	spop (v2sf);
	[tilespmem:s10+$0x0] =	vst.add.f32.msk $0xffff, v12  }
0x267: {  	s13 =	sshrl.u32 s12, $0x3;
	[tilespmem:s10+$0x800] =	vst.add.f32.msk $0xffff, v9  }
0x268: {  	s11 =	smul.u32 $0x3000, s13;
	v12 =	vld [tilespmem:s8+$0xFFFFF880]  }
0x269: {  	(v2sf) =	vpush v11, $0x4;
	s10 =	sshll.u32 s12, $0x7  }
0x26a: {  	s10 =	sand.u32 $0x380, s10;
	s11 =	sshra.s32 s11, $0x2  }
0x26b: {  	s10 =	sor.u32 s10, s11  }
0x26c: {  	s14 =	spop (v2sf);
	[tilespmem:s10+$0x800] =	vst.add.f32.msk $0xffff, v9  }
0x26d: {  	s15 =	sshrl.u32 s14, $0x3;
	[tilespmem:s10+$0x0] =	vst.add.f32.msk $0xffff, v12  }
0x26e: {  	s11 =	smul.u32 $0x3000, s15;
	v12 =	vld [tilespmem:s8+$0xFFFFF900]  }
0x26f: {  	(v2sf) =	vpush v11, $0x5;
	s10 =	sshll.u32 s14, $0x7  }
0x270: {  	s11 =	sshra.s32 s11, $0x2;
	s10 =	sand.u32 $0x380, s10  }
0x271: {  	s10 =	sor.u32 s10, s11  }
0x272: {  	[tilespmem:s10+$0x800] =	vst.add.f32.msk $0xffff, v9;
	s16 =	spop (v2sf)  }
0x273: {  	s17 =	sshrl.u32 s16, $0x3;
	[tilespmem:s10+$0x0] =	vst.add.f32.msk $0xffff, v12  }
0x274: {  	s11 =	smul.u32 $0x3000, s17;
	v12 =	vld [tilespmem:s8+$0xFFFFF980]  }
0x275: {  	(v2sf) =	vpush v11, $0x6;
	s10 =	sshll.u32 s16, $0x7  }
0x276: {  	s10 =	sand.u32 $0x380, s10;
	s11 =	sshra.s32 s11, $0x2  }
0x277: {  	s10 =	sor.u32 s10, s11  }
0x278: {  	s18 =	spop (v2sf);
	[tilespmem:s10+$0x800] =	vst.add.f32.msk $0xffff, v9  }
0x279: {  	s19 =	sshrl.u32 s18, $0x3;
	[tilespmem:s10+$0x0] =	vst.add.f32.msk $0xffff, v12  }
0x27a: {  	s11 =	smul.u32 $0x3000, s19;
	v12 =	vld [tilespmem:s8+$0xFFFFFA00]  }
0x27b: {  	(v2sf) =	vpush v11, $0x7;
	s10 =	sshll.u32 s18, $0x7  }
0x27c: {  	s11 =	sshra.s32 s11, $0x2;
	s10 =	sand.u32 $0x380, s10  }
0x27d: {  	s10 =	sor.u32 s10, s11  }
0x27e: {  	s20 =	spop (v2sf);
	[tilespmem:s10+$0x800] =	vst.add.f32.msk $0xffff, v9  }
0x27f: {  	s21 =	sshrl.u32 s20, $0x3;
	[tilespmem:s10+$0x0] =	vst.add.f32.msk $0xffff, v12  }
0x280: {  	s11 =	smul.u32 $0x3000, s21;
	v12 =	vld [tilespmem:s8+$0xFFFFFA80]  }
0x281: {  	(v2sf) =	vpush v11, $0x8;
	s10 =	sshll.u32 s20, $0x7  }
0x282: {  	s11 =	sshra.s32 s11, $0x2;
	s10 =	sand.u32 $0x380, s10  }
0x283: {  	s10 =	sor.u32 s10, s11  }
0x284: {  	s22 =	spop (v2sf);
	[tilespmem:s10+$0x800] =	vst.add.f32.msk $0xffff, v9  }
0x285: {  	s23 =	sshrl.u32 s22, $0x3;
	[tilespmem:s10+$0x0] =	vst.add.f32.msk $0xffff, v12  }
0x286: {  	s11 =	smul.u32 $0x3000, s23;
	v12 =	vld [tilespmem:s8+$0xFFFFFB00]  }
0x287: {  	(v2sf) =	vpush v11, $0x9;
	s10 =	sshll.u32 s22, $0x7  }
0x288: {  	s11 =	sshra.s32 s11, $0x2;
	s10 =	sand.u32 $0x380, s10  }
0x289: {  	s10 =	sor.u32 s10, s11  }
0x28a: {  	s24 =	spop (v2sf);
	[tilespmem:s10+$0x800] =	vst.add.f32.msk $0xffff, v9  }
0x28b: {  	s28 =	sshrl.u32 s24, $0x3;
	[tilespmem:s10+$0x0] =	vst.add.f32.msk $0xffff, v12  }
0x28c: {  	s11 =	smul.u32 $0x3000, s28;
	v12 =	vld [tilespmem:s8+$0xFFFFFB80]  }
0x28d: {  	(v2sf) =	vpush v11, $0xA;
	s10 =	sshll.u32 s24, $0x7  }
0x28e: {  	s11 =	sshra.s32 s11, $0x2;
	s10 =	sand.u32 $0x380, s10  }
0x28f: {  	s10 =	sor.u32 s10, s11  }
0x290: {  	s30 =	spop (v2sf);
	[tilespmem:s10+$0x800] =	vst.add.f32.msk $0xffff, v9  }
0x291: {  	s12 =	sshrl.u32 s30, $0x3;
	[tilespmem:s10+$0x0] =	vst.add.f32.msk $0xffff, v12  }
0x292: {  	s11 =	smul.u32 $0x3000, s12;
	v12 =	vld [tilespmem:s8+$0x0]  }
0x293: {  	(v2sf) =	vpush v11, $0xB;
	s10 =	sshll.u32 s30, $0x7  }
0x294: {  	s11 =	sshra.s32 s11, $0x2;
	s10 =	sand.u32 $0x380, s10  }
0x295: {  	s10 =	sor.u32 s10, s11  }
0x296: {  	s13 =	spop (v2sf);
	[tilespmem:s10+$0x800] =	vst.add.f32.msk $0xffff, v9  }
0x297: {  	s14 =	sshrl.u32 s13, $0x3;
	[tilespmem:s10+$0x0] =	vst.add.f32.msk $0xffff, v12  }
0x298: {  	s11 =	smul.u32 $0x3000, s14;
	v12 =	vld [tilespmem:s8+$0x80]  }
0x299: {  	(v2sf) =	vpush v11, $0xC;
	s10 =	sshll.u32 s13, $0x7  }
0x29a: {  	s11 =	sshra.s32 s11, $0x2;
	s10 =	sand.u32 $0x380, s10  }
0x29b: {  	s10 =	sor.u32 s10, s11  }
0x29c: {  	s15 =	spop (v2sf);
	[tilespmem:s10+$0x800] =	vst.add.f32.msk $0xffff, v9  }
0x29d: {  	s16 =	sshrl.u32 s15, $0x3;
	[tilespmem:s10+$0x0] =	vst.add.f32.msk $0xffff, v12  }
0x29e: {  	s11 =	smul.u32 $0x3000, s16;
	v12 =	vld [tilespmem:s8+$0x100]  }
0x29f: {  	(v2sf) =	vpush v11, $0xD;
	s10 =	sshll.u32 s15, $0x7  }
0x2a0: {  	s11 =	sshra.s32 s11, $0x2;
	s10 =	sand.u32 $0x380, s10  }
0x2a1: {  	s10 =	sor.u32 s10, s11  }
0x2a2: {  	s17 =	spop (v2sf);
	[tilespmem:s10+$0x800] =	vst.add.f32.msk $0xffff, v9  }
0x2a3: {  	s18 =	sshrl.u32 s17, $0x3;
	[tilespmem:s10+$0x0] =	vst.add.f32.msk $0xffff, v12  }
0x2a4: {  	s11 =	smul.u32 $0x3000, s18;
	v12 =	vld [tilespmem:s8+$0x180]  }
0x2a5: {  	(v2sf) =	vpush v11, $0xE;
	s10 =	sshll.u32 s17, $0x7  }
0x2a6: {  	s11 =	sshra.s32 s11, $0x2;
	s10 =	sand.u32 $0x380, s10  }
0x2a7: {  	s10 =	sor.u32 s10, s11  }
0x2a8: {  	s19 =	spop (v2sf);
	[tilespmem:s10+$0x800] =	vst.add.f32.msk $0xffff, v9  }
0x2a9: {  	s20 =	sshrl.u32 s19, $0x3;
	[tilespmem:s10+$0x0] =	vst.add.f32.msk $0xffff, v12  }
0x2aa: {  	s11 =	smul.u32 $0x3000, s20;
	v12 =	vld [tilespmem:s8+$0x200]  }
0x2ab: {  	(v2sf) =	vpush v11, $0xF;
	s10 =	sshll.u32 s19, $0x7  }
0x2ac: {  	s11 =	sshra.s32 s11, $0x2;
	s10 =	sand.u32 $0x380, s10  }
0x2ad: {  	s10 =	sor.u32 s10, s11  }
0x2ae: {  	s21 =	spop (v2sf);
	[tilespmem:s10+$0x800] =	vst.add.f32.msk $0xffff, v9  }
0x2af: {  	s22 =	sshrl.u32 s21, $0x3;
	[tilespmem:s10+$0x0] =	vst.add.f32.msk $0xffff, v12  }
0x2b0: {  	s10 =	smul.u32 $0x3000, s22;
	v11 =	vld [tilespmem:s8+$0x280]  }
0x2b1: {  	s11 =	sshll.u32 s21, $0x7  }
0x2b2: {  	s11 =	sand.u32 $0x380, s11;
	s10 =	sshra.s32 s10, $0x2  }
0x2b3: {  	s10 =	sor.u32 s11, s10  }
0x2b4: {  	s23 =	spop (v2sf);
	[tilespmem:s10+$0x800] =	vst.add.f32.msk $0xffff, v9  }
0x2b5: {  	s24 =	sshrl.u32 s23, $0x3;
	[tilespmem:s10+$0x0] =	vst.add.f32.msk $0xffff, v11  }
0x2b6: {  	s10 =	smul.u32 $0x3000, s24;
	v11 =	vld [tilespmem:s8+$0x300]  }
0x2b7: {  	s11 =	sshll.u32 s23, $0x7  }
0x2b8: {  	s11 =	sand.u32 $0x380, s11;
	s10 =	sshra.s32 s10, $0x2  }
0x2b9: {  	s10 =	sor.u32 s11, s10  }
0x2ba: {  	s28 =	spop (v2sf);
	[tilespmem:s10+$0x800] =	vst.add.f32.msk $0xffff, v9  }
0x2bb: {  	s30 =	sshrl.u32 s28, $0x3;
	[tilespmem:s10+$0x0] =	vst.add.f32.msk $0xffff, v11  }
0x2bc: {  	p0 =	sne.s32 s2, $0x1;
	s11 =	smul.u32 $0x3000, s30;
	v11 =	vld [tilespmem:s8+$0x380]  }
.Ltmp14:
0x2bd: {  	s10 =	sshll.u32 s28, $0x7;
	(pc) =	sbr.rel @p0 .LBB2_14-.Ltmp14, $4  }
0x2be: {  	s11 =	sshra.s32 s11, $0x2;
	s10 =	sand.u32 $0x380, s10  }
0x2bf: {  	s10 =	sor.u32 s10, s11  }
0x2c0: {  	[tilespmem:s10+$0x800] =	vst.add.f32.msk $0xffff, v9  }
0x2c1: {  	s7 =	sadd.s32 $0x10, s7;
	s2 =	sadd.s32 $0xFFFFFFFF, s2;
	s8 =	sadd.s32 $0x1000, s8;
	[tilespmem:s10+$0x0] =	vst.add.f32.msk $0xffff, v11  }
.Ltmp15:
0x2c2: {  	_ = 	snop;
	(pc) =	sbr.rel .LBB2_15-.Ltmp15, $1  }
0x2c3: {  	_ =	sdelay $0x3  }
.LBB2_11:
.Ltmp16:
0x2c4: {  	(pc) =	sbr.rel .LBB2_27-.Ltmp16, $2  }
0x2c5: {  	_ =	sdelay $0x2  }
0x2c6: {  	s16 =	simm.s32 $0x10C00  }
.LBB2_24:
.Ltmp17:
0x2c7: {  	(pc) =	sbr.rel .LBB2_27-.Ltmp17, $3  }
0x2c8: {  	_ =	sdelay $0x1  }
0x2c9: {  	s10 =	smov.u32 s17  }
0x2ca: {  	s30 =	simm.s32 $0x12C00;
	s17 =	smov.u32 s2;
	s16 =	simm.s32 $0x12C00  }
.LBB2_17:
0x2cb: {  	s1 =	simm.s32 $0x0  }
0x2cc: {  	v11 =	vor.u32 s1, v2  }
0x2cd: {  	v11 =	vshrl.u32 v11, $0x3  }
0x2ce: {  	v11 =	vmul.u32 $0xC00, v11;
	_ =	sdelay $0x1  }
0x2cf: {  	v11 =	vadd.s32 v10, v11  }
0x2d0: {  	s31 =	simm.s32 $0x10  }
0x2d1: {  	v12 =	vor.u32 s31, v2  }
0x2d2: {  	v12 =	vshrl.u32 v12, $0x3  }
0x2d3: {  	v13 =	vmul.u32 $0xC00, v12  }
0x2d4: {  	v12 =	vld.idx.msk [tilespmem:v11+s4+$0x0], $0xffff  }
0x2d5: {  	v11 =	vadd.s32 v10, v13;
	_ =	sdelay $0x1  }
0x2d6: {  	s2 =	simm.s32 $0x20  }
0x2d7: {  	s1 =	simm.s32 $0x1F480;
	v13 =	vor.u32 s2, v2;
	s2 =	simm.s32 $0x30  }
.LBB2_18:
0x2d8: {  	p0 =	sne.s32 s2, $0x90;
	v13 =	vshrl.u32 v13, $0x3;
	[tilespmem:s1+$0x0] =	vst v12  }
0x2d9: {  	v13 =	vmul.u32 $0xC00, v13;
	v12 =	vld.idx.msk [tilespmem:v11+s4+$0x0], $0xffff  }
.Ltmp18:
0x2da: {  	(pc) =	sbr.rel @p0 .LBB2_18-.Ltmp18, $2  }
0x2db: {  	v11 =	vadd.s32 v10, v13;
	_ =	sdelay $0x2  }
0x2dc: {  	s1 =	sadd.s32 $0x10, s1;
	v13 =	vor.u32 s2, v2;
	s2 =	sadd.s32 $0x10, s2  }
0x2dd: {  	_ =	sdelay $0x1  }
0x2de: {  	v13 =	vshrl.u32 v13, $0x3  }
0x2df: {  	[tilespmem:s1+$0x0] =	vst v12;
	v63 =	vmul.u32 $0xC00, v13  }
0x2e0: {  	v11 =	vld.idx.msk [tilespmem:v11+s4+$0x0], $0xffff  }
0x2e1: {  	v12 =	vadd.s32 v10, v63;
	_ =	sdelay $0x2  }
0x2e2: {  	s31 =	sadd.s32 $0x10, s1  }
0x2e3: {  	[tilespmem:s31+$0x0] =	vst v11  }
0x2e4: {  	v11 =	vld.idx.msk [tilespmem:v12+s4+$0x0], $0xffff;
	_ =	sdelay $0x3  }
0x2e5: {  	s1 =	simm.s32 $0x0;
	s2 =	sadd.s32 $0x10, s31  }
0x2e6: {  	s6 =	sadd.s32 $0x0, s5;
	s3 =	simm.s32 $0xC00;
	[tilespmem:s2+$0x0] =	vst v11;
	s2 =	simm.s32 $0x100  }
.LBB2_20:
0x2e7: {  	[hbm4b:s6+s4] =	stream.linear.scatter [tilespmem:s1], [sflag:$0x1], $0x800, $0x38;
	[tilespmem:$0x1F580] =	vst v63  }
0x2e8: {  	s6 =	smov.u32 s2;
	s1 =	smov.u32 s3;
	p0 =	sne.s32 s2, $0x1300  }
.Ltmp19:
0x2e9: {  	s2 =	sadd.s32 $0x100, s2;
	(pc) =	sbr.rel @p0 .LBB2_20-.Ltmp19, $2  }
0x2ea: {  	_ =	sdelay $0x2  }
0x2eb: {  	s3 =	sadd.s32 $0xC00, s3;
	s6 =	sadd.s32 s6, s5  }
0x2ec: {  	[hbm4b:s6+s4] =	stream.linear.scatter [tilespmem:s1], [sflag:$0x1], $0x800, $0x38;
	[tilespmem:$0x1F580] =	vst v63  }
0x2ed: {  	_ =	swait.ge [sflag:s9], $0xA000  }
0x2ee: {  	[sflag:s9] =	ssyncset.done $0x0  }
0x2ef: {  	s2 =	simm.s32 $0x1F480;
	s29 =	rddreg [dreg:$0x5];
	[sflag:s9] =	ssyncadd.s32 $0xFFFF6000  }
0x2f0: {  	[hbm4b:s29+s4] =	stream.linear.scatter [tilespmem:s2], [sflag:$0x1], $0xA0, $0x38;
	[tilespmem:$0x1F580] =	vst v63  }
0x2f1: {  	_ =	swait.ge [sflag:s9], $0xA0  }
0x2f2: {  	s30 =	rddreg [dreg:$0x7]  }
0x2f3: {  	s31 =	rddreg [dreg:$0x6];
	s2 =	sadd.s32 $0x1, s30  }
0x2f4: {  	p0 =	sne.s32 s2, s31  }
.Ltmp20:
0x2f5: {  	_ = 	snop;
	(pc) =	sbr.rel @p0 .LBB2_1-.Ltmp20, $3  }
0x2f6: {  	_ =	sdelay $0x1  }
0x2f7: {  	[sflag:s9] =	ssyncset.done $0x0  }
0x2f8: {  	[sflag:s9] =	ssyncadd.s32 $0xFFFFFF60  }
0x2f9: {  	_ =	sfence.sel $0x180000  }
0x2fa: {  	[bflag:$0x0] =	sbarrier.arrive $0xFFFF  }
0x2fb: {  	_ =	strace $0x90000047  }
0x2fc: {  	s0 =	stileid.u32;
	[bflag:$0x2] =	sbarrier.arrive $0xFFFF  }
0x2fd: {  	p0 =	sne.s32 s0, $0x0;
	s0 =	rddreg [dreg:$0x4]  }
0x2fe: {  	s0 =	sadd.s32 @!p0 $0x100000, s0  }
0x2ff: {  	[sflag:s0] =	ssyncadd.tile.s32 @!p0 $0x1;
	_ =	shalt  }
.Lfunc_end2:
_tile_overlayer_lowered:
.L_overlay_start_2:
0x300: {  	(tag) =	ssettag $0x2  }
0x301: {  	s0 =	rddreg [dreg:$0x0];
	s2 =	stileid.u32  }
0x302: {  	s1 =	rddreg [dreg:$0x1];
	p0 =	sne.s32 s2, $0x0  }
0x303: {  	s3 =	rddreg [dreg:$0x2];
	[bflag:$0x3] =	sbarrier.arrive $0xFFFF;
	s2 =	simm.s32 @!p0 $0x1C01  }
0x304: {  	[timem:s3], [sflag:s2] =	dma.local @!p0 [hbm:s0], s1  }
0x305: {  	s0 =	simm.s32 @!p0 $0x1  }
0x306: {  	_ =	swait.ge @!p0 [sflag:s0], s1  }
0x307: {  	s1 =	ssub.s32 @!p0 $0x0, s1;
	[sflag:s0] =	ssyncset.done @!p0 $0x0  }
0x308: {  	[sflag:s0] =	ssyncadd.s32 @!p0 s1  }
0x309: {  	[bflag:$0x3] =	sbarrier.arrive $0xFFFF  }
0x30a: {  	_ =	shalt  }

// kernel: kernel.9.cloned.1.call-start
scs
__scs_entry_jumppad:
0x0: {  	(pc) =	sbr.rel $0x88, $3  }
0x1: {  	(tag) =	ssettag $0x0;
	lr =	simm.s32 $0x1  }
0x2: {  	[smem:$0x3F98] =	sst lr;
	_ =	strace $0xD0000000  }
0x3: {  	_ = 	snop  }
0x4: {  	_ = 	snop  }
0x5: {  	_ = 	snop  }
0x6: {  	_ = 	snop  }
0x7: {  	_ = 	snop  }
__scs_overlays_trampoline_lowered:
0x8: {  	[smem:$0x3FA7] =	sst s0  }
0x9: {  	[smem:$0x3FA8] =	sst s1  }
0xa: {  	[smem:$0x3FA9] =	sst s2  }
0xb: {  	[smem:$0x3FAA] =	sst s3  }
0xc: {  	[smem:$0x3FAB] =	sst s4  }
0xd: {  	[smem:$0x3FAC] =	sst s5  }
0xe: {  	[smem:$0x3FAD] =	sst s6  }
0xf: {  	[smem:$0x3FAE] =	sst s7  }
0x10: {  	[smem:$0x3FAF] =	sst s8  }
0x11: {  	[smem:$0x3FB0] =	sst s9;
	s0 =	simm.s32 @!p0 $0x0  }
0x12: {  	s1 =	sld [smem:$0x3F96];
	s0 =	simm.s32 @p0 $0x1  }
0x13: {  	[smem:$0x3FB1] =	sst s0;
	s0 =	simm.s32 @!p1 $0x0  }
0x14: {  	s2 =	sld [smem:$0x3F95];
	s0 =	simm.s32 @p1 $0x1  }
0x15: {  	[smem:$0x3FB2] =	sst s0;
	s0 =	simm.s32 @!p2 $0x0  }
0x16: {  	s3 =	sld [smem:$0x3FDB];
	s0 =	simm.s32 @p2 $0x1  }
0x17: {  	s4 =	simm.s32 $0x1BF5;
	[smem:$0x3FB4] =	sst s0  }
0x18: {  	s0 =	sld [smem:$0x3F97];
	_ =	swait.ge [sflag:s4], $0x0  }
0x19: {  	s7 =	sld [smem:$0x3F98]  }
0x1a: {  	s8 =	sadd.s32 $0xFFFFE003, lr  }
0x1b: {  	s9 =	sadd.s32 $0xFFFFFEF7, lr;
	s5 =	simm.s32 $0xFFFFFFFF;
	p2 =	slt.u32 s8, $0xFFFFF086  }
0x1c: {  	p1 =	slt.u32 s9, $0xF7A;
	s5 =	simm.s32 @!p2 $0x0  }
0x1d: {  	s5 =	simm.s32 @p1 $0x1;
	p0 =	seq.s32 s7, s2  }
0x1e: {  	s7 =	smul.u32 @!p0 $0xF7A, s2;
	p2 =	seq.s32 @!p0 s5, $0x0  }
0x1f: {  	s9 =	smul.u32 $0xF7A, s1;
	s8 =	simm.s32 @!p0 $0x1BF5;
	p2 =	por !p2, p0  }
0x20: {  	[sflag:s8] =	ssyncset.s32 @!p0 $0xFFFFF086;
	s6 =	sadd.s32 @!p0 s3, s7;
	s7 =	simm.s32 @!p0 $0x108  }
0x21: {  	s3 =	sadd.s32 s3, s9;
	s6 =	sadd.s32 @!p0 $0x88, s6;
	s7 =	simm.s32 @p2 $0x1082  }
0x22: {  	[simem:s7], [sflag:s8] =	dma.local @!p0 [hbm:s6], $0xF7A  }
0x23: {  	s9 =	sor.u32 $0xD0000000, s2;
	s6 =	simm.s32 $0x108;
	_ =	swait.ge @!p0 [sflag:s8], $0x0  }
0x24: {  	s3 =	sadd.s32 $0x88, s3;
	s6 =	simm.s32 @!p1 $0x1082;
	[sflag:s4] =	ssyncset.s32 $0xFFFFF086  }
0x25: {  	[simem:s6], [sflag:s4] =	dma.local [hbm:s3], $0xF7A  }
0x26: {  	[smem:$0x3F98] =	sst s1;
	(tag) =	ssettag s2;
	_ =	strace s9  }
0x27: {  	s1 =	sld [smem:$0x3FA8]  }
0x28: {  	s2 =	sld [smem:$0x3FA9]  }
0x29: {  	s4 =	sld [smem:$0x3FAB]  }
0x2a: {  	p0 =	seq.s32 s5, $0x0;
	s5 =	sld [smem:$0x3FAC]  }
0x2b: {  	s6 =	sld [smem:$0x3FAD]  }
0x2c: {  	s7 =	sld [smem:$0x3FAE]  }
0x2d: {  	s3 =	simm.s32 $0x108;
	s8 =	sld [smem:$0x3FAF]  }
0x2e: {  	s3 =	simm.s32 @!p0 $0x1082;
	s9 =	sld [smem:$0x3FB0]  }
0x2f: {  	lr =	sadd.s32 s0, s3;
	s0 =	sld [smem:$0x3FA7]  }
0x30: {  	s3 =	sld [smem:$0x3FAA]  }
0x31: {  	[smem:$0x3FB3] =	sst s10  }
0x32: {  	s10 =	sld [smem:$0x3FB1];
	_ =	sdelay $0x3  }
0x33: {  	p0 =	seq.s32 s10, $0x1;
	s10 =	sld [smem:$0x3FB3];
	_ =	sdelay $0x3  }
0x34: {  	[smem:$0x3FB3] =	sst s10  }
0x35: {  	s10 =	sld [smem:$0x3FB2];
	_ =	sdelay $0x3  }
0x36: {  	p1 =	seq.s32 s10, $0x1;
	s10 =	sld [smem:$0x3FB3];
	_ =	sdelay $0x3  }
0x37: {  	[smem:$0x3FB3] =	sst s10  }
0x38: {  	s10 =	sld [smem:$0x3FB4]  }
0x39: {  	_ = 	snop;
	(pc) =	sbr.ind lr, $3  }
0x3a: {  	_ = 	snop  }
0x3b: {  	_ = 	snop  }
0x3c: {  	p2 =	seq.s32 s10, $0x1;
	s10 =	sld [smem:$0x3FB3]  }
0x3d: {  	_ =	shalt  }
0x3e: {  	_ =	shalt  }
0x3f: {  	_ =	shalt  }
0x40: {  	_ =	shalt  }
0x41: {  	_ =	shalt  }
0x42: {  	_ =	shalt  }
0x43: {  	_ =	shalt  }
0x44: {  	_ =	shalt  }
0x45: {  	_ =	shalt  }
0x46: {  	_ =	shalt  }
0x47: {  	_ =	shalt  }
0x48: {  	_ =	shalt  }
0x49: {  	_ =	shalt  }
0x4a: {  	_ =	shalt  }
0x4b: {  	_ =	shalt  }
0x4c: {  	_ =	shalt  }
0x4d: {  	_ =	shalt  }
0x4e: {  	_ =	shalt  }
0x4f: {  	_ =	shalt  }
0x50: {  	_ =	shalt  }
0x51: {  	_ =	shalt  }
0x52: {  	_ =	shalt  }
0x53: {  	_ =	shalt  }
0x54: {  	_ =	shalt  }
0x55: {  	_ =	shalt  }
0x56: {  	_ =	shalt  }
0x57: {  	_ =	shalt  }
0x58: {  	_ =	shalt  }
0x59: {  	_ =	shalt  }
0x5a: {  	_ =	shalt  }
0x5b: {  	_ =	shalt  }
0x5c: {  	_ =	shalt  }
0x5d: {  	_ =	shalt  }
0x5e: {  	_ =	shalt  }
0x5f: {  	_ =	shalt  }
0x60: {  	_ =	shalt  }
0x61: {  	_ =	shalt  }
0x62: {  	_ =	shalt  }
0x63: {  	_ =	shalt  }
0x64: {  	_ =	shalt  }
0x65: {  	_ =	shalt  }
0x66: {  	_ =	shalt  }
0x67: {  	_ =	shalt  }
0x68: {  	_ =	shalt  }
0x69: {  	_ =	shalt  }
0x6a: {  	_ =	shalt  }
0x6b: {  	_ =	shalt  }
0x6c: {  	_ =	shalt  }
0x6d: {  	_ =	shalt  }
0x6e: {  	_ =	shalt  }
0x6f: {  	_ =	shalt  }
0x70: {  	_ =	shalt  }
0x71: {  	_ =	shalt  }
0x72: {  	_ =	shalt  }
0x73: {  	_ =	shalt  }
0x74: {  	_ =	shalt  }
0x75: {  	_ =	shalt  }
0x76: {  	_ =	shalt  }
0x77: {  	_ =	shalt  }
0x78: {  	_ =	shalt  }
0x79: {  	_ =	shalt  }
0x7a: {  	_ =	shalt  }
0x7b: {  	_ =	shalt  }
0x7c: {  	_ =	shalt  }
0x7d: {  	_ =	shalt  }
0x7e: {  	_ =	shalt  }
0x7f: {  	_ =	shalt  }
0x80: {  	_ =	shalt  }
0x81: {  	_ =	shalt  }
0x82: {  	_ =	shalt  }
0x83: {  	_ =	shalt  }
0x84: {  	_ =	shalt  }
0x85: {  	_ =	shalt  }
0x86: {  	_ =	shalt  }
0x87: {  	_ =	shalt  }
.Lfunc_end0:
.L_simem_size_0:
called_computation.1_lowered:
.L_overlay_start_0:
0x88: {  	s2 =	sld [smem:$0x3FD9]  }
0x89: {  	s3 =	sld [smem:$0x3FFE];
	_ =	sdelay $0x1  }
0x8a: {  	s1 =	srdreg.scid  }
0x8b: {  	s0 =	sand.u32 $0x1, s1  }
0x8c: {  	s17 =	sshll.u32 s0, $0xA;
	s2 =	sadd.s32 s3, s2  }
0x8d: {  	s2 =	sadd.s32 s2, s17  }
0x8e: {  	[smem:$0x3FBF] =	sst s2  }
0x8f: {  	_ = 	snop  }
0x90: {  	s2 =	sld [smem:$0x3FC8]  }
0x91: {  	s18 =	sld [smem:$0x3FD0];
	(tm) =	ssettm $0x1  }
0x92: {  	s4 =	sld [smem:$0x3FFB];
	_ =	sdelay $0x3  }
0x93: {  	_ =	strace s4  }
0x94: {  	s4 =	sld [smem:$0x3FFC];
	_ =	sdelay $0x3  }
0x95: {  	_ =	strace s4  }
0x96: {  	s4 =	sld [smem:$0x3FFD];
	_ =	sdelay $0x3  }
0x97: {  	_ =	strace s4  }
0x98: {  	_ =	strace $0x8FFFFFFF  }
0x99: {  	s19 =	sld [smem:$0x3FDB];
	_ =	sdelay $0x1  }
0x9a: {  	s5 =	simm.s32 $_scs_section_size  }
0x9b: {  	s6 =	simm.s32 $_size__tile_overlayer_lowered;
	s7 =	simm.s32 $_tile_overlayer_lowered  }
0x9c: {  	s22 =	simm.s32 $0x1BFF;
	s21 =	sshll.u32 s7, $0x1;
	s4 =	sadd.s32 s5, s19  }
0x9d: {  	s8 =	simm.s32 $0x0;
	s20 =	sshll.u32 s6, $0x1;
	s6 =	sadd.s32 s21, s4  }
0x9e: {  	[timem:s8], [sflag:s22] =	dma.local [hbm:s6], s20  }
0x9f: {  	_ =	swait.ge [sflag:s22], s20  }
0xa0: {  	s5 =	ssub.s32 $0x0, s20;
	[sflag:s22] =	ssyncset.done $0x0  }
0xa1: {  	[sflag:s22] =	ssyncadd.s32 s5;
	_ =	sdelay $0x1  }
0xa2: {  	s23 =	simm.s32 $0x1B8B  }
0xa3: {  	_ =	swait.ge [sflag:s23], $0x1  }
0xa4: {  	[sflag:s23] =	ssyncset.done $0x0  }
0xa5: {  	s25 =	simm.s32 $0x1B8E;
	s24 =	sld [smem:$0x3FFE];
	[sflag:s23] =	ssyncadd.s32 $0xFFFFFFFF  }
0xa6: {  	s26 =	simm.s32 $execute0_lowered;
	[smem:$0x3FD2] =	sst s25  }
0xa7: {  	s6 =	sshll.u32 s26, $0x1;
	_ =	strace $0x80000049;
	[dreg:$0x1] =	wrdreg $0xFFFFFFFF  }
0xa8: {  	s28 =	simm.s32 $_size_execute0_lowered;
	s4 =	sadd.s32 s4, s6;
	[dreg:$0x0] =	wrdreg $0x0  }
0xa9: {  	s6 =	sshll.u32 s28, $0x1;
	[dreg:$0x2] =	wrdreg s4  }
0xaa: {  	[dreg:$0x3] =	wrdreg s6  }
0xab: {  	[dreg:$0x4] =	wrdreg $0xC0  }
0xac: {  	_ =	task [dreg:s8], $0x5FFFF  }
0xad: {  	[dreg:$0x1] =	wrdreg $0xFFFFFFFF  }
0xae: {  	[dreg:$0x0] =	wrdreg $0x60  }
0xaf: {  	[dreg:$0x2] =	wrdreg s18  }
0xb0: {  	[dreg:$0x3] =	wrdreg s24  }
0xb1: {  	[dreg:$0x4] =	wrdreg s2  }
0xb2: {  	[dreg:$0x5] =	wrdreg $0x9  }
0xb3: {  	_ =	task.clear_ibuf [dreg:s8], $0x6FFFF;
	_ =	strace $0x90000049  }
0xb4: {  	s29 =	simm.s32 $0x9;
	_ =	strace $0x8000004B  }
0xb5: {  	_ =	swait.ge [sflag:s29], $0x1  }
0xb6: {  	[sflag:s29] =	ssyncadd.s32 $0xFFFFFFFF  }
0xb7: {  	_ =	strace $0x9000004B  }
0xb8: {  	_ =	sfence  }
0xb9: {  	s30 =	sld [smem:$0x0];
	_ =	sdelay $0x2  }
0xba: {  	s31 =	sshll.u32 s1, $0xD;
	s1 =	sshrl.u32 s1, $0x2  }
0xbb: {  	s3 =	sand.u32 $0x4000, s31;
	s1 =	sadd.s32 s1, s30  }
0xbc: {  	s0 =	sor.u32 s3, s0;
	s1 =	sshll.u32 s1, $0x11  }
0xbd: {  	s0 =	sor.u32 s1, s0  }
0xbe: {  	s0 =	sadd.s32 $0x8F2B, s0  }
0xbf: {  	[sflag:s0] =	ssyncadd.remote.s32 $0x1  }
0xc0: {  	_ =	sfence.sel $0xFFFF  }
0xc1: {  	[dreg:$0x0] =	wrdreg $0xFFFFFFFF;
	(pc) =	sbr.abs _section_cstart, $3  }
0xc2: {  	[dreg:$0x1] =	wrdreg $0xFFFFFFFF  }
0xc3: {  	_ =	task.clear_ibuf [dreg:s8], $0x2FFFF;
	_ =	strace $0x9FFFFFFF  }
0xc4: {  	(tm) =	ssettm $0x7FFFFFFF  }
0xc5: {  	_ =	shalt  }
tec
execute0_lowered:
.L_overlay_start_1:
0x0: {  	(tag) =	ssettag $0x1  }
0x1: {  	s1 =	rddreg [dreg:$0x0]  }
0x2: {  	s0 =	rddreg [dreg:$0x1]  }
0x3: {  	s3 =	rddreg [dreg:$0x2];
	s2 =	simm.s32 $0x0  }
0x4: {  	s4 =	srdreg.scid;
	s12 =	stileid.u32;
	s13 =	simm.s32 $0x1400  }
0x5: {  	s14 =	simm.s32 $0x2;
	s15 =	simm.s32 $0x1500;
	s16 =	simm.s32 $0x1D00  }
0x6: {  	s17 =	simm.s32 $0x2500;
	s18 =	simm.s32 $0x2D00;
	s28 =	simm.s32 $0x7500  }
0x7: {  	s29 =	simm.s32 $0x7D00;
	s30 =	simm.s32 $0x8500;
	s31 =	simm.s32 $0x8D00  }
0x8: {  	[smem:$0x7FF] =	sst s2;
	s4 =	sand.u32 $0x1, s4;
	s6 =	sadd.s32 $0x2200, s0  }
0x9: {  	s22 =	sshll.u32 s12, $0x4;
	s24 =	sshll.u32 s12, $0xC;
	_ =	strace $0x8000004A  }
0xa: {  	s5 =	ssub.s32 $0x2, s4;
	[dreg:$0x4] =	wrdreg s6;
	s19 =	sshll.u32 s4, $0x10  }
0xb: {  	s11 =	sshll.u32 s4, $0x4;
	s6 =	sadd.s32 $0x188600, s0;
	s21 =	sshll.u32 s4, $0x8  }
0xc: {  	s7 =	sshrl.u32 s5, $0x1;
	s10 =	sadd.s32 s19, s0;
	s23 =	sor.u32 s21, s22  }
0xd: {  	s0 =	sadd.s32 s21, s3;
	s26 =	sor.u32 s11, s12;
	s12 =	simm.s32 $0x1  }
0xe: {  	s19 =	simm.s32 $0x3500;
	s21 =	simm.s32 $0x4500;
	s7 =	ssub.s32 s5, s7  }
0xf: {  	s5 =	sadd.s32 $0x1860, s3;
	s8 =	sadd.s32 $0xFFFFE7A0, s23;
	s9 =	sadd.s32 s22, s0  }
.Ltmp0:
0x10: {  	s25 =	sadd.s32 s24, s10;
	[dreg:$0x7] =	wrdreg s26;
	(pc) =	sbr.rel .LBB2_1-.Ltmp0, $4  }
0x11: {  	s22 =	simm.s32 $0x4D00;
	s23 =	simm.s32 $0x5500;
	s24 =	simm.s32 $0x5D00  }
0x12: {  	v2 =	vlaneseq.u32;
	s26 =	simm.s32 $0x6D00;
	s3 =	simm.s32 $0x9600;
	s20 =	smax.u32 s7, $0x1  }
0x13: {  	vm0 =	vmmov $0xffff;
	v1 =	vshrl.u32 v2, $0x3;
	s0 =	sadd.s32 $0x2600, s25;
	s25 =	simm.s32 $0x6500;
	[dreg:$0x5] =	wrdreg s20  }
0x14: {  	v0 =	vand.u32 $0x7, v2;
	v2 =	vor.u32 $0x8, v2;
	v1 =	vmul.u32 $0x8, v1;
	[dreg:$0x6] =	wrdreg s0;
	s20 =	simm.s32 $0x3D00;
	s0 =	simm.s32 $0x0  }
.LBB2_7:
0x15: {  	s0 =	sadd.s32 $0x1, s0;
	s4 =	rddreg [dreg:$0x5]  }
0x16: {  	p0 =	sne.s32 s0, s4  }
.Ltmp1:
0x17: {  	_ = 	snop;
	(pc) =	sbr.rel @!p0 .LBB2_8-.Ltmp1, $1  }
0x18: {  	_ =	sdelay $0x3  }
.LBB2_1:
.Ltmp2:
0x19: {  	s4 =	rddreg [dreg:$0x4];
	(pc) =	sbr.rel .LBB2_2-.Ltmp2, $4  }
0x1a: {  	[tilespmem:s2], [sflag:$0x1] =	stream.linear.gather [hbm4b:s4+s2], $0x1400, $0x38;
	[tilespmem:$0xE600] =	vst v63  }
0x1b: {  	_ =	swait.ge [sflag:s12], $0x1400  }
0x1c: {  	[sflag:s12] =	ssyncset.done $0x0;
	s4 =	rddreg [dreg:$0x7]  }
0x1d: {  	s10 =	simm.s32 $0x0;
	s7 =	rddreg [dreg:$0x6];
	[sflag:s12] =	ssyncadd.s32 $0xFFFFEC00  }
.LBB2_3:
0x1e: {  	s11 =	sadd.s32 s10, s9  }
0x1f: {  	[tilespmem:s13], [sflag:$0x2] =	stream.linear.gather [hbm4b:s11+s2], $0x80, $0x38;
	[tilespmem:$0xE600] =	vst v63  }
0x20: {  	_ =	swait.ge [sflag:s14], $0x80  }
0x21: {  	[sflag:s14] =	ssyncset.done $0x0  }
0x22: {  	[sflag:s14] =	ssyncadd.s32 $0xFFFFFF80  }
0x23: {  	v3 =	vld [tilespmem:$0x1400];
	_ =	sdelay $0x5  }
0x24: {  	v4 =	vld [tilespmem:$0x1410];
	_ =	sdelay $0x1  }
0x25: {  	v3 =	vld.idx.msk [tilespmem:v3+s2+$0x0], $0xffff;
	_ =	sdelay $0x3  }
0x26: {  	v5 =	vld [tilespmem:$0x1420]  }
0x27: {  	[tilespmem:$0x1480] =	vst v3  }
0x28: {  	v4 =	vld.idx.msk [tilespmem:v4+s2+$0x0], $0xffff;
	_ =	sdelay $0x3  }
0x29: {  	v6 =	vld [tilespmem:$0x1430]  }
0x2a: {  	[tilespmem:$0x1490] =	vst v4  }
0x2b: {  	v4 =	vld.idx.msk [tilespmem:v5+s2+$0x0], $0xffff;
	_ =	sdelay $0x3  }
0x2c: {  	v50 =	vld [tilespmem:$0x1440]  }
0x2d: {  	[tilespmem:$0x14A0] =	vst v4  }
0x2e: {  	v4 =	vld.idx.msk [tilespmem:v6+s2+$0x0], $0xffff;
	_ =	sdelay $0x3  }
0x2f: {  	v51 =	vld [tilespmem:$0x1450]  }
0x30: {  	[tilespmem:$0x14B0] =	vst v4  }
0x31: {  	v4 =	vld.idx.msk [tilespmem:v50+s2+$0x0], $0xffff;
	_ =	sdelay $0x3  }
0x32: {  	v52 =	vld [tilespmem:$0x1460]  }
0x33: {  	[tilespmem:$0x14C0] =	vst v4  }
0x34: {  	v4 =	vld.idx.msk [tilespmem:v51+s2+$0x0], $0xffff;
	_ =	sdelay $0x3  }
0x35: {  	v53 =	vld [tilespmem:$0x1470]  }
0x36: {  	[tilespmem:$0x14D0] =	vst v4  }
0x37: {  	v4 =	vld.idx.msk [tilespmem:v52+s2+$0x0], $0xffff;
	_ =	sdelay $0x1  }
0x38: {  	v54 =	vshll.u32 v3, $0x1  }
0x39: {  	v3 =	vand.u32 $0x7, v3;
	v5 =	vand.u32 $0xFFFFFFF0, v54  }
0x3a: {  	v3 =	vor.u32 v3, v5  }
0x3b: {  	v55 =	vperm.xlane v3, v0;
	[tilespmem:$0x14E0] =	vst v4  }
0x3c: {  	v56 =	vld.idx.msk [tilespmem:v53+s2+$0x0], $0xffff  }
0x3d: {  	v3 =	vperm.xlane v3, v2;
	v4 =	vadd.s32 v1, v55;
	_ =	sdelay $0x1  }
0x3e: {  	v3 =	vadd.s32 v1, v3;
	_ =	sdelay $0x1  }
0x3f: {  	[tilespmem:$0x14F0] =	vst v56  }
0x40: {  	[tilespmem:s15], [sflag:$0x2] =	stream.indirect_vreg.gather [hbm4b:s1+s2], $0x80, v4, vm0, $0xb8;
	[tilespmem:$0xE600] =	vst v63  }
0x41: {  	_ = 	snop  }
0x42: {  	[tilespmem:s16], [sflag:$0x2] =	stream.indirect_vreg.gather [hbm4b:s1+s2], $0x80, v3, vm0, $0xb8;
	[tilespmem:$0xE600] =	vst v63  }
0x43: {  	v3 =	vld [tilespmem:$0x1490];
	_ =	sdelay $0x4  }
0x44: {  	v57 =	vshll.u32 v3, $0x1  }
0x45: {  	v3 =	vand.u32 $0x7, v3;
	v4 =	vand.u32 $0xFFFFFFF0, v57  }
0x46: {  	v3 =	vor.u32 v3, v4  }
0x47: {  	v4 =	vperm.xlane v3, v0;
	_ =	sdelay $0x1  }
0x48: {  	v3 =	vperm.xlane v3, v2;
	v4 =	vadd.s32 v1, v4;
	_ =	sdelay $0x1  }
0x49: {  	v3 =	vadd.s32 v1, v3;
	_ =	sdelay $0x2  }
0x4a: {  	[tilespmem:s17], [sflag:$0x2] =	stream.indirect_vreg.gather [hbm4b:s1+s2], $0x80, v4, vm0, $0xb8;
	[tilespmem:$0xE600] =	vst v63  }
0x4b: {  	_ = 	snop  }
0x4c: {  	[tilespmem:s18], [sflag:$0x2] =	stream.indirect_vreg.gather [hbm4b:s1+s2], $0x80, v3, vm0, $0xb8;
	[tilespmem:$0xE600] =	vst v63  }
0x4d: {  	v3 =	vld [tilespmem:$0x14A0];
	_ =	sdelay $0x4  }
0x4e: {  	v58 =	vshll.u32 v3, $0x1  }
0x4f: {  	v3 =	vand.u32 $0x7, v3;
	v4 =	vand.u32 $0xFFFFFFF0, v58  }
0x50: {  	v3 =	vor.u32 v3, v4  }
0x51: {  	v4 =	vperm.xlane v3, v0;
	_ =	sdelay $0x1  }
0x52: {  	v3 =	vperm.xlane v3, v2;
	v4 =	vadd.s32 v1, v4;
	_ =	sdelay $0x1  }
0x53: {  	v3 =	vadd.s32 v1, v3;
	_ =	sdelay $0x2  }
0x54: {  	[tilespmem:s19], [sflag:$0x2] =	stream.indirect_vreg.gather [hbm4b:s1+s2], $0x80, v4, vm0, $0xb8;
	[tilespmem:$0xE600] =	vst v63  }
0x55: {  	_ = 	snop  }
0x56: {  	[tilespmem:s20], [sflag:$0x2] =	stream.indirect_vreg.gather [hbm4b:s1+s2], $0x80, v3, vm0, $0xb8;
	[tilespmem:$0xE600] =	vst v63  }
0x57: {  	v3 =	vld [tilespmem:$0x14B0];
	_ =	sdelay $0x4  }
0x58: {  	v59 =	vshll.u32 v3, $0x1  }
0x59: {  	v3 =	vand.u32 $0x7, v3;
	v4 =	vand.u32 $0xFFFFFFF0, v59  }
0x5a: {  	v3 =	vor.u32 v3, v4  }
0x5b: {  	v4 =	vperm.xlane v3, v0;
	_ =	sdelay $0x1  }
0x5c: {  	v3 =	vperm.xlane v3, v2;
	v4 =	vadd.s32 v1, v4;
	_ =	sdelay $0x1  }
0x5d: {  	v3 =	vadd.s32 v1, v3;
	_ =	sdelay $0x2  }
0x5e: {  	[tilespmem:s21], [sflag:$0x2] =	stream.indirect_vreg.gather [hbm4b:s1+s2], $0x80, v4, vm0, $0xb8;
	[tilespmem:$0xE600] =	vst v63  }
0x5f: {  	_ = 	snop  }
0x60: {  	[tilespmem:s22], [sflag:$0x2] =	stream.indirect_vreg.gather [hbm4b:s1+s2], $0x80, v3, vm0, $0xb8;
	[tilespmem:$0xE600] =	vst v63  }
0x61: {  	v3 =	vld [tilespmem:$0x14C0];
	_ =	sdelay $0x4  }
0x62: {  	v60 =	vshll.u32 v3, $0x1  }
0x63: {  	v3 =	vand.u32 $0x7, v3;
	v4 =	vand.u32 $0xFFFFFFF0, v60  }
0x64: {  	v3 =	vor.u32 v3, v4  }
0x65: {  	v4 =	vperm.xlane v3, v0;
	_ =	sdelay $0x1  }
0x66: {  	v3 =	vperm.xlane v3, v2;
	v4 =	vadd.s32 v1, v4;
	_ =	sdelay $0x1  }
0x67: {  	v3 =	vadd.s32 v1, v3;
	_ =	sdelay $0x2  }
0x68: {  	[tilespmem:s23], [sflag:$0x2] =	stream.indirect_vreg.gather [hbm4b:s1+s2], $0x80, v4, vm0, $0xb8;
	[tilespmem:$0xE600] =	vst v63  }
0x69: {  	_ = 	snop  }
0x6a: {  	[tilespmem:s24], [sflag:$0x2] =	stream.indirect_vreg.gather [hbm4b:s1+s2], $0x80, v3, vm0, $0xb8;
	[tilespmem:$0xE600] =	vst v63  }
0x6b: {  	v3 =	vld [tilespmem:$0x14D0];
	_ =	sdelay $0x4  }
0x6c: {  	v61 =	vshll.u32 v3, $0x1  }
0x6d: {  	v3 =	vand.u32 $0x7, v3;
	v4 =	vand.u32 $0xFFFFFFF0, v61  }
0x6e: {  	v3 =	vor.u32 v3, v4  }
0x6f: {  	v4 =	vperm.xlane v3, v0;
	_ =	sdelay $0x1  }
0x70: {  	v3 =	vperm.xlane v3, v2;
	v4 =	vadd.s32 v1, v4;
	_ =	sdelay $0x1  }
0x71: {  	v3 =	vadd.s32 v1, v3;
	_ =	sdelay $0x2  }
0x72: {  	[tilespmem:s25], [sflag:$0x2] =	stream.indirect_vreg.gather [hbm4b:s1+s2], $0x80, v4, vm0, $0xb8;
	[tilespmem:$0xE600] =	vst v63  }
0x73: {  	_ = 	snop  }
0x74: {  	[tilespmem:s26], [sflag:$0x2] =	stream.indirect_vreg.gather [hbm4b:s1+s2], $0x80, v3, vm0, $0xb8;
	[tilespmem:$0xE600] =	vst v63  }
0x75: {  	v3 =	vld [tilespmem:$0x14E0];
	_ =	sdelay $0x4  }
0x76: {  	v62 =	vshll.u32 v3, $0x1  }
0x77: {  	v3 =	vand.u32 $0x7, v3;
	v4 =	vand.u32 $0xFFFFFFF0, v62  }
0x78: {  	v3 =	vor.u32 v3, v4  }
0x79: {  	v4 =	vperm.xlane v3, v0;
	_ =	sdelay $0x1  }
0x7a: {  	v3 =	vperm.xlane v3, v2;
	v4 =	vadd.s32 v1, v4;
	_ =	sdelay $0x1  }
0x7b: {  	v3 =	vadd.s32 v1, v3;
	_ =	sdelay $0x2  }
0x7c: {  	[tilespmem:s28], [sflag:$0x2] =	stream.indirect_vreg.gather [hbm4b:s1+s2], $0x80, v4, vm0, $0xb8;
	[tilespmem:$0xE600] =	vst v63  }
0x7d: {  	_ = 	snop  }
0x7e: {  	[tilespmem:s29], [sflag:$0x2] =	stream.indirect_vreg.gather [hbm4b:s1+s2], $0x80, v3, vm0, $0xb8;
	[tilespmem:$0xE600] =	vst v63  }
0x7f: {  	v3 =	vld [tilespmem:$0x14F0];
	_ =	sdelay $0x4  }
0x80: {  	v63 =	vshll.u32 v3, $0x1  }
0x81: {  	v3 =	vand.u32 $0x7, v3;
	v4 =	vand.u32 $0xFFFFFFF0, v63  }
0x82: {  	v3 =	vor.u32 v3, v4  }
0x83: {  	v4 =	vperm.xlane v3, v0;
	_ =	sdelay $0x1  }
0x84: {  	v3 =	vperm.xlane v3, v2;
	v4 =	vadd.s32 v1, v4;
	_ =	sdelay $0x1  }
0x85: {  	v3 =	vadd.s32 v1, v3;
	_ =	sdelay $0x2  }
0x86: {  	[tilespmem:s30], [sflag:$0x2] =	stream.indirect_vreg.gather [hbm4b:s1+s2], $0x80, v4, vm0, $0xb8;
	[tilespmem:$0xE600] =	vst v63  }
0x87: {  	_ = 	snop  }
0x88: {  	[tilespmem:s31], [sflag:$0x2] =	stream.indirect_vreg.gather [hbm4b:s1+s2], $0x80, v3, vm0, $0xb8;
	[tilespmem:$0xE600] =	vst v63  }
0x89: {  	_ =	swait.ge [sflag:s14], $0x8000  }
0x8a: {  	[sflag:s14] =	ssyncset.done $0x0  }
0x8b: {  	[sflag:s14] =	ssyncadd.s32 $0xFFFF8000  }
0x8c: {  	[hbm4b:s7+s2] =	stream.linear.scatter [tilespmem:s15], [sflag:$0x2], $0x8000, $0x38;
	[tilespmem:$0xE600] =	vst v63  }
0x8d: {  	_ =	swait.ge [sflag:s14], $0x8000  }
0x8e: {  	[sflag:s14] =	ssyncset.done $0x0  }
0x8f: {  	[sflag:s14] =	ssyncadd.s32 $0xFFFF8000  }
.LBB2_6:
0x90: {  	s10 =	sadd.s32 $0x200, s10  }
0x91: {  	p0 =	sne.s32 s10, $0x1A00  }
.Ltmp3:
0x92: {  	_ = 	snop;
	(pc) =	sbr.rel @!p0 .LBB2_7-.Ltmp3, $2  }
0x93: {  	_ =	sdelay $0x2  }
0x94: {  	s7 =	sadd.s32 $0x20000, s7;
	s4 =	sadd.s32 $0x20, s4  }
.LBB2_2:
0x95: {  	p0 =	sgt.u32 s4, $0x185  }
.Ltmp4:
0x96: {  	_ = 	snop;
	(pc) =	sbr.rel @!p0 .LBB2_3-.Ltmp4, $1  }
0x97: {  	_ =	sdelay $0x3  }
0x98: {  	s11 =	sadd.s32 s10, s8  }
0x99: {  	p0 =	sne.s32 s11, $0x0  }
.Ltmp5:
0x9a: {  	_ = 	snop;
	(pc) =	sbr.rel @p0 .LBB2_6-.Ltmp5, $1  }
0x9b: {  	_ =	sdelay $0x3  }
0x9c: {  	s11 =	simm.s32 $0x9500  }
0x9d: {  	[tilespmem:s11], [sflag:$0x2] =	stream.linear.gather [hbm4b:s5+s2], $0x50, $0x38;
	[tilespmem:$0xE600] =	vst v63  }
0x9e: {  	_ =	swait.ge [sflag:s14], $0x50  }
0x9f: {  	[sflag:s14] =	ssyncset.done $0x0  }
0xa0: {  	[sflag:s14] =	ssyncadd.s32 $0xFFFFFFB0  }
0xa1: {  	v3 =	vld [tilespmem:$0x9500];
	_ =	sdelay $0x5  }
0xa2: {  	v4 =	vld [tilespmem:$0x9510];
	_ =	sdelay $0x1  }
0xa3: {  	v3 =	vld.idx.msk [tilespmem:v3+s2+$0x0], $0xffff;
	_ =	sdelay $0x3  }
0xa4: {  	v5 =	vld [tilespmem:$0x9520]  }
0xa5: {  	[tilespmem:$0x9580] =	vst v3  }
0xa6: {  	v4 =	vld.idx.msk [tilespmem:v4+s2+$0x0], $0xffff;
	_ =	sdelay $0x3  }
0xa7: {  	v6 =	vld [tilespmem:$0x9530]  }
0xa8: {  	[tilespmem:$0x9590] =	vst v4  }
0xa9: {  	v4 =	vld.idx.msk [tilespmem:v5+s2+$0x0], $0xffff;
	_ =	sdelay $0x3  }
0xaa: {  	v57 =	vld [tilespmem:$0x9540]  }
0xab: {  	[tilespmem:$0x95A0] =	vst v4  }
0xac: {  	v4 =	vld.idx.msk [tilespmem:v6+s2+$0x0], $0xffff;
	_ =	sdelay $0x1  }
0xad: {  	v58 =	vshll.u32 v3, $0x1  }
0xae: {  	v3 =	vand.u32 $0x7, v3;
	v6 =	vand.u32 $0xFFFFFFF0, v58  }
0xaf: {  	v3 =	vor.u32 v3, v6  }
0xb0: {  	v59 =	vperm.xlane v3, v0;
	[tilespmem:$0x95B0] =	vst v4  }
0xb1: {  	v5 =	vld.idx.msk [tilespmem:v57+s2+$0x0], $0xffff  }
0xb2: {  	v3 =	vperm.xlane v3, v2;
	v4 =	vadd.s32 v1, v59;
	_ =	sdelay $0x1  }
0xb3: {  	v3 =	vadd.s32 v1, v3;
	_ =	sdelay $0x1  }
0xb4: {  	[tilespmem:$0x95C0] =	vst v5  }
0xb5: {  	[tilespmem:s3], [sflag:$0x2] =	stream.indirect_vreg.gather [hbm4b:s1+s2], $0x80, v4, vm0, $0xb8;
	[tilespmem:$0xE600] =	vst v63  }
0xb6: {  	s11 =	simm.s32 $0x9E00  }
0xb7: {  	[tilespmem:s11], [sflag:$0x2] =	stream.indirect_vreg.gather [hbm4b:s1+s2], $0x80, v3, vm0, $0xb8;
	[tilespmem:$0xE600] =	vst v63  }
0xb8: {  	v3 =	vld [tilespmem:$0x9590];
	_ =	sdelay $0x4  }
0xb9: {  	v60 =	vshll.u32 v3, $0x1  }
0xba: {  	v3 =	vand.u32 $0x7, v3;
	v4 =	vand.u32 $0xFFFFFFF0, v60  }
0xbb: {  	v3 =	vor.u32 v3, v4  }
0xbc: {  	v4 =	vperm.xlane v3, v0;
	_ =	sdelay $0x1  }
0xbd: {  	v3 =	vperm.xlane v3, v2;
	v4 =	vadd.s32 v1, v4;
	_ =	sdelay $0x1  }
0xbe: {  	v3 =	vadd.s32 v1, v3;
	_ =	sdelay $0x1  }
0xbf: {  	s11 =	simm.s32 $0xA600  }
0xc0: {  	[tilespmem:s11], [sflag:$0x2] =	stream.indirect_vreg.gather [hbm4b:s1+s2], $0x80, v4, vm0, $0xb8;
	[tilespmem:$0xE600] =	vst v63  }
0xc1: {  	s11 =	simm.s32 $0xAE00  }
0xc2: {  	[tilespmem:s11], [sflag:$0x2] =	stream.indirect_vreg.gather [hbm4b:s1+s2], $0x80, v3, vm0, $0xb8;
	[tilespmem:$0xE600] =	vst v63  }
0xc3: {  	v3 =	vld [tilespmem:$0x95A0];
	_ =	sdelay $0x4  }
0xc4: {  	v61 =	vshll.u32 v3, $0x1  }
0xc5: {  	v3 =	vand.u32 $0x7, v3;
	v4 =	vand.u32 $0xFFFFFFF0, v61  }
0xc6: {  	v3 =	vor.u32 v3, v4  }
0xc7: {  	v4 =	vperm.xlane v3, v0;
	_ =	sdelay $0x1  }
0xc8: {  	v3 =	vperm.xlane v3, v2;
	v4 =	vadd.s32 v1, v4;
	_ =	sdelay $0x1  }
0xc9: {  	v3 =	vadd.s32 v1, v3;
	_ =	sdelay $0x1  }
0xca: {  	s11 =	simm.s32 $0xB600  }
0xcb: {  	[tilespmem:s11], [sflag:$0x2] =	stream.indirect_vreg.gather [hbm4b:s1+s2], $0x80, v4, vm0, $0xb8;
	[tilespmem:$0xE600] =	vst v63  }
0xcc: {  	s11 =	simm.s32 $0xBE00  }
0xcd: {  	[tilespmem:s11], [sflag:$0x2] =	stream.indirect_vreg.gather [hbm4b:s1+s2], $0x80, v3, vm0, $0xb8;
	[tilespmem:$0xE600] =	vst v63  }
0xce: {  	v3 =	vld [tilespmem:$0x95B0];
	_ =	sdelay $0x4  }
0xcf: {  	v62 =	vshll.u32 v3, $0x1  }
0xd0: {  	v3 =	vand.u32 $0x7, v3;
	v4 =	vand.u32 $0xFFFFFFF0, v62  }
0xd1: {  	v3 =	vor.u32 v3, v4  }
0xd2: {  	v4 =	vperm.xlane v3, v0;
	_ =	sdelay $0x1  }
0xd3: {  	v3 =	vperm.xlane v3, v2;
	v4 =	vadd.s32 v1, v4;
	_ =	sdelay $0x1  }
0xd4: {  	v3 =	vadd.s32 v1, v3;
	_ =	sdelay $0x1  }
0xd5: {  	s11 =	simm.s32 $0xC600  }
0xd6: {  	[tilespmem:s11], [sflag:$0x2] =	stream.indirect_vreg.gather [hbm4b:s1+s2], $0x80, v4, vm0, $0xb8;
	[tilespmem:$0xE600] =	vst v63  }
0xd7: {  	s11 =	simm.s32 $0xCE00  }
0xd8: {  	[tilespmem:s11], [sflag:$0x2] =	stream.indirect_vreg.gather [hbm4b:s1+s2], $0x80, v3, vm0, $0xb8;
	[tilespmem:$0xE600] =	vst v63  }
0xd9: {  	v3 =	vld [tilespmem:$0x95C0];
	_ =	sdelay $0x4  }
0xda: {  	v63 =	vshll.u32 v3, $0x1  }
0xdb: {  	v3 =	vand.u32 $0x7, v3;
	v4 =	vand.u32 $0xFFFFFFF0, v63  }
0xdc: {  	v3 =	vor.u32 v3, v4  }
0xdd: {  	v4 =	vperm.xlane v3, v0;
	_ =	sdelay $0x1  }
0xde: {  	v3 =	vperm.xlane v3, v2;
	v4 =	vadd.s32 v1, v4;
	_ =	sdelay $0x1  }
0xdf: {  	v3 =	vadd.s32 v1, v3;
	_ =	sdelay $0x1  }
0xe0: {  	s11 =	simm.s32 $0xD600  }
0xe1: {  	[tilespmem:s11], [sflag:$0x2] =	stream.indirect_vreg.gather [hbm4b:s1+s2], $0x80, v4, vm0, $0xb8;
	[tilespmem:$0xE600] =	vst v63  }
0xe2: {  	s11 =	simm.s32 $0xDE00  }
0xe3: {  	[tilespmem:s11], [sflag:$0x2] =	stream.indirect_vreg.gather [hbm4b:s1+s2], $0x80, v3, vm0, $0xb8;
	[tilespmem:$0xE600] =	vst v63  }
0xe4: {  	_ =	swait.ge [sflag:s14], $0x5000  }
0xe5: {  	[sflag:s14] =	ssyncset.done $0x0  }
.Ltmp6:
0xe6: {  	[sflag:s14] =	ssyncadd.s32 $0xFFFFB000;
	(pc) =	sbr.rel .LBB2_6-.Ltmp6, $4  }
0xe7: {  	[hbm4b:s6+s2] =	stream.linear.scatter [tilespmem:s3], [sflag:$0x1], $0x5000, $0x38;
	[tilespmem:$0xE600] =	vst v63  }
0xe8: {  	_ =	swait.ge [sflag:s12], $0x5000  }
0xe9: {  	[sflag:s12] =	ssyncset.done $0x0  }
0xea: {  	[sflag:s12] =	ssyncadd.s32 $0xFFFFB000  }
.LBB2_8:
0xeb: {  	_ =	sfence.sel $0x180000  }
0xec: {  	[bflag:$0x0] =	sbarrier.arrive $0xFFFF  }
0xed: {  	_ =	strace $0x9000004A  }
0xee: {  	s0 =	stileid.u32;
	[bflag:$0x2] =	sbarrier.arrive $0xFFFF  }
0xef: {  	p0 =	sne.s32 s0, $0x0;
	s0 =	rddreg [dreg:$0x3]  }
0xf0: {  	s0 =	sadd.s32 @!p0 $0x100000, s0  }
0xf1: {  	[sflag:s0] =	ssyncadd.tile.s32 @!p0 $0x1;
	_ =	shalt  }
.Lfunc_end2:
_tile_overlayer_lowered:
.L_overlay_start_2:
0xf2: {  	(tag) =	ssettag $0x2  }
0xf3: {  	s0 =	rddreg [dreg:$0x0];
	s2 =	stileid.u32  }
0xf4: {  	s1 =	rddreg [dreg:$0x1];
	p0 =	sne.s32 s2, $0x0  }
0xf5: {  	s3 =	rddreg [dreg:$0x2];
	[bflag:$0x3] =	sbarrier.arrive $0xFFFF;
	s2 =	simm.s32 @!p0 $0x1C01  }
0xf6: {  	[timem:s3], [sflag:s2] =	dma.local @!p0 [hbm:s0], s1  }
0xf7: {  	s0 =	simm.s32 @!p0 $0x1  }
0xf8: {  	_ =	swait.ge @!p0 [sflag:s0], s1  }
0xf9: {  	s1 =	ssub.s32 @!p0 $0x0, s1;
	[sflag:s0] =	ssyncset.done @!p0 $0x0  }
0xfa: {  	[sflag:s0] =	ssyncadd.s32 @!p0 s1  }
0xfb: {  	[bflag:$0x3] =	sbarrier.arrive $0xFFFF  }
0xfc: {  	_ =	shalt  }

</sc_bundles>
